<compile_context>
chip_gen: v7x
topology: tpu7x:2x2x1
jax: 0.10.2.dev20260603
libtpu: 0.0.44.dev20260713+nightly
codegen_flags: <defaults>
</compile_context>

<pallas_src>
import functools

import jax
import jax.numpy as jnp
from jax import lax
from jax.experimental import pallas as pl
from jax.experimental.pallas import tpu as pltpu
from jax.experimental.pallas import tpu_sc as plsc

N = 10000
E = 160000
D = 256
H = 512
C = 10
G = 128
EPS = 1e-5
BNB = 1e-4

N_T = 10240
RB = 512
NRB = N_T // RB
NBATCH = 80
E_PAD = 16 * NBATCH * 128
DEG_NB = 40
G_PAD = 256
_PREC = lax.Precision.HIGHEST

@functools.cache
def _vmesh():
    return plsc.VectorSubcoreMesh(core_axis_name="c", subcore_axis_name="s")



def _bn_matmul_relu_body(x_ref, w_ref, o_ref, acc_ref):
    s = pl.program_id(0)

    @pl.when(s == 0)
    def _():
        acc_ref[...] = jnp.zeros_like(acc_ref)

    @pl.when(s < NRB)
    def _():
        xb = x_ref[...]
        rows = lax.broadcasted_iota(jnp.int32, (RB, 1), 0) + s * RB
        xm = jnp.where(rows < N, xb, 0.0)
        acc_ref[0:1, :] += jnp.sum(xm, axis=0, keepdims=True)
        acc_ref[1:2, :] += jnp.sum(xm * xm, axis=0, keepdims=True)

    @pl.when(s >= NRB)
    def _():
        xb = x_ref[...]
        m = acc_ref[0:1, :] / N
        v = acc_ref[1:2, :] / N - m * m
        r = lax.rsqrt(v + EPS)
        xbn = (xb - m) * r + BNB
        y = jnp.dot(xbn, w_ref[...], precision=_PREC,
                    preferred_element_type=jnp.float32)
        o_ref[...] = jnp.maximum(y, 0.0)


def _bn_matmul_relu(x, w):
    din = x.shape[1]
    return pl.pallas_call(
        _bn_matmul_relu_body,
        grid=(2 * NRB,),
        in_specs=[
            pl.BlockSpec((RB, din), lambda s: (jnp.where(s < NRB, s, s - NRB), 0)),
            pl.BlockSpec((din, H), lambda s: (0, 0)),
        ],
        out_specs=pl.BlockSpec((RB, H), lambda s: (jnp.where(s < NRB, 0, s - NRB), 0)),
        out_shape=jax.ShapeDtypeStruct((N_T, H), jnp.float32),
        scratch_shapes=[pltpu.VMEM((2, din), jnp.float32)],
    )(x, w)


def _bn_matmul_scale_body(x_ref, w_ref, dinv_ref, o_ref, acc_ref):
    s = pl.program_id(0)

    @pl.when(s == 0)
    def _():
        acc_ref[...] = jnp.zeros_like(acc_ref)

    @pl.when(s < NRB)
    def _():
        xb = x_ref[...]
        rows = lax.broadcasted_iota(jnp.int32, (RB, 1), 0) + s * RB
        xm = jnp.where(rows < N, xb, 0.0)
        acc_ref[0:1, :] += jnp.sum(xm, axis=0, keepdims=True)
        acc_ref[1:2, :] += jnp.sum(xm * xm, axis=0, keepdims=True)

    @pl.when(s >= NRB)
    def _():
        xb = x_ref[...]
        m = acc_ref[0:1, :] / N
        v = acc_ref[1:2, :] / N - m * m
        r = lax.rsqrt(v + EPS)
        xbn = (xb - m) * r + BNB
        y = jnp.dot(xbn, w_ref[...], precision=_PREC,
                    preferred_element_type=jnp.float32)
        t = y * dinv_ref[:, 0:1]
        for c in range(4):
            o_ref[c] = t[:, c * 128:(c + 1) * 128]


def _bn_matmul_scale(x, w, dinv):
    return pl.pallas_call(
        _bn_matmul_scale_body,
        grid=(2 * NRB,),
        in_specs=[
            pl.BlockSpec((RB, H), lambda s: (jnp.where(s < NRB, s, s - NRB), 0)),
            pl.BlockSpec((H, H), lambda s: (0, 0)),
            pl.BlockSpec((RB, 128), lambda s: (jnp.where(s < NRB, 0, s - NRB), 0)),
        ],
        out_specs=pl.BlockSpec(
            (4, RB, 128), lambda s: (0, jnp.where(s < NRB, 0, s - NRB), 0)),
        out_shape=jax.ShapeDtypeStruct((4, N_T, 128), jnp.float32),
        scratch_shapes=[pltpu.VMEM((2, H), jnp.float32)],
    )(x, w, dinv)


def _combine_body(agg_ref, xwp_ref, dinv_ref, b_ref, o_ref):
    dv = dinv_ref[:, 0:1]
    for c in range(4):
        t = dv * (agg_ref[c] + xwp_ref[c]) + b_ref[0:1, c * 128:(c + 1) * 128]
        o_ref[:, c * 128:(c + 1) * 128] = jnp.maximum(t, 0.0)


def _combine(agg, xwp, dinv, b):
    return pl.pallas_call(
        _combine_body,
        grid=(NRB,),
        in_specs=[
            pl.BlockSpec((4, RB, 128), lambda s: (0, s, 0)),
            pl.BlockSpec((4, RB, 128), lambda s: (0, s, 0)),
            pl.BlockSpec((RB, 128), lambda s: (s, 0)),
            pl.BlockSpec((1, H), lambda s: (0, 0)),
        ],
        out_specs=pl.BlockSpec((RB, H), lambda s: (s, 0)),
        out_shape=jax.ShapeDtypeStruct((N_T, H), jnp.float32),
    )(agg, xwp, dinv, b)


def _dinv_body(dacc_ref, o_ref):
    deg = dacc_ref[0, :, 0:1] + dacc_ref[1, :, 0:1] + 1.0
    o_ref[...] = jnp.broadcast_to(lax.rsqrt(deg), (RB, 128))


def _dinv(dacc):
    return pl.pallas_call(
        _dinv_body,
        grid=(NRB,),
        in_specs=[pl.BlockSpec((2, RB, 128), lambda s: (0, s, 0))],
        out_specs=pl.BlockSpec((RB, 128), lambda s: (s, 0)),
        out_shape=jax.ShapeDtypeStruct((N_T, 128), jnp.float32),
    )(dacc)


def _pool_body(x_ref, b_ref, o_ref, acc_ref):
    s = pl.program_id(0)

    @pl.when(s == 0)
    def _():
        acc_ref[...] = jnp.zeros_like(acc_ref)

    pb = (b_ref[...] == lax.broadcasted_iota(jnp.int32, (1, G), 1)
          ).astype(jnp.float32)
    acc_ref[...] += lax.dot_general(
        pb, x_ref[...], (((0,), (0,)), ((), ())), precision=_PREC,
        preferred_element_type=jnp.float32)

    @pl.when(s == NRB - 1)
    def _():
        o_ref[...] = acc_ref[...]


def _pool_tc(x3, batch2d):
    return pl.pallas_call(
        _pool_body,
        grid=(NRB,),
        in_specs=[
            pl.BlockSpec((RB, H), lambda s: (s, 0)),
            pl.BlockSpec((RB, 1), lambda s: (s, 0)),
        ],
        out_specs=pl.BlockSpec((G, H), lambda s: (0, 0)),
        out_shape=jax.ShapeDtypeStruct((G, H), jnp.float32),
        scratch_shapes=[pltpu.VMEM((G, H), jnp.float32)],
    )(x3, batch2d)


def _head_body(g_ref, lw_ref, lb_ref, cw_ref, cb_ref, o_ref):
    g = g_ref[...]
    m = jnp.mean(g, axis=0, keepdims=True)
    v = jnp.mean((g - m) ** 2, axis=0, keepdims=True)
    g = (g - m) * lax.rsqrt(v + EPS) + BNB
    h = jnp.dot(g, lw_ref[...], precision=_PREC,
                preferred_element_type=jnp.float32) + lb_ref[...]
    h = jnp.maximum(h, 0.0)
    m2 = jnp.mean(h, axis=0, keepdims=True)
    v2 = jnp.mean((h - m2) ** 2, axis=0, keepdims=True)
    h = (h - m2) * lax.rsqrt(v2 + EPS) + BNB
    o = jnp.dot(h, cw_ref[...], precision=_PREC,
                preferred_element_type=jnp.float32) + cb_ref[...]
    mx = jnp.max(o, axis=-1, keepdims=True)
    z = o - mx
    o_ref[...] = z - jnp.log(jnp.sum(jnp.exp(z), axis=-1, keepdims=True))


def _head(gacc, lw, lb, cw, cb):
    return pl.pallas_call(
        _head_body,
        out_shape=jax.ShapeDtypeStruct((G, C), jnp.float32),
    )(gacc, lw, lb, cw, cb)



def _deg_sc(didx, ones128, zeros):
    @functools.partial(
        pl.kernel,
        out_type=jax.ShapeDtypeStruct((2, N_T, 128), jnp.float32),
        mesh=_vmesh(),
        scratch_types=[
            pltpu.VMEM((128,), jnp.int32),
            pltpu.VMEM((128, 128), jnp.float32),
            pltpu.VMEM_SHARED((N_T, 128), jnp.float32),
            pltpu.SemaphoreType.DMA,
        ],
    )
    def deg_kernel(didx_hbm, ones_hbm, zeros_hbm, out_hbm,
                   didx_v, ones_v, acc, sem):
        cid = lax.axis_index("c")
        sid = lax.axis_index("s")
        base = (cid * 16 + sid) * (DEG_NB * 128)
        pltpu.sync_copy(ones_hbm, ones_v)
        pltpu.sync_copy(zeros_hbm, acc.at[pl.ds(sid * 640, 640)])
        plsc.subcore_barrier()

        @pl.loop(0, DEG_NB)
        def _(b):
            pltpu.async_copy(didx_hbm.at[pl.ds(base + b * 128, 128)],
                             didx_v, sem).wait()
            pltpu.sync_copy(ones_v, acc.at[didx_v], add=True)

        plsc.subcore_barrier()
        pltpu.sync_copy(acc.at[pl.ds(sid * 640, 640)],
                        out_hbm.at[cid, pl.ds(sid * 640, 640)])

    return deg_kernel(didx, ones128, zeros)


def _msg_sc(table, gidx, sidx, zeros):
    @functools.partial(
        pl.kernel,
        out_type=jax.ShapeDtypeStruct((4, N_T, 128), jnp.float32),
        mesh=_vmesh(),
        scratch_types=[
            pltpu.VMEM((128,), jnp.int32),
            pltpu.VMEM((128,), jnp.int32),
            pltpu.VMEM((128,), jnp.int32),
            pltpu.VMEM((128,), jnp.int32),
            pltpu.VMEM((128, 128), jnp.float32),
            pltpu.VMEM((128, 128), jnp.float32),
            pltpu.VMEM_SHARED((N_T, 128), jnp.float32),
            pltpu.SemaphoreType.DMA,
            pltpu.SemaphoreType.DMA,
            pltpu.SemaphoreType.DMA,
            pltpu.SemaphoreType.DMA,
        ],
    )
    def msg_kernel(table_hbm, gidx_hbm, sidx_hbm, zeros_hbm, out_hbm,
                   gib0, gib1, sib0, sib1, rows0, rows1, acc,
                   sem0, sem1, isem0, isem1):
        cid = lax.axis_index("c")
        sid = lax.axis_index("s")
        sbase = sid * (NBATCH * 128)
        for ci in range(2):
            c = cid * 2 + ci
            gbase = (c * 16 + sid) * (NBATCH * 128)
            pltpu.async_copy(gidx_hbm.at[pl.ds(gbase, 128)], gib0, isem0)
            pltpu.async_copy(sidx_hbm.at[pl.ds(sbase, 128)], sib0, isem0)
            pltpu.async_copy(gidx_hbm.at[pl.ds(gbase + 128, 128)], gib1, isem1)
            pltpu.async_copy(sidx_hbm.at[pl.ds(sbase + 128, 128)], sib1, isem1)
            pltpu.sync_copy(zeros_hbm, acc.at[pl.ds(sid * 640, 640)])
            plsc.subcore_barrier()
            pltpu.make_async_copy(gidx_hbm.at[pl.ds(gbase, 128)],
                                  gib0, isem0).wait()
            pltpu.make_async_copy(sidx_hbm.at[pl.ds(sbase, 128)],
                                  sib0, isem0).wait()
            pltpu.async_copy(table_hbm.at[gib0], rows0, sem0)

            @pl.loop(0, NBATCH, step=2)
            def _(b):
                pltpu.make_async_copy(gidx_hbm.at[pl.ds(gbase, 128)],
                                      gib1, isem1).wait()
                pltpu.make_async_copy(sidx_hbm.at[pl.ds(sbase, 128)],
                                      sib1, isem1).wait()
                pltpu.async_copy(table_hbm.at[gib1], rows1, sem1)
                pltpu.make_async_copy(table_hbm.at[gib0], rows0, sem0).wait()
                pltpu.sync_copy(rows0, acc.at[sib0], add=True)

                @pl.when(b + 2 < NBATCH)
                def _():
                    off = (b + 2) * 128
                    pltpu.async_copy(
                        gidx_hbm.at[pl.ds(gbase + off, 128)], gib0, isem0)
                    pltpu.async_copy(
                        sidx_hbm.at[pl.ds(sbase + off, 128)], sib0, isem0)

                pltpu.make_async_copy(table_hbm.at[gib1], rows1, sem1).wait()
                pltpu.sync_copy(rows1, acc.at[sib1], add=True)

                @pl.when(b + 2 < NBATCH)
                def _():
                    off = (b + 2) * 128
                    pltpu.make_async_copy(
                        gidx_hbm.at[pl.ds(gbase + off, 128)],
                        gib0, isem0).wait()
                    pltpu.make_async_copy(
                        sidx_hbm.at[pl.ds(sbase + off, 128)],
                        sib0, isem0).wait()
                    pltpu.async_copy(table_hbm.at[gib0], rows0, sem0)

                @pl.when(b + 3 < NBATCH)
                def _():
                    off = (b + 3) * 128
                    pltpu.async_copy(
                        gidx_hbm.at[pl.ds(gbase + off, 128)], gib1, isem1)
                    pltpu.async_copy(
                        sidx_hbm.at[pl.ds(sbase + off, 128)], sib1, isem1)

            plsc.subcore_barrier()
            pltpu.sync_copy(acc.at[pl.ds(sid * 640, 640)],
                            out_hbm.at[c, pl.ds(sid * 640, 640)])

    return msg_kernel(table, gidx, sidx, zeros)



def kernel(x, edge_index, batch, W_feat, Ws, bs, lin_W, lin_b, cls_W, cls_b):
    f32 = jnp.float32
    x = x.astype(f32)
    row = edge_index[0].astype(jnp.int32)
    col = edge_index[1].astype(jnp.int32)
    pad = E_PAD - E

    rowg = jnp.concatenate([row, jnp.zeros((pad,), jnp.int32)])
    gidx = (rowg.reshape(1, E_PAD)
            + (jnp.arange(4, dtype=jnp.int32) * N_T).reshape(4, 1)
            ).reshape(4 * E_PAD)
    sidx = jnp.concatenate([col, jnp.full((pad,), N, jnp.int32)])
    didx = jnp.concatenate([row, jnp.full((pad,), N, jnp.int32)])
    bidx = jnp.concatenate(
        [batch.astype(jnp.int32),
         jnp.full((N_T - N,), G, jnp.int32)]).reshape(N_T, 1)
    zeros640 = jnp.zeros((640, 128), f32)
    ones128 = jnp.ones((128, 128), f32)
    xpad = jnp.pad(x, ((0, N_T - N), (0, 0)))

    dacc = _deg_sc(didx, ones128, zeros640)
    dinv = _dinv(dacc)
    cur = _bn_matmul_relu(xpad, W_feat)
    for i in range(3):
        xwp = _bn_matmul_scale(cur, Ws[i], dinv)
        agg = _msg_sc(xwp.reshape(4 * N_T, 128), gidx, sidx, zeros640)
        cur = _combine(agg, xwp, dinv, bs[i].reshape(1, H))
    g = _pool_tc(cur, bidx)
    return _head(g, lin_W, lin_b.reshape(1, H), cls_W, cls_b.reshape(1, C))

# --- scband reference (transcript-rebuilt; emitter-appended) ---
"""Pipeline reference for scband-gcnnet-41721312313873 (READ-ONLY COPY).

The authoritative reference and input builder live on the scoring server;
editing this copy changes nothing except your own understanding.
"""

import jax, jax.numpy as jnp
import numpy as np

N = 10000
E = 160000
D = 256
H = 512
C = 10
G = 128
EPS = 1e-5


def batch_norm(x):
    # BatchNorm1d in training mode: batch stats, weight=1, bias=1e-4 (per init)
    m = x.mean(axis=0)
    v = ((x - m) ** 2).mean(axis=0)
    return (x - m) / jnp.sqrt(v + EPS) * 1.0 + 1e-4


def setup_inputs(seed: int = 0) -> dict:
    key = jax.random.key(seed)
    ks = jax.random.split(key, 12)
    x = jax.random.normal(ks[0], (N, D), dtype=jnp.float32)
    edge_index = jax.random.randint(ks[1], (2, E), 0, N)
    batch = jnp.sort(jax.random.randint(ks[2], (N,), 0, G))
    W_feat = jax.random.normal(ks[3], (D, H), dtype=jnp.float32) * (1.0 / np.sqrt(D))
    Ws = jax.random.normal(ks[4], (3, H, H), dtype=jnp.float32) * (1.0 / np.sqrt(H))
    bs = jnp.zeros((3, H), dtype=jnp.float32)
    lin_W = jax.random.normal(ks[5], (H, H), dtype=jnp.float32) * (1.0 / np.sqrt(H))
    lin_b = jnp.zeros((H,), dtype=jnp.float32)
    cls_W = jax.random.normal(ks[6], (H, C), dtype=jnp.float32) * (1.0 / np.sqrt(H))
    cls_b = jnp.zeros((C,), dtype=jnp.float32)
    return {"x": x, "edge_index": edge_index, "batch": batch, "W_feat": W_feat,
            "Ws": Ws, "bs": bs, "lin_W": lin_W, "lin_b": lin_b,
            "cls_W": cls_W, "cls_b": cls_b}


def reference(x, edge_index, batch, W_feat, Ws, bs, lin_W, lin_b, cls_W, cls_b):
    x = x.astype(jnp.float32)
    # bn_feat
    x = batch_norm(x)
    # conv_feat: GCNConv with gfn=True -> pure linear (no bias added on gfn path)
    x = jax.nn.relu(x @ W_feat)
    # GCN normalization with self-loops (edge_norm=True), shared across convs
    loop = jnp.arange(N)
    row = jnp.concatenate([edge_index[0], loop])
    col = jnp.concatenate([edge_index[1], loop])
    ew = jnp.ones((E + N,), dtype=jnp.float32)
    deg = jnp.zeros((N,), dtype=jnp.float32).at[row].add(ew)
    dinv = jnp.where(deg > 0, deg ** -0.5, 0.0)
    norm = dinv[row] * ew * dinv[col]
    for i in range(3):
        x = batch_norm(x)
        xw = x @ Ws[i]
        msg = norm[:, None] * xw[row]
        agg = jnp.zeros((N, H), dtype=jnp.float32).at[col].add(msg)
        x = jax.nn.relu(agg + bs[i])
    # global_add_pool
    g = jax.ops.segment_sum(x, batch, num_segments=G)
    # fc block (num_fc_layers=2 -> one bn+lin)
    g = batch_norm(g)
    g = jax.nn.relu(g @ lin_W + lin_b)
    g = batch_norm(g)
    g = g @ cls_W + cls_b
    return jax.nn.log_softmax(g, axis=-1)

if __name__ == "__main__":
    import jax
    _d = setup_inputs()
    print(jax.jit(kernel)(*tuple(_d.values())))

</pallas_src>

<mosaic_0001>
#map = affine_map<(d0, d1) -> (0, 0)>
#map1 = affine_map<(d0, d1) -> (0)>
#map2 = affine_map<(d0, d1) -> (0, 0, 0)>
module attributes {stable_mosaic.version = 14 : i64} {
  func.func @msg_kernel(%arg0: i32, %arg1: i32, %arg2: memref<40960x128xf32, #tpu.memory_space<hbm>>, %arg3: memref<655360xi32, #tpu.memory_space<hbm>>, %arg4: memref<163840xi32, #tpu.memory_space<hbm>>, %arg5: memref<640x128xf32, #tpu.memory_space<hbm>>, %arg6: memref<4x10240x128xf32, #tpu.memory_space<hbm>>, %arg7: memref<128xi32, #tpu.memory_space<vmem>>, %arg8: memref<128xi32, #tpu.memory_space<vmem>>, %arg9: memref<128xi32, #tpu.memory_space<vmem>>, %arg10: memref<128xi32, #tpu.memory_space<vmem>>, %arg11: memref<128x128xf32, #tpu.memory_space<vmem>>, %arg12: memref<128x128xf32, #tpu.memory_space<vmem>>, %arg13: memref<10240x128xf32, #tpu.memory_space<vmem_shared>>, %arg14: memref<!tpu.dma_semaphore, #tpu.memory_space<semaphore_mem>>, %arg15: memref<!tpu.dma_semaphore, #tpu.memory_space<semaphore_mem>>, %arg16: memref<!tpu.dma_semaphore, #tpu.memory_space<semaphore_mem>>, %arg17: memref<!tpu.dma_semaphore, #tpu.memory_space<semaphore_mem>>) attributes {dimension_semantics = [#tpu.dimension_semantics<core_parallel>, #tpu.dimension_semantics<subcore_parallel>], iteration_bounds = array<i64: 2, 16>, scalar_prefetch = 0 : i64, scratch_operands = 11 : i64, tpu.core_type = #tpu.core_type<sc_vector_subcore>, window_params = [{transform_indices = #map}, {transform_indices = #map1}, {transform_indices = #map1}, {transform_indices = #map}, {transform_indices = #map2}]} {
    %mul3A = arith.constant 10240 : i32
    %mul3A_0 = arith.muli %arg1, %mul3A : i32
    %mul3A_1 = arith.constant 2 : i32
    %mul3A_2 = arith.muli %arg0, %mul3A_1 : i32
    %add3A = arith.constant 0 : i32
    %add3A_3 = arith.addi %mul3A_2, %add3A : i32
    %mul3A_4 = arith.constant 16 : i32
    %mul3A_5 = arith.muli %add3A_3, %mul3A_4 : i32
    %add3A_6 = arith.addi %mul3A_5, %arg1 : i32
    %mul3A_7 = arith.constant 10240 : i32
    %mul3A_8 = arith.muli %add3A_6, %mul3A_7 : i32
    %dma_start3A = tpu.memref_slice %arg3[%mul3A_8] : memref<655360xi32, #tpu.memory_space<hbm>> -> memref<128xi32, #tpu.memory_space<hbm>>
    %dma_start3A_9 = tpu.memref_slice %arg3[%mul3A_8] : memref<655360xi32, #tpu.memory_space<hbm>> -> memref<128xi32, #tpu.memory_space<hbm>>
    tpu.enqueue_dma source(%dma_start3A_9 : memref<128xi32, #tpu.memory_space<hbm>>) target(%arg7 : memref<128xi32, #tpu.memory_space<vmem>>) target_semaphore(%arg16 : memref<!tpu.dma_semaphore, #tpu.memory_space<semaphore_mem>>)
    %dma_start3A_10 = tpu.memref_slice %arg4[%mul3A_0] : memref<163840xi32, #tpu.memory_space<hbm>> -> memref<128xi32, #tpu.memory_space<hbm>>
    %dma_start3A_11 = tpu.memref_slice %arg4[%mul3A_0] : memref<163840xi32, #tpu.memory_space<hbm>> -> memref<128xi32, #tpu.memory_space<hbm>>
    tpu.enqueue_dma source(%dma_start3A_11 : memref<128xi32, #tpu.memory_space<hbm>>) target(%arg9 : memref<128xi32, #tpu.memory_space<vmem>>) target_semaphore(%arg16 : memref<!tpu.dma_semaphore, #tpu.memory_space<semaphore_mem>>)
    %add3A_12 = arith.constant 128 : i32
    %add3A_13 = arith.addi %mul3A_8, %add3A_12 : i32
    %dma_start3A_14 = tpu.memref_slice %arg3[%add3A_13] : memref<655360xi32, #tpu.memory_space<hbm>> -> memref<128xi32, #tpu.memory_space<hbm>>
    %dma_start3A_15 = tpu.memref_slice %arg3[%add3A_13] : memref<655360xi32, #tpu.memory_space<hbm>> -> memref<128xi32, #tpu.memory_space<hbm>>
    tpu.enqueue_dma source(%dma_start3A_15 : memref<128xi32, #tpu.memory_space<hbm>>) target(%arg8 : memref<128xi32, #tpu.memory_space<vmem>>) target_semaphore(%arg17 : memref<!tpu.dma_semaphore, #tpu.memory_space<semaphore_mem>>)
    %add3A_16 = arith.constant 128 : i32
    %add3A_17 = arith.addi %mul3A_0, %add3A_16 : i32
    %dma_start3A_18 = tpu.memref_slice %arg4[%add3A_17] : memref<163840xi32, #tpu.memory_space<hbm>> -> memref<128xi32, #tpu.memory_space<hbm>>
    %dma_start3A_19 = tpu.memref_slice %arg4[%add3A_17] : memref<163840xi32, #tpu.memory_space<hbm>> -> memref<128xi32, #tpu.memory_space<hbm>>
    tpu.enqueue_dma source(%dma_start3A_19 : memref<128xi32, #tpu.memory_space<hbm>>) target(%arg10 : memref<128xi32, #tpu.memory_space<vmem>>) target_semaphore(%arg17 : memref<!tpu.dma_semaphore, #tpu.memory_space<semaphore_mem>>)
    %mul3A_20 = arith.constant 640 : i32
    %mul3A_21 = arith.muli %arg1, %mul3A_20 : i32
    "tpu.region"() ({
      %run_scoped3A = tpu.sem_alloc : memref<!tpu.dma_semaphore, #tpu.memory_space<semaphore_mem>>
      %dma_start3A_78 = arith.constant 0 : i32
      %dma_start3A_79 = tpu.memref_slice %arg13[%mul3A_21, %dma_start3A_78] : memref<10240x128xf32, #tpu.memory_space<vmem_shared>> -> memref<640x128xf32, #tpu.memory_space<vmem_shared>>
      tpu.enqueue_dma source(%arg5 : memref<640x128xf32, #tpu.memory_space<hbm>>) target(%dma_start3A_79 : memref<640x128xf32, #tpu.memory_space<vmem_shared>>) target_semaphore(%run_scoped3A : memref<!tpu.dma_semaphore, #tpu.memory_space<semaphore_mem>>)
      %dma_wait3A_80 = arith.constant 0 : i32
      %dma_wait3A_81 = tpu.memref_slice %arg13[%mul3A_21, %dma_wait3A_80] : memref<10240x128xf32, #tpu.memory_space<vmem_shared>> -> memref<640x128xf32, #tpu.memory_space<vmem_shared>>
      tpu.wait_dma2 semaphore(%run_scoped3A : memref<!tpu.dma_semaphore, #tpu.memory_space<semaphore_mem>>) src(%arg5 : memref<640x128xf32, #tpu.memory_space<hbm>>) dst(%dma_wait3A_81 : memref<640x128xf32, #tpu.memory_space<vmem_shared>>)
      tpu.yield
    }) : () -> ()
    %barrier3A = arith.constant 0 : index
    tpu.barrier barrier_id(%barrier3A)
    %dma_wait3A = tpu.memref_slice %arg3[%mul3A_8] : memref<655360xi32, #tpu.memory_space<hbm>> -> memref<128xi32, #tpu.memory_space<hbm>>
    %dma_wait3A_22 = tpu.memref_slice %arg3[%mul3A_8] : memref<655360xi32, #tpu.memory_space<hbm>> -> memref<128xi32, #tpu.memory_space<hbm>>
    tpu.wait_dma2 semaphore(%arg16 : memref<!tpu.dma_semaphore, #tpu.memory_space<semaphore_mem>>) src(%dma_wait3A_22 : memref<128xi32, #tpu.memory_space<hbm>>) dst(%arg7 : memref<128xi32, #tpu.memory_space<vmem>>)
    %dma_wait3A_23 = tpu.memref_slice %arg4[%mul3A_0] : memref<163840xi32, #tpu.memory_space<hbm>> -> memref<128xi32, #tpu.memory_space<hbm>>
    %dma_wait3A_24 = tpu.memref_slice %arg4[%mul3A_0] : memref<163840xi32, #tpu.memory_space<hbm>> -> memref<128xi32, #tpu.memory_space<hbm>>
    tpu.wait_dma2 semaphore(%arg16 : memref<!tpu.dma_semaphore, #tpu.memory_space<semaphore_mem>>) src(%dma_wait3A_24 : memref<128xi32, #tpu.memory_space<hbm>>) dst(%arg9 : memref<128xi32, #tpu.memory_space<vmem>>)
    %dma_start3A_25 = arith.constant 0 : i32
    %dma_start3A_26 = arith.constant 0 : i32
    %dma_start3A_27 = tpu.memref_slice %arg2[%dma_start3A_25, %dma_start3A_26] : memref<40960x128xf32, #tpu.memory_space<hbm>> -> memref<40960x128xf32, #tpu.memory_space<hbm>>
    tpu.enqueue_indirect_dma source(%dma_start3A_27 : memref<40960x128xf32, #tpu.memory_space<hbm>>) target(%arg11 : memref<128x128xf32, #tpu.memory_space<vmem>>) offsets(%arg7 : memref<128xi32, #tpu.memory_space<vmem>>) semaphore(%arg14 : memref<!tpu.dma_semaphore, #tpu.memory_space<semaphore_mem>>)
    %scan3A = arith.constant 0 : i32
    %scan3A_28 = arith.constant 40 : i32
    %scan3A_29 = arith.addi %scan3A, %scan3A_28 : i32
    %scan3A_30 = arith.constant 1 : i32
    scf.for %scan3A_78 = %scan3A to %scan3A_29 step %scan3A_30  : i32 {
      %mul3A_79 = arith.constant 2 : i32
      %mul3A_80 = arith.muli %scan3A_78, %mul3A_79 : i32
      %add3A_81 = arith.constant 0 : i32
      %add3A_82 = arith.addi %add3A_81, %mul3A_80 : i32
      %dma_wait3A_83 = tpu.memref_slice %arg3[%mul3A_8] : memref<655360xi32, #tpu.memory_space<hbm>> -> memref<128xi32, #tpu.memory_space<hbm>>
      %dma_wait3A_84 = tpu.memref_slice %arg3[%mul3A_8] : memref<655360xi32, #tpu.memory_space<hbm>> -> memref<128xi32, #tpu.memory_space<hbm>>
      tpu.wait_dma2 semaphore(%arg17 : memref<!tpu.dma_semaphore, #tpu.memory_space<semaphore_mem>>) src(%dma_wait3A_84 : memref<128xi32, #tpu.memory_space<hbm>>) dst(%arg8 : memref<128xi32, #tpu.memory_space<vmem>>)
      %dma_wait3A_85 = tpu.memref_slice %arg4[%mul3A_0] : memref<163840xi32, #tpu.memory_space<hbm>> -> memref<128xi32, #tpu.memory_space<hbm>>
      %dma_wait3A_86 = tpu.memref_slice %arg4[%mul3A_0] : memref<163840xi32, #tpu.memory_space<hbm>> -> memref<128xi32, #tpu.memory_space<hbm>>
      tpu.wait_dma2 semaphore(%arg17 : memref<!tpu.dma_semaphore, #tpu.memory_space<semaphore_mem>>) src(%dma_wait3A_86 : memref<128xi32, #tpu.memory_space<hbm>>) dst(%arg10 : memref<128xi32, #tpu.memory_space<vmem>>)
      %dma_start3A_87 = arith.constant 0 : i32
      %dma_start3A_88 = arith.constant 0 : i32
      %dma_start3A_89 = tpu.memref_slice %arg2[%dma_start3A_87, %dma_start3A_88] : memref<40960x128xf32, #tpu.memory_space<hbm>> -> memref<40960x128xf32, #tpu.memory_space<hbm>>
      tpu.enqueue_indirect_dma source(%dma_start3A_89 : memref<40960x128xf32, #tpu.memory_space<hbm>>) target(%arg12 : memref<128x128xf32, #tpu.memory_space<vmem>>) offsets(%arg8 : memref<128xi32, #tpu.memory_space<vmem>>) semaphore(%arg15 : memref<!tpu.dma_semaphore, #tpu.memory_space<semaphore_mem>>)
      %dma_wait3A_90 = arith.constant 0 : i32
      %dma_wait3A_91 = arith.constant 0 : i32
      %dma_wait3A_92 = tpu.memref_slice %arg2[%dma_wait3A_90, %dma_wait3A_91] : memref<40960x128xf32, #tpu.memory_space<hbm>> -> memref<40960x128xf32, #tpu.memory_space<hbm>>
      tpu.wait_indirect_dma semaphore(%arg14 : memref<!tpu.dma_semaphore, #tpu.memory_space<semaphore_mem>>) src(%dma_wait3A_92 : memref<40960x128xf32, #tpu.memory_space<hbm>>) dst(%arg11 : memref<128x128xf32, #tpu.memory_space<vmem>>)
      "tpu.region"() ({
        %run_scoped3A = tpu.sem_alloc : memref<!tpu.dma_semaphore, #tpu.memory_space<semaphore_mem>>
        %dma_start3A_114 = arith.constant 0 : i32
        %dma_start3A_115 = arith.constant 0 : i32
        %dma_start3A_116 = tpu.memref_slice %arg13[%dma_start3A_114, %dma_start3A_115] : memref<10240x128xf32, #tpu.memory_space<vmem_shared>> -> memref<10240x128xf32, #tpu.memory_space<vmem_shared>>
        tpu.enqueue_indirect_dma source(%arg11 : memref<128x128xf32, #tpu.memory_space<vmem>>) target(%dma_start3A_116 : memref<10240x128xf32, #tpu.memory_space<vmem_shared>>) offsets(%arg9 : memref<128xi32, #tpu.memory_space<vmem>>) semaphore(%run_scoped3A : memref<!tpu.dma_semaphore, #tpu.memory_space<semaphore_mem>>) {add = true}
        %dma_wait3A_117 = arith.constant 0 : i32
        %dma_wait3A_118 = arith.constant 0 : i32
        %dma_wait3A_119 = tpu.memref_slice %arg13[%dma_wait3A_117, %dma_wait3A_118] : memref<10240x128xf32, #tpu.memory_space<vmem_shared>> -> memref<10240x128xf32, #tpu.memory_space<vmem_shared>>
        tpu.wait_indirect_dma semaphore(%run_scoped3A : memref<!tpu.dma_semaphore, #tpu.memory_space<semaphore_mem>>) src(%arg11 : memref<128x128xf32, #tpu.memory_space<vmem>>) dst(%dma_wait3A_119 : memref<10240x128xf32, #tpu.memory_space<vmem_shared>>)
        tpu.yield
      }) : () -> ()
      %add3A_93 = arith.constant 2 : i32
      %add3A_94 = arith.addi %add3A_82, %add3A_93 : i32
      %lt3A = arith.constant 80 : i32
      %lt3A_95 = arith.cmpi slt, %add3A_94, %lt3A : i32
      %convert_element_type3A = arith.extui %lt3A_95 : i1 to i32
      %cond3A = arith.constant 0 : i32
      %cond3A_96 = arith.cmpi ne, %convert_element_type3A, %cond3A : i32
      scf.if %cond3A_96 {
        %add3A_114 = arith.constant 2 : i32
        %add3A_115 = arith.addi %add3A_82, %add3A_114 : i32
        %mul3A_116 = arith.constant 128 : i32
        %mul3A_117 = arith.muli %add3A_115, %mul3A_116 : i32
        %add3A_118 = arith.addi %mul3A_8, %mul3A_117 : i32
        %dma_start3A_119 = tpu.memref_slice %arg3[%add3A_118] : memref<655360xi32, #tpu.memory_space<hbm>> -> memref<128xi32, #tpu.memory_space<hbm>>
        %dma_start3A_120 = tpu.memref_slice %arg3[%add3A_118] : memref<655360xi32, #tpu.memory_space<hbm>> -> memref<128xi32, #tpu.memory_space<hbm>>
        tpu.enqueue_dma source(%dma_start3A_120 : memref<128xi32, #tpu.memory_space<hbm>>) target(%arg7 : memref<128xi32, #tpu.memory_space<vmem>>) target_semaphore(%arg16 : memref<!tpu.dma_semaphore, #tpu.memory_space<semaphore_mem>>)
        %add3A_121 = arith.addi %mul3A_0, %mul3A_117 : i32
        %dma_start3A_122 = tpu.memref_slice %arg4[%add3A_121] : memref<163840xi32, #tpu.memory_space<hbm>> -> memref<128xi32, #tpu.memory_space<hbm>>
        %dma_start3A_123 = tpu.memref_slice %arg4[%add3A_121] : memref<163840xi32, #tpu.memory_space<hbm>> -> memref<128xi32, #tpu.memory_space<hbm>>
        tpu.enqueue_dma source(%dma_start3A_123 : memref<128xi32, #tpu.memory_space<hbm>>) target(%arg9 : memref<128xi32, #tpu.memory_space<vmem>>) target_semaphore(%arg16 : memref<!tpu.dma_semaphore, #tpu.memory_space<semaphore_mem>>)
      } else {
      }
      %dma_wait3A_97 = arith.constant 0 : i32
      %dma_wait3A_98 = arith.constant 0 : i32
      %dma_wait3A_99 = tpu.memref_slice %arg2[%dma_wait3A_97, %dma_wait3A_98] : memref<40960x128xf32, #tpu.memory_space<hbm>> -> memref<40960x128xf32, #tpu.memory_space<hbm>>
      tpu.wait_indirect_dma semaphore(%arg15 : memref<!tpu.dma_semaphore, #tpu.memory_space<semaphore_mem>>) src(%dma_wait3A_99 : memref<40960x128xf32, #tpu.memory_space<hbm>>) dst(%arg12 : memref<128x128xf32, #tpu.memory_space<vmem>>)
      "tpu.region"() ({
        %run_scoped3A = tpu.sem_alloc : memref<!tpu.dma_semaphore, #tpu.memory_space<semaphore_mem>>
        %dma_start3A_114 = arith.constant 0 : i32
        %dma_start3A_115 = arith.constant 0 : i32
        %dma_start3A_116 = tpu.memref_slice %arg13[%dma_start3A_114, %dma_start3A_115] : memref<10240x128xf32, #tpu.memory_space<vmem_shared>> -> memref<10240x128xf32, #tpu.memory_space<vmem_shared>>
        tpu.enqueue_indirect_dma source(%arg12 : memref<128x128xf32, #tpu.memory_space<vmem>>) target(%dma_start3A_116 : memref<10240x128xf32, #tpu.memory_space<vmem_shared>>) offsets(%arg10 : memref<128xi32, #tpu.memory_space<vmem>>) semaphore(%run_scoped3A : memref<!tpu.dma_semaphore, #tpu.memory_space<semaphore_mem>>) {add = true}
        %dma_wait3A_117 = arith.constant 0 : i32
        %dma_wait3A_118 = arith.constant 0 : i32
        %dma_wait3A_119 = tpu.memref_slice %arg13[%dma_wait3A_117, %dma_wait3A_118] : memref<10240x128xf32, #tpu.memory_space<vmem_shared>> -> memref<10240x128xf32, #tpu.memory_space<vmem_shared>>
        tpu.wait_indirect_dma semaphore(%run_scoped3A : memref<!tpu.dma_semaphore, #tpu.memory_space<semaphore_mem>>) src(%arg12 : memref<128x128xf32, #tpu.memory_space<vmem>>) dst(%dma_wait3A_119 : memref<10240x128xf32, #tpu.memory_space<vmem_shared>>)
        tpu.yield
      }) : () -> ()
      %add3A_100 = arith.constant 2 : i32
      %add3A_101 = arith.addi %add3A_82, %add3A_100 : i32
      %lt3A_102 = arith.constant 80 : i32
      %lt3A_103 = arith.cmpi slt, %add3A_101, %lt3A_102 : i32
      %convert_element_type3A_104 = arith.extui %lt3A_103 : i1 to i32
      %cond3A_105 = arith.constant 0 : i32
      %cond3A_106 = arith.cmpi ne, %convert_element_type3A_104, %cond3A_105 : i32
      scf.if %cond3A_106 {
        %add3A_114 = arith.constant 2 : i32
        %add3A_115 = arith.addi %add3A_82, %add3A_114 : i32
        %mul3A_116 = arith.constant 128 : i32
        %mul3A_117 = arith.muli %add3A_115, %mul3A_116 : i32
        %add3A_118 = arith.addi %mul3A_8, %mul3A_117 : i32
        %dma_wait3A_119 = tpu.memref_slice %arg3[%add3A_118] : memref<655360xi32, #tpu.memory_space<hbm>> -> memref<128xi32, #tpu.memory_space<hbm>>
        %dma_wait3A_120 = tpu.memref_slice %arg3[%add3A_118] : memref<655360xi32, #tpu.memory_space<hbm>> -> memref<128xi32, #tpu.memory_space<hbm>>
        tpu.wait_dma2 semaphore(%arg16 : memref<!tpu.dma_semaphore, #tpu.memory_space<semaphore_mem>>) src(%dma_wait3A_120 : memref<128xi32, #tpu.memory_space<hbm>>) dst(%arg7 : memref<128xi32, #tpu.memory_space<vmem>>)
        %add3A_121 = arith.addi %mul3A_0, %mul3A_117 : i32
        %dma_wait3A_122 = tpu.memref_slice %arg4[%add3A_121] : memref<163840xi32, #tpu.memory_space<hbm>> -> memref<128xi32, #tpu.memory_space<hbm>>
        %dma_wait3A_123 = tpu.memref_slice %arg4[%add3A_121] : memref<163840xi32, #tpu.memory_space<hbm>> -> memref<128xi32, #tpu.memory_space<hbm>>
        tpu.wait_dma2 semaphore(%arg16 : memref<!tpu.dma_semaphore, #tpu.memory_space<semaphore_mem>>) src(%dma_wait3A_123 : memref<128xi32, #tpu.memory_space<hbm>>) dst(%arg9 : memref<128xi32, #tpu.memory_space<vmem>>)
        %dma_start3A_124 = arith.constant 0 : i32
        %dma_start3A_125 = arith.constant 0 : i32
        %dma_start3A_126 = tpu.memref_slice %arg2[%dma_start3A_124, %dma_start3A_125] : memref<40960x128xf32, #tpu.memory_space<hbm>> -> memref<40960x128xf32, #tpu.memory_space<hbm>>
        tpu.enqueue_indirect_dma source(%dma_start3A_126 : memref<40960x128xf32, #tpu.memory_space<hbm>>) target(%arg11 : memref<128x128xf32, #tpu.memory_space<vmem>>) offsets(%arg7 : memref<128xi32, #tpu.memory_space<vmem>>) semaphore(%arg14 : memref<!tpu.dma_semaphore, #tpu.memory_space<semaphore_mem>>)
      } else {
      }
      %add3A_107 = arith.constant 3 : i32
      %add3A_108 = arith.addi %add3A_82, %add3A_107 : i32
      %lt3A_109 = arith.constant 80 : i32
      %lt3A_110 = arith.cmpi slt, %add3A_108, %lt3A_109 : i32
      %convert_element_type3A_111 = arith.extui %lt3A_110 : i1 to i32
      %cond3A_112 = arith.constant 0 : i32
      %cond3A_113 = arith.cmpi ne, %convert_element_type3A_111, %cond3A_112 : i32
      scf.if %cond3A_113 {
        %add3A_114 = arith.constant 3 : i32
        %add3A_115 = arith.addi %add3A_82, %add3A_114 : i32
        %mul3A_116 = arith.constant 128 : i32
        %mul3A_117 = arith.muli %add3A_115, %mul3A_116 : i32
        %add3A_118 = arith.addi %mul3A_8, %mul3A_117 : i32
        %dma_start3A_119 = tpu.memref_slice %arg3[%add3A_118] : memref<655360xi32, #tpu.memory_space<hbm>> -> memref<128xi32, #tpu.memory_space<hbm>>
        %dma_start3A_120 = tpu.memref_slice %arg3[%add3A_118] : memref<655360xi32, #tpu.memory_space<hbm>> -> memref<128xi32, #tpu.memory_space<hbm>>
        tpu.enqueue_dma source(%dma_start3A_120 : memref<128xi32, #tpu.memory_space<hbm>>) target(%arg8 : memref<128xi32, #tpu.memory_space<vmem>>) target_semaphore(%arg17 : memref<!tpu.dma_semaphore, #tpu.memory_space<semaphore_mem>>)
        %add3A_121 = arith.addi %mul3A_0, %mul3A_117 : i32
        %dma_start3A_122 = tpu.memref_slice %arg4[%add3A_121] : memref<163840xi32, #tpu.memory_space<hbm>> -> memref<128xi32, #tpu.memory_space<hbm>>
        %dma_start3A_123 = tpu.memref_slice %arg4[%add3A_121] : memref<163840xi32, #tpu.memory_space<hbm>> -> memref<128xi32, #tpu.memory_space<hbm>>
        tpu.enqueue_dma source(%dma_start3A_123 : memref<128xi32, #tpu.memory_space<hbm>>) target(%arg10 : memref<128xi32, #tpu.memory_space<vmem>>) target_semaphore(%arg17 : memref<!tpu.dma_semaphore, #tpu.memory_space<semaphore_mem>>)
      } else {
      }
    }
    %scan3A_31 = arith.constant 40 : i32
    %barrier3A_32 = arith.constant 0 : index
    tpu.barrier barrier_id(%barrier3A_32)
    %mul3A_33 = arith.constant 640 : i32
    %mul3A_34 = arith.muli %arg1, %mul3A_33 : i32
    %mul3A_35 = arith.constant 640 : i32
    %mul3A_36 = arith.muli %arg1, %mul3A_35 : i32
    "tpu.region"() ({
      %run_scoped3A = tpu.sem_alloc : memref<!tpu.dma_semaphore, #tpu.memory_space<semaphore_mem>>
      %dma_start3A_78 = arith.constant 0 : i32
      %dma_start3A_79 = tpu.memref_slice %arg6[%add3A_3, %mul3A_36, %dma_start3A_78] : memref<4x10240x128xf32, #tpu.memory_space<hbm>> -> memref<1x640x128xf32, #tpu.memory_space<hbm>>
      %dma_start3A_80 = tpu.memref_squeeze %dma_start3A_79 : memref<1x640x128xf32, #tpu.memory_space<hbm>> -> memref<640x128xf32, #tpu.memory_space<hbm>>
      %dma_start3A_81 = arith.constant 0 : i32
      %dma_start3A_82 = tpu.memref_slice %arg13[%mul3A_34, %dma_start3A_81] : memref<10240x128xf32, #tpu.memory_space<vmem_shared>> -> memref<640x128xf32, #tpu.memory_space<vmem_shared>>
      tpu.enqueue_dma source(%dma_start3A_82 : memref<640x128xf32, #tpu.memory_space<vmem_shared>>) target(%dma_start3A_80 : memref<640x128xf32, #tpu.memory_space<hbm>>) target_semaphore(%run_scoped3A : memref<!tpu.dma_semaphore, #tpu.memory_space<semaphore_mem>>)
      %dma_wait3A_83 = arith.constant 0 : i32
      %dma_wait3A_84 = tpu.memref_slice %arg6[%add3A_3, %mul3A_36, %dma_wait3A_83] : memref<4x10240x128xf32, #tpu.memory_space<hbm>> -> memref<1x640x128xf32, #tpu.memory_space<hbm>>
      %dma_wait3A_85 = tpu.memref_squeeze %dma_wait3A_84 : memref<1x640x128xf32, #tpu.memory_space<hbm>> -> memref<640x128xf32, #tpu.memory_space<hbm>>
      %dma_wait3A_86 = arith.constant 0 : i32
      %dma_wait3A_87 = tpu.memref_slice %arg13[%mul3A_34, %dma_wait3A_86] : memref<10240x128xf32, #tpu.memory_space<vmem_shared>> -> memref<640x128xf32, #tpu.memory_space<vmem_shared>>
      tpu.wait_dma2 semaphore(%run_scoped3A : memref<!tpu.dma_semaphore, #tpu.memory_space<semaphore_mem>>) src(%dma_wait3A_87 : memref<640x128xf32, #tpu.memory_space<vmem_shared>>) dst(%dma_wait3A_85 : memref<640x128xf32, #tpu.memory_space<hbm>>)
      tpu.yield
    }) : () -> ()
    %mul3A_37 = arith.constant 2 : i32
    %mul3A_38 = arith.muli %arg0, %mul3A_37 : i32
    %add3A_39 = arith.constant 1 : i32
    %add3A_40 = arith.addi %mul3A_38, %add3A_39 : i32
    %mul3A_41 = arith.constant 16 : i32
    %mul3A_42 = arith.muli %add3A_40, %mul3A_41 : i32
    %add3A_43 = arith.addi %mul3A_42, %arg1 : i32
    %mul3A_44 = arith.constant 10240 : i32
    %mul3A_45 = arith.muli %add3A_43, %mul3A_44 : i32
    %dma_start3A_46 = tpu.memref_slice %arg3[%mul3A_45] : memref<655360xi32, #tpu.memory_space<hbm>> -> memref<128xi32, #tpu.memory_space<hbm>>
    %dma_start3A_47 = tpu.memref_slice %arg3[%mul3A_45] : memref<655360xi32, #tpu.memory_space<hbm>> -> memref<128xi32, #tpu.memory_space<hbm>>
    tpu.enqueue_dma source(%dma_start3A_47 : memref<128xi32, #tpu.memory_space<hbm>>) target(%arg7 : memref<128xi32, #tpu.memory_space<vmem>>) target_semaphore(%arg16 : memref<!tpu.dma_semaphore, #tpu.memory_space<semaphore_mem>>)
    %dma_start3A_48 = tpu.memref_slice %arg4[%mul3A_0] : memref<163840xi32, #tpu.memory_space<hbm>> -> memref<128xi32, #tpu.memory_space<hbm>>
    %dma_start3A_49 = tpu.memref_slice %arg4[%mul3A_0] : memref<163840xi32, #tpu.memory_space<hbm>> -> memref<128xi32, #tpu.memory_space<hbm>>
    tpu.enqueue_dma source(%dma_start3A_49 : memref<128xi32, #tpu.memory_space<hbm>>) target(%arg9 : memref<128xi32, #tpu.memory_space<vmem>>) target_semaphore(%arg16 : memref<!tpu.dma_semaphore, #tpu.memory_space<semaphore_mem>>)
    %add3A_50 = arith.constant 128 : i32
    %add3A_51 = arith.addi %mul3A_45, %add3A_50 : i32
    %dma_start3A_52 = tpu.memref_slice %arg3[%add3A_51] : memref<655360xi32, #tpu.memory_space<hbm>> -> memref<128xi32, #tpu.memory_space<hbm>>
    %dma_start3A_53 = tpu.memref_slice %arg3[%add3A_51] : memref<655360xi32, #tpu.memory_space<hbm>> -> memref<128xi32, #tpu.memory_space<hbm>>
    tpu.enqueue_dma source(%dma_start3A_53 : memref<128xi32, #tpu.memory_space<hbm>>) target(%arg8 : memref<128xi32, #tpu.memory_space<vmem>>) target_semaphore(%arg17 : memref<!tpu.dma_semaphore, #tpu.memory_space<semaphore_mem>>)
    %add3A_54 = arith.constant 128 : i32
    %add3A_55 = arith.addi %mul3A_0, %add3A_54 : i32
    %dma_start3A_56 = tpu.memref_slice %arg4[%add3A_55] : memref<163840xi32, #tpu.memory_space<hbm>> -> memref<128xi32, #tpu.memory_space<hbm>>
    %dma_start3A_57 = tpu.memref_slice %arg4[%add3A_55] : memref<163840xi32, #tpu.memory_space<hbm>> -> memref<128xi32, #tpu.memory_space<hbm>>
    tpu.enqueue_dma source(%dma_start3A_57 : memref<128xi32, #tpu.memory_space<hbm>>) target(%arg10 : memref<128xi32, #tpu.memory_space<vmem>>) target_semaphore(%arg17 : memref<!tpu.dma_semaphore, #tpu.memory_space<semaphore_mem>>)
    %mul3A_58 = arith.constant 640 : i32
    %mul3A_59 = arith.muli %arg1, %mul3A_58 : i32
    "tpu.region"() ({
      %run_scoped3A = tpu.sem_alloc : memref<!tpu.dma_semaphore, #tpu.memory_space<semaphore_mem>>
      %dma_start3A_78 = arith.constant 0 : i32
      %dma_start3A_79 = tpu.memref_slice %arg13[%mul3A_59, %dma_start3A_78] : memref<10240x128xf32, #tpu.memory_space<vmem_shared>> -> memref<640x128xf32, #tpu.memory_space<vmem_shared>>
      tpu.enqueue_dma source(%arg5 : memref<640x128xf32, #tpu.memory_space<hbm>>) target(%dma_start3A_79 : memref<640x128xf32, #tpu.memory_space<vmem_shared>>) target_semaphore(%run_scoped3A : memref<!tpu.dma_semaphore, #tpu.memory_space<semaphore_mem>>)
      %dma_wait3A_80 = arith.constant 0 : i32
      %dma_wait3A_81 = tpu.memref_slice %arg13[%mul3A_59, %dma_wait3A_80] : memref<10240x128xf32, #tpu.memory_space<vmem_shared>> -> memref<640x128xf32, #tpu.memory_space<vmem_shared>>
      tpu.wait_dma2 semaphore(%run_scoped3A : memref<!tpu.dma_semaphore, #tpu.memory_space<semaphore_mem>>) src(%arg5 : memref<640x128xf32, #tpu.memory_space<hbm>>) dst(%dma_wait3A_81 : memref<640x128xf32, #tpu.memory_space<vmem_shared>>)
      tpu.yield
    }) : () -> ()
    %barrier3A_60 = arith.constant 0 : index
    tpu.barrier barrier_id(%barrier3A_60)
    %dma_wait3A_61 = tpu.memref_slice %arg3[%mul3A_45] : memref<655360xi32, #tpu.memory_space<hbm>> -> memref<128xi32, #tpu.memory_space<hbm>>
    %dma_wait3A_62 = tpu.memref_slice %arg3[%mul3A_45] : memref<655360xi32, #tpu.memory_space<hbm>> -> memref<128xi32, #tpu.memory_space<hbm>>
    tpu.wait_dma2 semaphore(%arg16 : memref<!tpu.dma_semaphore, #tpu.memory_space<semaphore_mem>>) src(%dma_wait3A_62 : memref<128xi32, #tpu.memory_space<hbm>>) dst(%arg7 : memref<128xi32, #tpu.memory_space<vmem>>)
    %dma_wait3A_63 = tpu.memref_slice %arg4[%mul3A_0] : memref<163840xi32, #tpu.memory_space<hbm>> -> memref<128xi32, #tpu.memory_space<hbm>>
    %dma_wait3A_64 = tpu.memref_slice %arg4[%mul3A_0] : memref<163840xi32, #tpu.memory_space<hbm>> -> memref<128xi32, #tpu.memory_space<hbm>>
    tpu.wait_dma2 semaphore(%arg16 : memref<!tpu.dma_semaphore, #tpu.memory_space<semaphore_mem>>) src(%dma_wait3A_64 : memref<128xi32, #tpu.memory_space<hbm>>) dst(%arg9 : memref<128xi32, #tpu.memory_space<vmem>>)
    %dma_start3A_65 = arith.constant 0 : i32
    %dma_start3A_66 = arith.constant 0 : i32
    %dma_start3A_67 = tpu.memref_slice %arg2[%dma_start3A_65, %dma_start3A_66] : memref<40960x128xf32, #tpu.memory_space<hbm>> -> memref<40960x128xf32, #tpu.memory_space<hbm>>
    tpu.enqueue_indirect_dma source(%dma_start3A_67 : memref<40960x128xf32, #tpu.memory_space<hbm>>) target(%arg11 : memref<128x128xf32, #tpu.memory_space<vmem>>) offsets(%arg7 : memref<128xi32, #tpu.memory_space<vmem>>) semaphore(%arg14 : memref<!tpu.dma_semaphore, #tpu.memory_space<semaphore_mem>>)
    %scan3A_68 = arith.constant 0 : i32
    %scan3A_69 = arith.constant 40 : i32
    %scan3A_70 = arith.addi %scan3A_68, %scan3A_69 : i32
    %scan3A_71 = arith.constant 1 : i32
    scf.for %scan3A_78 = %scan3A_68 to %scan3A_70 step %scan3A_71  : i32 {
      %mul3A_79 = arith.constant 2 : i32
      %mul3A_80 = arith.muli %scan3A_78, %mul3A_79 : i32
      %add3A_81 = arith.constant 0 : i32
      %add3A_82 = arith.addi %add3A_81, %mul3A_80 : i32
      %dma_wait3A_83 = tpu.memref_slice %arg3[%mul3A_45] : memref<655360xi32, #tpu.memory_space<hbm>> -> memref<128xi32, #tpu.memory_space<hbm>>
      %dma_wait3A_84 = tpu.memref_slice %arg3[%mul3A_45] : memref<655360xi32, #tpu.memory_space<hbm>> -> memref<128xi32, #tpu.memory_space<hbm>>
      tpu.wait_dma2 semaphore(%arg17 : memref<!tpu.dma_semaphore, #tpu.memory_space<semaphore_mem>>) src(%dma_wait3A_84 : memref<128xi32, #tpu.memory_space<hbm>>) dst(%arg8 : memref<128xi32, #tpu.memory_space<vmem>>)
      %dma_wait3A_85 = tpu.memref_slice %arg4[%mul3A_0] : memref<163840xi32, #tpu.memory_space<hbm>> -> memref<128xi32, #tpu.memory_space<hbm>>
      %dma_wait3A_86 = tpu.memref_slice %arg4[%mul3A_0] : memref<163840xi32, #tpu.memory_space<hbm>> -> memref<128xi32, #tpu.memory_space<hbm>>
      tpu.wait_dma2 semaphore(%arg17 : memref<!tpu.dma_semaphore, #tpu.memory_space<semaphore_mem>>) src(%dma_wait3A_86 : memref<128xi32, #tpu.memory_space<hbm>>) dst(%arg10 : memref<128xi32, #tpu.memory_space<vmem>>)
      %dma_start3A_87 = arith.constant 0 : i32
      %dma_start3A_88 = arith.constant 0 : i32
      %dma_start3A_89 = tpu.memref_slice %arg2[%dma_start3A_87, %dma_start3A_88] : memref<40960x128xf32, #tpu.memory_space<hbm>> -> memref<40960x128xf32, #tpu.memory_space<hbm>>
      tpu.enqueue_indirect_dma source(%dma_start3A_89 : memref<40960x128xf32, #tpu.memory_space<hbm>>) target(%arg12 : memref<128x128xf32, #tpu.memory_space<vmem>>) offsets(%arg8 : memref<128xi32, #tpu.memory_space<vmem>>) semaphore(%arg15 : memref<!tpu.dma_semaphore, #tpu.memory_space<semaphore_mem>>)
      %dma_wait3A_90 = arith.constant 0 : i32
      %dma_wait3A_91 = arith.constant 0 : i32
      %dma_wait3A_92 = tpu.memref_slice %arg2[%dma_wait3A_90, %dma_wait3A_91] : memref<40960x128xf32, #tpu.memory_space<hbm>> -> memref<40960x128xf32, #tpu.memory_space<hbm>>
      tpu.wait_indirect_dma semaphore(%arg14 : memref<!tpu.dma_semaphore, #tpu.memory_space<semaphore_mem>>) src(%dma_wait3A_92 : memref<40960x128xf32, #tpu.memory_space<hbm>>) dst(%arg11 : memref<128x128xf32, #tpu.memory_space<vmem>>)
      "tpu.region"() ({
        %run_scoped3A = tpu.sem_alloc : memref<!tpu.dma_semaphore, #tpu.memory_space<semaphore_mem>>
        %dma_start3A_114 = arith.constant 0 : i32
        %dma_start3A_115 = arith.constant 0 : i32
        %dma_start3A_116 = tpu.memref_slice %arg13[%dma_start3A_114, %dma_start3A_115] : memref<10240x128xf32, #tpu.memory_space<vmem_shared>> -> memref<10240x128xf32, #tpu.memory_space<vmem_shared>>
        tpu.enqueue_indirect_dma source(%arg11 : memref<128x128xf32, #tpu.memory_space<vmem>>) target(%dma_start3A_116 : memref<10240x128xf32, #tpu.memory_space<vmem_shared>>) offsets(%arg9 : memref<128xi32, #tpu.memory_space<vmem>>) semaphore(%run_scoped3A : memref<!tpu.dma_semaphore, #tpu.memory_space<semaphore_mem>>) {add = true}
        %dma_wait3A_117 = arith.constant 0 : i32
        %dma_wait3A_118 = arith.constant 0 : i32
        %dma_wait3A_119 = tpu.memref_slice %arg13[%dma_wait3A_117, %dma_wait3A_118] : memref<10240x128xf32, #tpu.memory_space<vmem_shared>> -> memref<10240x128xf32, #tpu.memory_space<vmem_shared>>
        tpu.wait_indirect_dma semaphore(%run_scoped3A : memref<!tpu.dma_semaphore, #tpu.memory_space<semaphore_mem>>) src(%arg11 : memref<128x128xf32, #tpu.memory_space<vmem>>) dst(%dma_wait3A_119 : memref<10240x128xf32, #tpu.memory_space<vmem_shared>>)
        tpu.yield
      }) : () -> ()
      %add3A_93 = arith.constant 2 : i32
      %add3A_94 = arith.addi %add3A_82, %add3A_93 : i32
      %lt3A = arith.constant 80 : i32
      %lt3A_95 = arith.cmpi slt, %add3A_94, %lt3A : i32
      %convert_element_type3A = arith.extui %lt3A_95 : i1 to i32
      %cond3A = arith.constant 0 : i32
      %cond3A_96 = arith.cmpi ne, %convert_element_type3A, %cond3A : i32
      scf.if %cond3A_96 {
        %add3A_114 = arith.constant 2 : i32
        %add3A_115 = arith.addi %add3A_82, %add3A_114 : i32
        %mul3A_116 = arith.constant 128 : i32
        %mul3A_117 = arith.muli %add3A_115, %mul3A_116 : i32
        %add3A_118 = arith.addi %mul3A_45, %mul3A_117 : i32
        %dma_start3A_119 = tpu.memref_slice %arg3[%add3A_118] : memref<655360xi32, #tpu.memory_space<hbm>> -> memref<128xi32, #tpu.memory_space<hbm>>
        %dma_start3A_120 = tpu.memref_slice %arg3[%add3A_118] : memref<655360xi32, #tpu.memory_space<hbm>> -> memref<128xi32, #tpu.memory_space<hbm>>
        tpu.enqueue_dma source(%dma_start3A_120 : memref<128xi32, #tpu.memory_space<hbm>>) target(%arg7 : memref<128xi32, #tpu.memory_space<vmem>>) target_semaphore(%arg16 : memref<!tpu.dma_semaphore, #tpu.memory_space<semaphore_mem>>)
        %add3A_121 = arith.addi %mul3A_0, %mul3A_117 : i32
        %dma_start3A_122 = tpu.memref_slice %arg4[%add3A_121] : memref<163840xi32, #tpu.memory_space<hbm>> -> memref<128xi32, #tpu.memory_space<hbm>>
        %dma_start3A_123 = tpu.memref_slice %arg4[%add3A_121] : memref<163840xi32, #tpu.memory_space<hbm>> -> memref<128xi32, #tpu.memory_space<hbm>>
        tpu.enqueue_dma source(%dma_start3A_123 : memref<128xi32, #tpu.memory_space<hbm>>) target(%arg9 : memref<128xi32, #tpu.memory_space<vmem>>) target_semaphore(%arg16 : memref<!tpu.dma_semaphore, #tpu.memory_space<semaphore_mem>>)
      } else {
      }
      %dma_wait3A_97 = arith.constant 0 : i32
      %dma_wait3A_98 = arith.constant 0 : i32
      %dma_wait3A_99 = tpu.memref_slice %arg2[%dma_wait3A_97, %dma_wait3A_98] : memref<40960x128xf32, #tpu.memory_space<hbm>> -> memref<40960x128xf32, #tpu.memory_space<hbm>>
      tpu.wait_indirect_dma semaphore(%arg15 : memref<!tpu.dma_semaphore, #tpu.memory_space<semaphore_mem>>) src(%dma_wait3A_99 : memref<40960x128xf32, #tpu.memory_space<hbm>>) dst(%arg12 : memref<128x128xf32, #tpu.memory_space<vmem>>)
      "tpu.region"() ({
        %run_scoped3A = tpu.sem_alloc : memref<!tpu.dma_semaphore, #tpu.memory_space<semaphore_mem>>
        %dma_start3A_114 = arith.constant 0 : i32
        %dma_start3A_115 = arith.constant 0 : i32
        %dma_start3A_116 = tpu.memref_slice %arg13[%dma_start3A_114, %dma_start3A_115] : memref<10240x128xf32, #tpu.memory_space<vmem_shared>> -> memref<10240x128xf32, #tpu.memory_space<vmem_shared>>
        tpu.enqueue_indirect_dma source(%arg12 : memref<128x128xf32, #tpu.memory_space<vmem>>) target(%dma_start3A_116 : memref<10240x128xf32, #tpu.memory_space<vmem_shared>>) offsets(%arg10 : memref<128xi32, #tpu.memory_space<vmem>>) semaphore(%run_scoped3A : memref<!tpu.dma_semaphore, #tpu.memory_space<semaphore_mem>>) {add = true}
        %dma_wait3A_117 = arith.constant 0 : i32
        %dma_wait3A_118 = arith.constant 0 : i32
        %dma_wait3A_119 = tpu.memref_slice %arg13[%dma_wait3A_117, %dma_wait3A_118] : memref<10240x128xf32, #tpu.memory_space<vmem_shared>> -> memref<10240x128xf32, #tpu.memory_space<vmem_shared>>
        tpu.wait_indirect_dma semaphore(%run_scoped3A : memref<!tpu.dma_semaphore, #tpu.memory_space<semaphore_mem>>) src(%arg12 : memref<128x128xf32, #tpu.memory_space<vmem>>) dst(%dma_wait3A_119 : memref<10240x128xf32, #tpu.memory_space<vmem_shared>>)
        tpu.yield
      }) : () -> ()
      %add3A_100 = arith.constant 2 : i32
      %add3A_101 = arith.addi %add3A_82, %add3A_100 : i32
      %lt3A_102 = arith.constant 80 : i32
      %lt3A_103 = arith.cmpi slt, %add3A_101, %lt3A_102 : i32
      %convert_element_type3A_104 = arith.extui %lt3A_103 : i1 to i32
      %cond3A_105 = arith.constant 0 : i32
      %cond3A_106 = arith.cmpi ne, %convert_element_type3A_104, %cond3A_105 : i32
      scf.if %cond3A_106 {
        %add3A_114 = arith.constant 2 : i32
        %add3A_115 = arith.addi %add3A_82, %add3A_114 : i32
        %mul3A_116 = arith.constant 128 : i32
        %mul3A_117 = arith.muli %add3A_115, %mul3A_116 : i32
        %add3A_118 = arith.addi %mul3A_45, %mul3A_117 : i32
        %dma_wait3A_119 = tpu.memref_slice %arg3[%add3A_118] : memref<655360xi32, #tpu.memory_space<hbm>> -> memref<128xi32, #tpu.memory_space<hbm>>
        %dma_wait3A_120 = tpu.memref_slice %arg3[%add3A_118] : memref<655360xi32, #tpu.memory_space<hbm>> -> memref<128xi32, #tpu.memory_space<hbm>>
        tpu.wait_dma2 semaphore(%arg16 : memref<!tpu.dma_semaphore, #tpu.memory_space<semaphore_mem>>) src(%dma_wait3A_120 : memref<128xi32, #tpu.memory_space<hbm>>) dst(%arg7 : memref<128xi32, #tpu.memory_space<vmem>>)
        %add3A_121 = arith.addi %mul3A_0, %mul3A_117 : i32
        %dma_wait3A_122 = tpu.memref_slice %arg4[%add3A_121] : memref<163840xi32, #tpu.memory_space<hbm>> -> memref<128xi32, #tpu.memory_space<hbm>>
        %dma_wait3A_123 = tpu.memref_slice %arg4[%add3A_121] : memref<163840xi32, #tpu.memory_space<hbm>> -> memref<128xi32, #tpu.memory_space<hbm>>
        tpu.wait_dma2 semaphore(%arg16 : memref<!tpu.dma_semaphore, #tpu.memory_space<semaphore_mem>>) src(%dma_wait3A_123 : memref<128xi32, #tpu.memory_space<hbm>>) dst(%arg9 : memref<128xi32, #tpu.memory_space<vmem>>)
        %dma_start3A_124 = arith.constant 0 : i32
        %dma_start3A_125 = arith.constant 0 : i32
        %dma_start3A_126 = tpu.memref_slice %arg2[%dma_start3A_124, %dma_start3A_125] : memref<40960x128xf32, #tpu.memory_space<hbm>> -> memref<40960x128xf32, #tpu.memory_space<hbm>>
        tpu.enqueue_indirect_dma source(%dma_start3A_126 : memref<40960x128xf32, #tpu.memory_space<hbm>>) target(%arg11 : memref<128x128xf32, #tpu.memory_space<vmem>>) offsets(%arg7 : memref<128xi32, #tpu.memory_space<vmem>>) semaphore(%arg14 : memref<!tpu.dma_semaphore, #tpu.memory_space<semaphore_mem>>)
      } else {
      }
      %add3A_107 = arith.constant 3 : i32
      %add3A_108 = arith.addi %add3A_82, %add3A_107 : i32
      %lt3A_109 = arith.constant 80 : i32
      %lt3A_110 = arith.cmpi slt, %add3A_108, %lt3A_109 : i32
      %convert_element_type3A_111 = arith.extui %lt3A_110 : i1 to i32
      %cond3A_112 = arith.constant 0 : i32
      %cond3A_113 = arith.cmpi ne, %convert_element_type3A_111, %cond3A_112 : i32
      scf.if %cond3A_113 {
        %add3A_114 = arith.constant 3 : i32
        %add3A_115 = arith.addi %add3A_82, %add3A_114 : i32
        %mul3A_116 = arith.constant 128 : i32
        %mul3A_117 = arith.muli %add3A_115, %mul3A_116 : i32
        %add3A_118 = arith.addi %mul3A_45, %mul3A_117 : i32
        %dma_start3A_119 = tpu.memref_slice %arg3[%add3A_118] : memref<655360xi32, #tpu.memory_space<hbm>> -> memref<128xi32, #tpu.memory_space<hbm>>
        %dma_start3A_120 = tpu.memref_slice %arg3[%add3A_118] : memref<655360xi32, #tpu.memory_space<hbm>> -> memref<128xi32, #tpu.memory_space<hbm>>
        tpu.enqueue_dma source(%dma_start3A_120 : memref<128xi32, #tpu.memory_space<hbm>>) target(%arg8 : memref<128xi32, #tpu.memory_space<vmem>>) target_semaphore(%arg17 : memref<!tpu.dma_semaphore, #tpu.memory_space<semaphore_mem>>)
        %add3A_121 = arith.addi %mul3A_0, %mul3A_117 : i32
        %dma_start3A_122 = tpu.memref_slice %arg4[%add3A_121] : memref<163840xi32, #tpu.memory_space<hbm>> -> memref<128xi32, #tpu.memory_space<hbm>>
        %dma_start3A_123 = tpu.memref_slice %arg4[%add3A_121] : memref<163840xi32, #tpu.memory_space<hbm>> -> memref<128xi32, #tpu.memory_space<hbm>>
        tpu.enqueue_dma source(%dma_start3A_123 : memref<128xi32, #tpu.memory_space<hbm>>) target(%arg10 : memref<128xi32, #tpu.memory_space<vmem>>) target_semaphore(%arg17 : memref<!tpu.dma_semaphore, #tpu.memory_space<semaphore_mem>>)
      } else {
      }
    }
    %scan3A_72 = arith.constant 40 : i32
    %barrier3A_73 = arith.constant 0 : index
    tpu.barrier barrier_id(%barrier3A_73)
    %mul3A_74 = arith.constant 640 : i32
    %mul3A_75 = arith.muli %arg1, %mul3A_74 : i32
    %mul3A_76 = arith.constant 640 : i32
    %mul3A_77 = arith.muli %arg1, %mul3A_76 : i32
    "tpu.region"() ({
      %run_scoped3A = tpu.sem_alloc : memref<!tpu.dma_semaphore, #tpu.memory_space<semaphore_mem>>
      %dma_start3A_78 = arith.constant 0 : i32
      %dma_start3A_79 = tpu.memref_slice %arg6[%add3A_40, %mul3A_77, %dma_start3A_78] : memref<4x10240x128xf32, #tpu.memory_space<hbm>> -> memref<1x640x128xf32, #tpu.memory_space<hbm>>
      %dma_start3A_80 = tpu.memref_squeeze %dma_start3A_79 : memref<1x640x128xf32, #tpu.memory_space<hbm>> -> memref<640x128xf32, #tpu.memory_space<hbm>>
      %dma_start3A_81 = arith.constant 0 : i32
      %dma_start3A_82 = tpu.memref_slice %arg13[%mul3A_75, %dma_start3A_81] : memref<10240x128xf32, #tpu.memory_space<vmem_shared>> -> memref<640x128xf32, #tpu.memory_space<vmem_shared>>
      tpu.enqueue_dma source(%dma_start3A_82 : memref<640x128xf32, #tpu.memory_space<vmem_shared>>) target(%dma_start3A_80 : memref<640x128xf32, #tpu.memory_space<hbm>>) target_semaphore(%run_scoped3A : memref<!tpu.dma_semaphore, #tpu.memory_space<semaphore_mem>>)
      %dma_wait3A_83 = arith.constant 0 : i32
      %dma_wait3A_84 = tpu.memref_slice %arg6[%add3A_40, %mul3A_77, %dma_wait3A_83] : memref<4x10240x128xf32, #tpu.memory_space<hbm>> -> memref<1x640x128xf32, #tpu.memory_space<hbm>>
      %dma_wait3A_85 = tpu.memref_squeeze %dma_wait3A_84 : memref<1x640x128xf32, #tpu.memory_space<hbm>> -> memref<640x128xf32, #tpu.memory_space<hbm>>
      %dma_wait3A_86 = arith.constant 0 : i32
      %dma_wait3A_87 = tpu.memref_slice %arg13[%mul3A_75, %dma_wait3A_86] : memref<10240x128xf32, #tpu.memory_space<vmem_shared>> -> memref<640x128xf32, #tpu.memory_space<vmem_shared>>
      tpu.wait_dma2 semaphore(%run_scoped3A : memref<!tpu.dma_semaphore, #tpu.memory_space<semaphore_mem>>) src(%dma_wait3A_87 : memref<640x128xf32, #tpu.memory_space<vmem_shared>>) dst(%dma_wait3A_85 : memref<640x128xf32, #tpu.memory_space<hbm>>)
      tpu.yield
    }) : () -> ()
    return
  }
}

#map = affine_map<(d0, d1) -> (0)>
#map1 = affine_map<(d0, d1) -> (0, 0)>
#map2 = affine_map<(d0, d1) -> (0, 0, 0)>
module attributes {stable_mosaic.version = 14 : i64} {
  func.func @deg_kernel(%arg0: i32, %arg1: i32, %arg2: memref<163840xi32, #tpu.memory_space<hbm>>, %arg3: memref<128x128xf32, #tpu.memory_space<hbm>>, %arg4: memref<640x128xf32, #tpu.memory_space<hbm>>, %arg5: memref<2x10240x128xf32, #tpu.memory_space<hbm>>, %arg6: memref<128xi32, #tpu.memory_space<vmem>>, %arg7: memref<128x128xf32, #tpu.memory_space<vmem>>, %arg8: memref<10240x128xf32, #tpu.memory_space<vmem_shared>>, %arg9: memref<!tpu.dma_semaphore, #tpu.memory_space<semaphore_mem>>) attributes {dimension_semantics = [#tpu.dimension_semantics<core_parallel>, #tpu.dimension_semantics<subcore_parallel>], iteration_bounds = array<i64: 2, 16>, scalar_prefetch = 0 : i64, scratch_operands = 4 : i64, tpu.core_type = #tpu.core_type<sc_vector_subcore>, window_params = [{transform_indices = #map}, {transform_indices = #map1}, {transform_indices = #map1}, {transform_indices = #map2}]} {
    %mul3A = arith.constant 16 : i32
    %mul3A_0 = arith.muli %arg0, %mul3A : i32
    %add3A = arith.addi %mul3A_0, %arg1 : i32
    %mul3A_1 = arith.constant 5120 : i32
    %mul3A_2 = arith.muli %add3A, %mul3A_1 : i32
    "tpu.region"() ({
      %run_scoped3A = tpu.sem_alloc : memref<!tpu.dma_semaphore, #tpu.memory_space<semaphore_mem>>
      tpu.enqueue_dma source(%arg3 : memref<128x128xf32, #tpu.memory_space<hbm>>) target(%arg7 : memref<128x128xf32, #tpu.memory_space<vmem>>) target_semaphore(%run_scoped3A : memref<!tpu.dma_semaphore, #tpu.memory_space<semaphore_mem>>)
      tpu.wait_dma2 semaphore(%run_scoped3A : memref<!tpu.dma_semaphore, #tpu.memory_space<semaphore_mem>>) src(%arg3 : memref<128x128xf32, #tpu.memory_space<hbm>>) dst(%arg7 : memref<128x128xf32, #tpu.memory_space<vmem>>)
      tpu.yield
    }) : () -> ()
    %mul3A_3 = arith.constant 640 : i32
    %mul3A_4 = arith.muli %arg1, %mul3A_3 : i32
    "tpu.region"() ({
      %run_scoped3A = tpu.sem_alloc : memref<!tpu.dma_semaphore, #tpu.memory_space<semaphore_mem>>
      %dma_start3A = arith.constant 0 : i32
      %dma_start3A_14 = tpu.memref_slice %arg8[%mul3A_4, %dma_start3A] : memref<10240x128xf32, #tpu.memory_space<vmem_shared>> -> memref<640x128xf32, #tpu.memory_space<vmem_shared>>
      tpu.enqueue_dma source(%arg4 : memref<640x128xf32, #tpu.memory_space<hbm>>) target(%dma_start3A_14 : memref<640x128xf32, #tpu.memory_space<vmem_shared>>) target_semaphore(%run_scoped3A : memref<!tpu.dma_semaphore, #tpu.memory_space<semaphore_mem>>)
      %dma_wait3A = arith.constant 0 : i32
      %dma_wait3A_15 = tpu.memref_slice %arg8[%mul3A_4, %dma_wait3A] : memref<10240x128xf32, #tpu.memory_space<vmem_shared>> -> memref<640x128xf32, #tpu.memory_space<vmem_shared>>
      tpu.wait_dma2 semaphore(%run_scoped3A : memref<!tpu.dma_semaphore, #tpu.memory_space<semaphore_mem>>) src(%arg4 : memref<640x128xf32, #tpu.memory_space<hbm>>) dst(%dma_wait3A_15 : memref<640x128xf32, #tpu.memory_space<vmem_shared>>)
      tpu.yield
    }) : () -> ()
    %barrier3A = arith.constant 0 : index
    tpu.barrier barrier_id(%barrier3A)
    %scan3A = arith.constant 0 : i32
    %scan3A_5 = arith.constant 40 : i32
    %scan3A_6 = arith.addi %scan3A, %scan3A_5 : i32
    %scan3A_7 = arith.constant 1 : i32
    scf.for %scan3A_14 = %scan3A to %scan3A_6 step %scan3A_7  : i32 {
      %mul3A_15 = arith.constant 1 : i32
      %mul3A_16 = arith.muli %scan3A_14, %mul3A_15 : i32
      %add3A_17 = arith.constant 0 : i32
      %add3A_18 = arith.addi %add3A_17, %mul3A_16 : i32
      %mul3A_19 = arith.constant 128 : i32
      %mul3A_20 = arith.muli %add3A_18, %mul3A_19 : i32
      %add3A_21 = arith.addi %mul3A_2, %mul3A_20 : i32
      %dma_start3A = tpu.memref_slice %arg2[%add3A_21] : memref<163840xi32, #tpu.memory_space<hbm>> -> memref<128xi32, #tpu.memory_space<hbm>>
      %dma_start3A_22 = tpu.memref_slice %arg2[%add3A_21] : memref<163840xi32, #tpu.memory_space<hbm>> -> memref<128xi32, #tpu.memory_space<hbm>>
      tpu.enqueue_dma source(%dma_start3A_22 : memref<128xi32, #tpu.memory_space<hbm>>) target(%arg6 : memref<128xi32, #tpu.memory_space<vmem>>) target_semaphore(%arg9 : memref<!tpu.dma_semaphore, #tpu.memory_space<semaphore_mem>>)
      %dma_wait3A = tpu.memref_slice %arg2[%add3A_21] : memref<163840xi32, #tpu.memory_space<hbm>> -> memref<128xi32, #tpu.memory_space<hbm>>
      %dma_wait3A_23 = tpu.memref_slice %arg2[%add3A_21] : memref<163840xi32, #tpu.memory_space<hbm>> -> memref<128xi32, #tpu.memory_space<hbm>>
      tpu.wait_dma2 semaphore(%arg9 : memref<!tpu.dma_semaphore, #tpu.memory_space<semaphore_mem>>) src(%dma_wait3A_23 : memref<128xi32, #tpu.memory_space<hbm>>) dst(%arg6 : memref<128xi32, #tpu.memory_space<vmem>>)
      "tpu.region"() ({
        %run_scoped3A = tpu.sem_alloc : memref<!tpu.dma_semaphore, #tpu.memory_space<semaphore_mem>>
        %dma_start3A_24 = arith.constant 0 : i32
        %dma_start3A_25 = arith.constant 0 : i32
        %dma_start3A_26 = tpu.memref_slice %arg8[%dma_start3A_24, %dma_start3A_25] : memref<10240x128xf32, #tpu.memory_space<vmem_shared>> -> memref<10240x128xf32, #tpu.memory_space<vmem_shared>>
        tpu.enqueue_indirect_dma source(%arg7 : memref<128x128xf32, #tpu.memory_space<vmem>>) target(%dma_start3A_26 : memref<10240x128xf32, #tpu.memory_space<vmem_shared>>) offsets(%arg6 : memref<128xi32, #tpu.memory_space<vmem>>) semaphore(%run_scoped3A : memref<!tpu.dma_semaphore, #tpu.memory_space<semaphore_mem>>) {add = true}
        %dma_wait3A_27 = arith.constant 0 : i32
        %dma_wait3A_28 = arith.constant 0 : i32
        %dma_wait3A_29 = tpu.memref_slice %arg8[%dma_wait3A_27, %dma_wait3A_28] : memref<10240x128xf32, #tpu.memory_space<vmem_shared>> -> memref<10240x128xf32, #tpu.memory_space<vmem_shared>>
        tpu.wait_indirect_dma semaphore(%run_scoped3A : memref<!tpu.dma_semaphore, #tpu.memory_space<semaphore_mem>>) src(%arg7 : memref<128x128xf32, #tpu.memory_space<vmem>>) dst(%dma_wait3A_29 : memref<10240x128xf32, #tpu.memory_space<vmem_shared>>)
        tpu.yield
      }) : () -> ()
    }
    %scan3A_8 = arith.constant 40 : i32
    %barrier3A_9 = arith.constant 0 : index
    tpu.barrier barrier_id(%barrier3A_9)
    %mul3A_10 = arith.constant 640 : i32
    %mul3A_11 = arith.muli %arg1, %mul3A_10 : i32
    %mul3A_12 = arith.constant 640 : i32
    %mul3A_13 = arith.muli %arg1, %mul3A_12 : i32
    "tpu.region"() ({
      %run_scoped3A = tpu.sem_alloc : memref<!tpu.dma_semaphore, #tpu.memory_space<semaphore_mem>>
      %dma_start3A = arith.constant 0 : i32
      %dma_start3A_14 = tpu.memref_slice %arg5[%arg0, %mul3A_13, %dma_start3A] : memref<2x10240x128xf32, #tpu.memory_space<hbm>> -> memref<1x640x128xf32, #tpu.memory_space<hbm>>
      %dma_start3A_15 = tpu.memref_squeeze %dma_start3A_14 : memref<1x640x128xf32, #tpu.memory_space<hbm>> -> memref<640x128xf32, #tpu.memory_space<hbm>>
      %dma_start3A_16 = arith.constant 0 : i32
      %dma_start3A_17 = tpu.memref_slice %arg8[%mul3A_11, %dma_start3A_16] : memref<10240x128xf32, #tpu.memory_space<vmem_shared>> -> memref<640x128xf32, #tpu.memory_space<vmem_shared>>
      tpu.enqueue_dma source(%dma_start3A_17 : memref<640x128xf32, #tpu.memory_space<vmem_shared>>) target(%dma_start3A_15 : memref<640x128xf32, #tpu.memory_space<hbm>>) target_semaphore(%run_scoped3A : memref<!tpu.dma_semaphore, #tpu.memory_space<semaphore_mem>>)
      %dma_wait3A = arith.constant 0 : i32
      %dma_wait3A_18 = tpu.memref_slice %arg5[%arg0, %mul3A_13, %dma_wait3A] : memref<2x10240x128xf32, #tpu.memory_space<hbm>> -> memref<1x640x128xf32, #tpu.memory_space<hbm>>
      %dma_wait3A_19 = tpu.memref_squeeze %dma_wait3A_18 : memref<1x640x128xf32, #tpu.memory_space<hbm>> -> memref<640x128xf32, #tpu.memory_space<hbm>>
      %dma_wait3A_20 = arith.constant 0 : i32
      %dma_wait3A_21 = tpu.memref_slice %arg8[%mul3A_11, %dma_wait3A_20] : memref<10240x128xf32, #tpu.memory_space<vmem_shared>> -> memref<640x128xf32, #tpu.memory_space<vmem_shared>>
      tpu.wait_dma2 semaphore(%run_scoped3A : memref<!tpu.dma_semaphore, #tpu.memory_space<semaphore_mem>>) src(%dma_wait3A_21 : memref<640x128xf32, #tpu.memory_space<vmem_shared>>) dst(%dma_wait3A_19 : memref<640x128xf32, #tpu.memory_space<hbm>>)
      tpu.yield
    }) : () -> ()
    return
  }
}

#map = affine_map<(d0, d1) -> (0, 0)>
#map1 = affine_map<(d0, d1) -> (0)>
#map2 = affine_map<(d0, d1) -> (0, 0, 0)>
module attributes {stable_mosaic.version = 14 : i64} {
  func.func @msg_kernel(%arg0: i32, %arg1: i32, %arg2: memref<40960x128xf32, #tpu.memory_space<hbm>>, %arg3: memref<655360xi32, #tpu.memory_space<hbm>>, %arg4: memref<163840xi32, #tpu.memory_space<hbm>>, %arg5: memref<640x128xf32, #tpu.memory_space<hbm>>, %arg6: memref<4x10240x128xf32, #tpu.memory_space<hbm>>, %arg7: memref<128xi32, #tpu.memory_space<vmem>>, %arg8: memref<128xi32, #tpu.memory_space<vmem>>, %arg9: memref<128xi32, #tpu.memory_space<vmem>>, %arg10: memref<128xi32, #tpu.memory_space<vmem>>, %arg11: memref<128x128xf32, #tpu.memory_space<vmem>>, %arg12: memref<128x128xf32, #tpu.memory_space<vmem>>, %arg13: memref<10240x128xf32, #tpu.memory_space<vmem_shared>>, %arg14: memref<!tpu.dma_semaphore, #tpu.memory_space<semaphore_mem>>, %arg15: memref<!tpu.dma_semaphore, #tpu.memory_space<semaphore_mem>>, %arg16: memref<!tpu.dma_semaphore, #tpu.memory_space<semaphore_mem>>, %arg17: memref<!tpu.dma_semaphore, #tpu.memory_space<semaphore_mem>>) attributes {dimension_semantics = [#tpu.dimension_semantics<core_parallel>, #tpu.dimension_semantics<subcore_parallel>], iteration_bounds = array<i64: 2, 16>, scalar_prefetch = 0 : i64, scratch_operands = 11 : i64, tpu.core_type = #tpu.core_type<sc_vector_subcore>, window_params = [{transform_indices = #map}, {transform_indices = #map1}, {transform_indices = #map1}, {transform_indices = #map}, {transform_indices = #map2}]} {
    %mul3A = arith.constant 10240 : i32
    %mul3A_0 = arith.muli %arg1, %mul3A : i32
    %mul3A_1 = arith.constant 2 : i32
    %mul3A_2 = arith.muli %arg0, %mul3A_1 : i32
    %add3A = arith.constant 0 : i32
    %add3A_3 = arith.addi %mul3A_2, %add3A : i32
    %mul3A_4 = arith.constant 16 : i32
    %mul3A_5 = arith.muli %add3A_3, %mul3A_4 : i32
    %add3A_6 = arith.addi %mul3A_5, %arg1 : i32
    %mul3A_7 = arith.constant 10240 : i32
    %mul3A_8 = arith.muli %add3A_6, %mul3A_7 : i32
    %dma_start3A = tpu.memref_slice %arg3[%mul3A_8] : memref<655360xi32, #tpu.memory_space<hbm>> -> memref<128xi32, #tpu.memory_space<hbm>>
    %dma_start3A_9 = tpu.memref_slice %arg3[%mul3A_8] : memref<655360xi32, #tpu.memory_space<hbm>> -> memref<128xi32, #tpu.memory_space<hbm>>
    tpu.enqueue_dma source(%dma_start3A_9 : memref<128xi32, #tpu.memory_space<hbm>>) target(%arg7 : memref<128xi32, #tpu.memory_space<vmem>>) target_semaphore(%arg16 : memref<!tpu.dma_semaphore, #tpu.memory_space<semaphore_mem>>)
    %dma_start3A_10 = tpu.memref_slice %arg4[%mul3A_0] : memref<163840xi32, #tpu.memory_space<hbm>> -> memref<128xi32, #tpu.memory_space<hbm>>
    %dma_start3A_11 = tpu.memref_slice %arg4[%mul3A_0] : memref<163840xi32, #tpu.memory_space<hbm>> -> memref<128xi32, #tpu.memory_space<hbm>>
    tpu.enqueue_dma source(%dma_start3A_11 : memref<128xi32, #tpu.memory_space<hbm>>) target(%arg9 : memref<128xi32, #tpu.memory_space<vmem>>) target_semaphore(%arg16 : memref<!tpu.dma_semaphore, #tpu.memory_space<semaphore_mem>>)
    %add3A_12 = arith.constant 128 : i32
    %add3A_13 = arith.addi %mul3A_8, %add3A_12 : i32
    %dma_start3A_14 = tpu.memref_slice %arg3[%add3A_13] : memref<655360xi32, #tpu.memory_space<hbm>> -> memref<128xi32, #tpu.memory_space<hbm>>
    %dma_start3A_15 = tpu.memref_slice %arg3[%add3A_13] : memref<655360xi32, #tpu.memory_space<hbm>> -> memref<128xi32, #tpu.memory_space<hbm>>
    tpu.enqueue_dma source(%dma_start3A_15 : memref<128xi32, #tpu.memory_space<hbm>>) target(%arg8 : memref<128xi32, #tpu.memory_space<vmem>>) target_semaphore(%arg17 : memref<!tpu.dma_semaphore, #tpu.memory_space<semaphore_mem>>)
    %add3A_16 = arith.constant 128 : i32
    %add3A_17 = arith.addi %mul3A_0, %add3A_16 : i32
    %dma_start3A_18 = tpu.memref_slice %arg4[%add3A_17] : memref<163840xi32, #tpu.memory_space<hbm>> -> memref<128xi32, #tpu.memory_space<hbm>>
    %dma_start3A_19 = tpu.memref_slice %arg4[%add3A_17] : memref<163840xi32, #tpu.memory_space<hbm>> -> memref<128xi32, #tpu.memory_space<hbm>>
    tpu.enqueue_dma source(%dma_start3A_19 : memref<128xi32, #tpu.memory_space<hbm>>) target(%arg10 : memref<128xi32, #tpu.memory_space<vmem>>) target_semaphore(%arg17 : memref<!tpu.dma_semaphore, #tpu.memory_space<semaphore_mem>>)
    %mul3A_20 = arith.constant 640 : i32
    %mul3A_21 = arith.muli %arg1, %mul3A_20 : i32
    "tpu.region"() ({
      %run_scoped3A = tpu.sem_alloc : memref<!tpu.dma_semaphore, #tpu.memory_space<semaphore_mem>>
      %dma_start3A_78 = arith.constant 0 : i32
      %dma_start3A_79 = tpu.memref_slice %arg13[%mul3A_21, %dma_start3A_78] : memref<10240x128xf32, #tpu.memory_space<vmem_shared>> -> memref<640x128xf32, #tpu.memory_space<vmem_shared>>
      tpu.enqueue_dma source(%arg5 : memref<640x128xf32, #tpu.memory_space<hbm>>) target(%dma_start3A_79 : memref<640x128xf32, #tpu.memory_space<vmem_shared>>) target_semaphore(%run_scoped3A : memref<!tpu.dma_semaphore, #tpu.memory_space<semaphore_mem>>)
      %dma_wait3A_80 = arith.constant 0 : i32
      %dma_wait3A_81 = tpu.memref_slice %arg13[%mul3A_21, %dma_wait3A_80] : memref<10240x128xf32, #tpu.memory_space<vmem_shared>> -> memref<640x128xf32, #tpu.memory_space<vmem_shared>>
      tpu.wait_dma2 semaphore(%run_scoped3A : memref<!tpu.dma_semaphore, #tpu.memory_space<semaphore_mem>>) src(%arg5 : memref<640x128xf32, #tpu.memory_space<hbm>>) dst(%dma_wait3A_81 : memref<640x128xf32, #tpu.memory_space<vmem_shared>>)
      tpu.yield
    }) : () -> ()
    %barrier3A = arith.constant 0 : index
    tpu.barrier barrier_id(%barrier3A)
    %dma_wait3A = tpu.memref_slice %arg3[%mul3A_8] : memref<655360xi32, #tpu.memory_space<hbm>> -> memref<128xi32, #tpu.memory_space<hbm>>
    %dma_wait3A_22 = tpu.memref_slice %arg3[%mul3A_8] : memref<655360xi32, #tpu.memory_space<hbm>> -> memref<128xi32, #tpu.memory_space<hbm>>
    tpu.wait_dma2 semaphore(%arg16 : memref<!tpu.dma_semaphore, #tpu.memory_space<semaphore_mem>>) src(%dma_wait3A_22 : memref<128xi32, #tpu.memory_space<hbm>>) dst(%arg7 : memref<128xi32, #tpu.memory_space<vmem>>)
    %dma_wait3A_23 = tpu.memref_slice %arg4[%mul3A_0] : memref<163840xi32, #tpu.memory_space<hbm>> -> memref<128xi32, #tpu.memory_space<hbm>>
    %dma_wait3A_24 = tpu.memref_slice %arg4[%mul3A_0] : memref<163840xi32, #tpu.memory_space<hbm>> -> memref<128xi32, #tpu.memory_space<hbm>>
    tpu.wait_dma2 semaphore(%arg16 : memref<!tpu.dma_semaphore, #tpu.memory_space<semaphore_mem>>) src(%dma_wait3A_24 : memref<128xi32, #tpu.memory_space<hbm>>) dst(%arg9 : memref<128xi32, #tpu.memory_space<vmem>>)
    %dma_start3A_25 = arith.constant 0 : i32
    %dma_start3A_26 = arith.constant 0 : i32
    %dma_start3A_27 = tpu.memref_slice %arg2[%dma_start3A_25, %dma_start3A_26] : memref<40960x128xf32, #tpu.memory_space<hbm>> -> memref<40960x128xf32, #tpu.memory_space<hbm>>
    tpu.enqueue_indirect_dma source(%dma_start3A_27 : memref<40960x128xf32, #tpu.memory_space<hbm>>) target(%arg11 : memref<128x128xf32, #tpu.memory_space<vmem>>) offsets(%arg7 : memref<128xi32, #tpu.memory_space<vmem>>) semaphore(%arg14 : memref<!tpu.dma_semaphore, #tpu.memory_space<semaphore_mem>>)
    %scan3A = arith.constant 0 : i32
    %scan3A_28 = arith.constant 40 : i32
    %scan3A_29 = arith.addi %scan3A, %scan3A_28 : i32
    %scan3A_30 = arith.constant 1 : i32
    scf.for %scan3A_78 = %scan3A to %scan3A_29 step %scan3A_30  : i32 {
      %mul3A_79 = arith.constant 2 : i32
      %mul3A_80 = arith.muli %scan3A_78, %mul3A_79 : i32
      %add3A_81 = arith.constant 0 : i32
      %add3A_82 = arith.addi %add3A_81, %mul3A_80 : i32
      %dma_wait3A_83 = tpu.memref_slice %arg3[%mul3A_8] : memref<655360xi32, #tpu.memory_space<hbm>> -> memref<128xi32, #tpu.memory_space<hbm>>
      %dma_wait3A_84 = tpu.memref_slice %arg3[%mul3A_8] : memref<655360xi32, #tpu.memory_space<hbm>> -> memref<128xi32, #tpu.memory_space<hbm>>
      tpu.wait_dma2 semaphore(%arg17 : memref<!tpu.dma_semaphore, #tpu.memory_space<semaphore_mem>>) src(%dma_wait3A_84 : memref<128xi32, #tpu.memory_space<hbm>>) dst(%arg8 : memref<128xi32, #tpu.memory_space<vmem>>)
      %dma_wait3A_85 = tpu.memref_slice %arg4[%mul3A_0] : memref<163840xi32, #tpu.memory_space<hbm>> -> memref<128xi32, #tpu.memory_space<hbm>>
      %dma_wait3A_86 = tpu.memref_slice %arg4[%mul3A_0] : memref<163840xi32, #tpu.memory_space<hbm>> -> memref<128xi32, #tpu.memory_space<hbm>>
      tpu.wait_dma2 semaphore(%arg17 : memref<!tpu.dma_semaphore, #tpu.memory_space<semaphore_mem>>) src(%dma_wait3A_86 : memref<128xi32, #tpu.memory_space<hbm>>) dst(%arg10 : memref<128xi32, #tpu.memory_space<vmem>>)
      %dma_start3A_87 = arith.constant 0 : i32
      %dma_start3A_88 = arith.constant 0 : i32
      %dma_start3A_89 = tpu.memref_slice %arg2[%dma_start3A_87, %dma_start3A_88] : memref<40960x128xf32, #tpu.memory_space<hbm>> -> memref<40960x128xf32, #tpu.memory_space<hbm>>
      tpu.enqueue_indirect_dma source(%dma_start3A_89 : memref<40960x128xf32, #tpu.memory_space<hbm>>) target(%arg12 : memref<128x128xf32, #tpu.memory_space<vmem>>) offsets(%arg8 : memref<128xi32, #tpu.memory_space<vmem>>) semaphore(%arg15 : memref<!tpu.dma_semaphore, #tpu.memory_space<semaphore_mem>>)
      %dma_wait3A_90 = arith.constant 0 : i32
      %dma_wait3A_91 = arith.constant 0 : i32
      %dma_wait3A_92 = tpu.memref_slice %arg2[%dma_wait3A_90, %dma_wait3A_91] : memref<40960x128xf32, #tpu.memory_space<hbm>> -> memref<40960x128xf32, #tpu.memory_space<hbm>>
      tpu.wait_indirect_dma semaphore(%arg14 : memref<!tpu.dma_semaphore, #tpu.memory_space<semaphore_mem>>) src(%dma_wait3A_92 : memref<40960x128xf32, #tpu.memory_space<hbm>>) dst(%arg11 : memref<128x128xf32, #tpu.memory_space<vmem>>)
      "tpu.region"() ({
        %run_scoped3A = tpu.sem_alloc : memref<!tpu.dma_semaphore, #tpu.memory_space<semaphore_mem>>
        %dma_start3A_114 = arith.constant 0 : i32
        %dma_start3A_115 = arith.constant 0 : i32
        %dma_start3A_116 = tpu.memref_slice %arg13[%dma_start3A_114, %dma_start3A_115] : memref<10240x128xf32, #tpu.memory_space<vmem_shared>> -> memref<10240x128xf32, #tpu.memory_space<vmem_shared>>
        tpu.enqueue_indirect_dma source(%arg11 : memref<128x128xf32, #tpu.memory_space<vmem>>) target(%dma_start3A_116 : memref<10240x128xf32, #tpu.memory_space<vmem_shared>>) offsets(%arg9 : memref<128xi32, #tpu.memory_space<vmem>>) semaphore(%run_scoped3A : memref<!tpu.dma_semaphore, #tpu.memory_space<semaphore_mem>>) {add = true}
        %dma_wait3A_117 = arith.constant 0 : i32
        %dma_wait3A_118 = arith.constant 0 : i32
        %dma_wait3A_119 = tpu.memref_slice %arg13[%dma_wait3A_117, %dma_wait3A_118] : memref<10240x128xf32, #tpu.memory_space<vmem_shared>> -> memref<10240x128xf32, #tpu.memory_space<vmem_shared>>
        tpu.wait_indirect_dma semaphore(%run_scoped3A : memref<!tpu.dma_semaphore, #tpu.memory_space<semaphore_mem>>) src(%arg11 : memref<128x128xf32, #tpu.memory_space<vmem>>) dst(%dma_wait3A_119 : memref<10240x128xf32, #tpu.memory_space<vmem_shared>>)
        tpu.yield
      }) : () -> ()
      %add3A_93 = arith.constant 2 : i32
      %add3A_94 = arith.addi %add3A_82, %add3A_93 : i32
      %lt3A = arith.constant 80 : i32
      %lt3A_95 = arith.cmpi slt, %add3A_94, %lt3A : i32
      %convert_element_type3A = arith.extui %lt3A_95 : i1 to i32
      %cond3A = arith.constant 0 : i32
      %cond3A_96 = arith.cmpi ne, %convert_element_type3A, %cond3A : i32
      scf.if %cond3A_96 {
        %add3A_114 = arith.constant 2 : i32
        %add3A_115 = arith.addi %add3A_82, %add3A_114 : i32
        %mul3A_116 = arith.constant 128 : i32
        %mul3A_117 = arith.muli %add3A_115, %mul3A_116 : i32
        %add3A_118 = arith.addi %mul3A_8, %mul3A_117 : i32
        %dma_start3A_119 = tpu.memref_slice %arg3[%add3A_118] : memref<655360xi32, #tpu.memory_space<hbm>> -> memref<128xi32, #tpu.memory_space<hbm>>
        %dma_start3A_120 = tpu.memref_slice %arg3[%add3A_118] : memref<655360xi32, #tpu.memory_space<hbm>> -> memref<128xi32, #tpu.memory_space<hbm>>
        tpu.enqueue_dma source(%dma_start3A_120 : memref<128xi32, #tpu.memory_space<hbm>>) target(%arg7 : memref<128xi32, #tpu.memory_space<vmem>>) target_semaphore(%arg16 : memref<!tpu.dma_semaphore, #tpu.memory_space<semaphore_mem>>)
        %add3A_121 = arith.addi %mul3A_0, %mul3A_117 : i32
        %dma_start3A_122 = tpu.memref_slice %arg4[%add3A_121] : memref<163840xi32, #tpu.memory_space<hbm>> -> memref<128xi32, #tpu.memory_space<hbm>>
        %dma_start3A_123 = tpu.memref_slice %arg4[%add3A_121] : memref<163840xi32, #tpu.memory_space<hbm>> -> memref<128xi32, #tpu.memory_space<hbm>>
        tpu.enqueue_dma source(%dma_start3A_123 : memref<128xi32, #tpu.memory_space<hbm>>) target(%arg9 : memref<128xi32, #tpu.memory_space<vmem>>) target_semaphore(%arg16 : memref<!tpu.dma_semaphore, #tpu.memory_space<semaphore_mem>>)
      } else {
      }
      %dma_wait3A_97 = arith.constant 0 : i32
      %dma_wait3A_98 = arith.constant 0 : i32
      %dma_wait3A_99 = tpu.memref_slice %arg2[%dma_wait3A_97, %dma_wait3A_98] : memref<40960x128xf32, #tpu.memory_space<hbm>> -> memref<40960x128xf32, #tpu.memory_space<hbm>>
      tpu.wait_indirect_dma semaphore(%arg15 : memref<!tpu.dma_semaphore, #tpu.memory_space<semaphore_mem>>) src(%dma_wait3A_99 : memref<40960x128xf32, #tpu.memory_space<hbm>>) dst(%arg12 : memref<128x128xf32, #tpu.memory_space<vmem>>)
      "tpu.region"() ({
        %run_scoped3A = tpu.sem_alloc : memref<!tpu.dma_semaphore, #tpu.memory_space<semaphore_mem>>
        %dma_start3A_114 = arith.constant 0 : i32
        %dma_start3A_115 = arith.constant 0 : i32
        %dma_start3A_116 = tpu.memref_slice %arg13[%dma_start3A_114, %dma_start3A_115] : memref<10240x128xf32, #tpu.memory_space<vmem_shared>> -> memref<10240x128xf32, #tpu.memory_space<vmem_shared>>
        tpu.enqueue_indirect_dma source(%arg12 : memref<128x128xf32, #tpu.memory_space<vmem>>) target(%dma_start3A_116 : memref<10240x128xf32, #tpu.memory_space<vmem_shared>>) offsets(%arg10 : memref<128xi32, #tpu.memory_space<vmem>>) semaphore(%run_scoped3A : memref<!tpu.dma_semaphore, #tpu.memory_space<semaphore_mem>>) {add = true}
        %dma_wait3A_117 = arith.constant 0 : i32
        %dma_wait3A_118 = arith.constant 0 : i32
        %dma_wait3A_119 = tpu.memref_slice %arg13[%dma_wait3A_117, %dma_wait3A_118] : memref<10240x128xf32, #tpu.memory_space<vmem_shared>> -> memref<10240x128xf32, #tpu.memory_space<vmem_shared>>
        tpu.wait_indirect_dma semaphore(%run_scoped3A : memref<!tpu.dma_semaphore, #tpu.memory_space<semaphore_mem>>) src(%arg12 : memref<128x128xf32, #tpu.memory_space<vmem>>) dst(%dma_wait3A_119 : memref<10240x128xf32, #tpu.memory_space<vmem_shared>>)
        tpu.yield
      }) : () -> ()
      %add3A_100 = arith.constant 2 : i32
      %add3A_101 = arith.addi %add3A_82, %add3A_100 : i32
      %lt3A_102 = arith.constant 80 : i32
      %lt3A_103 = arith.cmpi slt, %add3A_101, %lt3A_102 : i32
      %convert_element_type3A_104 = arith.extui %lt3A_103 : i1 to i32
      %cond3A_105 = arith.constant 0 : i32
      %cond3A_106 = arith.cmpi ne, %convert_element_type3A_104, %cond3A_105 : i32
      scf.if %cond3A_106 {
        %add3A_114 = arith.constant 2 : i32
        %add3A_115 = arith.addi %add3A_82, %add3A_114 : i32
        %mul3A_116 = arith.constant 128 : i32
        %mul3A_117 = arith.muli %add3A_115, %mul3A_116 : i32
        %add3A_118 = arith.addi %mul3A_8, %mul3A_117 : i32
        %dma_wait3A_119 = tpu.memref_slice %arg3[%add3A_118] : memref<655360xi32, #tpu.memory_space<hbm>> -> memref<128xi32, #tpu.memory_space<hbm>>
        %dma_wait3A_120 = tpu.memref_slice %arg3[%add3A_118] : memref<655360xi32, #tpu.memory_space<hbm>> -> memref<128xi32, #tpu.memory_space<hbm>>
        tpu.wait_dma2 semaphore(%arg16 : memref<!tpu.dma_semaphore, #tpu.memory_space<semaphore_mem>>) src(%dma_wait3A_120 : memref<128xi32, #tpu.memory_space<hbm>>) dst(%arg7 : memref<128xi32, #tpu.memory_space<vmem>>)
        %add3A_121 = arith.addi %mul3A_0, %mul3A_117 : i32
        %dma_wait3A_122 = tpu.memref_slice %arg4[%add3A_121] : memref<163840xi32, #tpu.memory_space<hbm>> -> memref<128xi32, #tpu.memory_space<hbm>>
        %dma_wait3A_123 = tpu.memref_slice %arg4[%add3A_121] : memref<163840xi32, #tpu.memory_space<hbm>> -> memref<128xi32, #tpu.memory_space<hbm>>
        tpu.wait_dma2 semaphore(%arg16 : memref<!tpu.dma_semaphore, #tpu.memory_space<semaphore_mem>>) src(%dma_wait3A_123 : memref<128xi32, #tpu.memory_space<hbm>>) dst(%arg9 : memref<128xi32, #tpu.memory_space<vmem>>)
        %dma_start3A_124 = arith.constant 0 : i32
        %dma_start3A_125 = arith.constant 0 : i32
        %dma_start3A_126 = tpu.memref_slice %arg2[%dma_start3A_124, %dma_start3A_125] : memref<40960x128xf32, #tpu.memory_space<hbm>> -> memref<40960x128xf32, #tpu.memory_space<hbm>>
        tpu.enqueue_indirect_dma source(%dma_start3A_126 : memref<40960x128xf32, #tpu.memory_space<hbm>>) target(%arg11 : memref<128x128xf32, #tpu.memory_space<vmem>>) offsets(%arg7 : memref<128xi32, #tpu.memory_space<vmem>>) semaphore(%arg14 : memref<!tpu.dma_semaphore, #tpu.memory_space<semaphore_mem>>)
      } else {
      }
      %add3A_107 = arith.constant 3 : i32
      %add3A_108 = arith.addi %add3A_82, %add3A_107 : i32
      %lt3A_109 = arith.constant 80 : i32
      %lt3A_110 = arith.cmpi slt, %add3A_108, %lt3A_109 : i32
      %convert_element_type3A_111 = arith.extui %lt3A_110 : i1 to i32
      %cond3A_112 = arith.constant 0 : i32
      %cond3A_113 = arith.cmpi ne, %convert_element_type3A_111, %cond3A_112 : i32
      scf.if %cond3A_113 {
        %add3A_114 = arith.constant 3 : i32
        %add3A_115 = arith.addi %add3A_82, %add3A_114 : i32
        %mul3A_116 = arith.constant 128 : i32
        %mul3A_117 = arith.muli %add3A_115, %mul3A_116 : i32
        %add3A_118 = arith.addi %mul3A_8, %mul3A_117 : i32
        %dma_start3A_119 = tpu.memref_slice %arg3[%add3A_118] : memref<655360xi32, #tpu.memory_space<hbm>> -> memref<128xi32, #tpu.memory_space<hbm>>
        %dma_start3A_120 = tpu.memref_slice %arg3[%add3A_118] : memref<655360xi32, #tpu.memory_space<hbm>> -> memref<128xi32, #tpu.memory_space<hbm>>
        tpu.enqueue_dma source(%dma_start3A_120 : memref<128xi32, #tpu.memory_space<hbm>>) target(%arg8 : memref<128xi32, #tpu.memory_space<vmem>>) target_semaphore(%arg17 : memref<!tpu.dma_semaphore, #tpu.memory_space<semaphore_mem>>)
        %add3A_121 = arith.addi %mul3A_0, %mul3A_117 : i32
        %dma_start3A_122 = tpu.memref_slice %arg4[%add3A_121] : memref<163840xi32, #tpu.memory_space<hbm>> -> memref<128xi32, #tpu.memory_space<hbm>>
        %dma_start3A_123 = tpu.memref_slice %arg4[%add3A_121] : memref<163840xi32, #tpu.memory_space<hbm>> -> memref<128xi32, #tpu.memory_space<hbm>>
        tpu.enqueue_dma source(%dma_start3A_123 : memref<128xi32, #tpu.memory_space<hbm>>) target(%arg10 : memref<128xi32, #tpu.memory_space<vmem>>) target_semaphore(%arg17 : memref<!tpu.dma_semaphore, #tpu.memory_space<semaphore_mem>>)
      } else {
      }
    }
    %scan3A_31 = arith.constant 40 : i32
    %barrier3A_32 = arith.constant 0 : index
    tpu.barrier barrier_id(%barrier3A_32)
    %mul3A_33 = arith.constant 640 : i32
    %mul3A_34 = arith.muli %arg1, %mul3A_33 : i32
    %mul3A_35 = arith.constant 640 : i32
    %mul3A_36 = arith.muli %arg1, %mul3A_35 : i32
    "tpu.region"() ({
      %run_scoped3A = tpu.sem_alloc : memref<!tpu.dma_semaphore, #tpu.memory_space<semaphore_mem>>
      %dma_start3A_78 = arith.constant 0 : i32
      %dma_start3A_79 = tpu.memref_slice %arg6[%add3A_3, %mul3A_36, %dma_start3A_78] : memref<4x10240x128xf32, #tpu.memory_space<hbm>> -> memref<1x640x128xf32, #tpu.memory_space<hbm>>
      %dma_start3A_80 = tpu.memref_squeeze %dma_start3A_79 : memref<1x640x128xf32, #tpu.memory_space<hbm>> -> memref<640x128xf32, #tpu.memory_space<hbm>>
      %dma_start3A_81 = arith.constant 0 : i32
      %dma_start3A_82 = tpu.memref_slice %arg13[%mul3A_34, %dma_start3A_81] : memref<10240x128xf32, #tpu.memory_space<vmem_shared>> -> memref<640x128xf32, #tpu.memory_space<vmem_shared>>
      tpu.enqueue_dma source(%dma_start3A_82 : memref<640x128xf32, #tpu.memory_space<vmem_shared>>) target(%dma_start3A_80 : memref<640x128xf32, #tpu.memory_space<hbm>>) target_semaphore(%run_scoped3A : memref<!tpu.dma_semaphore, #tpu.memory_space<semaphore_mem>>)
      %dma_wait3A_83 = arith.constant 0 : i32
      %dma_wait3A_84 = tpu.memref_slice %arg6[%add3A_3, %mul3A_36, %dma_wait3A_83] : memref<4x10240x128xf32, #tpu.memory_space<hbm>> -> memref<1x640x128xf32, #tpu.memory_space<hbm>>
      %dma_wait3A_85 = tpu.memref_squeeze %dma_wait3A_84 : memref<1x640x128xf32, #tpu.memory_space<hbm>> -> memref<640x128xf32, #tpu.memory_space<hbm>>
      %dma_wait3A_86 = arith.constant 0 : i32
      %dma_wait3A_87 = tpu.memref_slice %arg13[%mul3A_34, %dma_wait3A_86] : memref<10240x128xf32, #tpu.memory_space<vmem_shared>> -> memref<640x128xf32, #tpu.memory_space<vmem_shared>>
      tpu.wait_dma2 semaphore(%run_scoped3A : memref<!tpu.dma_semaphore, #tpu.memory_space<semaphore_mem>>) src(%dma_wait3A_87 : memref<640x128xf32, #tpu.memory_space<vmem_shared>>) dst(%dma_wait3A_85 : memref<640x128xf32, #tpu.memory_space<hbm>>)
      tpu.yield
    }) : () -> ()
    %mul3A_37 = arith.constant 2 : i32
    %mul3A_38 = arith.muli %arg0, %mul3A_37 : i32
    %add3A_39 = arith.constant 1 : i32
    %add3A_40 = arith.addi %mul3A_38, %add3A_39 : i32
    %mul3A_41 = arith.constant 16 : i32
    %mul3A_42 = arith.muli %add3A_40, %mul3A_41 : i32
    %add3A_43 = arith.addi %mul3A_42, %arg1 : i32
    %mul3A_44 = arith.constant 10240 : i32
    %mul3A_45 = arith.muli %add3A_43, %mul3A_44 : i32
    %dma_start3A_46 = tpu.memref_slice %arg3[%mul3A_45] : memref<655360xi32, #tpu.memory_space<hbm>> -> memref<128xi32, #tpu.memory_space<hbm>>
    %dma_start3A_47 = tpu.memref_slice %arg3[%mul3A_45] : memref<655360xi32, #tpu.memory_space<hbm>> -> memref<128xi32, #tpu.memory_space<hbm>>
    tpu.enqueue_dma source(%dma_start3A_47 : memref<128xi32, #tpu.memory_space<hbm>>) target(%arg7 : memref<128xi32, #tpu.memory_space<vmem>>) target_semaphore(%arg16 : memref<!tpu.dma_semaphore, #tpu.memory_space<semaphore_mem>>)
    %dma_start3A_48 = tpu.memref_slice %arg4[%mul3A_0] : memref<163840xi32, #tpu.memory_space<hbm>> -> memref<128xi32, #tpu.memory_space<hbm>>
    %dma_start3A_49 = tpu.memref_slice %arg4[%mul3A_0] : memref<163840xi32, #tpu.memory_space<hbm>> -> memref<128xi32, #tpu.memory_space<hbm>>
    tpu.enqueue_dma source(%dma_start3A_49 : memref<128xi32, #tpu.memory_space<hbm>>) target(%arg9 : memref<128xi32, #tpu.memory_space<vmem>>) target_semaphore(%arg16 : memref<!tpu.dma_semaphore, #tpu.memory_space<semaphore_mem>>)
    %add3A_50 = arith.constant 128 : i32
    %add3A_51 = arith.addi %mul3A_45, %add3A_50 : i32
    %dma_start3A_52 = tpu.memref_slice %arg3[%add3A_51] : memref<655360xi32, #tpu.memory_space<hbm>> -> memref<128xi32, #tpu.memory_space<hbm>>
    %dma_start3A_53 = tpu.memref_slice %arg3[%add3A_51] : memref<655360xi32, #tpu.memory_space<hbm>> -> memref<128xi32, #tpu.memory_space<hbm>>
    tpu.enqueue_dma source(%dma_start3A_53 : memref<128xi32, #tpu.memory_space<hbm>>) target(%arg8 : memref<128xi32, #tpu.memory_space<vmem>>) target_semaphore(%arg17 : memref<!tpu.dma_semaphore, #tpu.memory_space<semaphore_mem>>)
    %add3A_54 = arith.constant 128 : i32
    %add3A_55 = arith.addi %mul3A_0, %add3A_54 : i32
    %dma_start3A_56 = tpu.memref_slice %arg4[%add3A_55] : memref<163840xi32, #tpu.memory_space<hbm>> -> memref<128xi32, #tpu.memory_space<hbm>>
    %dma_start3A_57 = tpu.memref_slice %arg4[%add3A_55] : memref<163840xi32, #tpu.memory_space<hbm>> -> memref<128xi32, #tpu.memory_space<hbm>>
    tpu.enqueue_dma source(%dma_start3A_57 : memref<128xi32, #tpu.memory_space<hbm>>) target(%arg10 : memref<128xi32, #tpu.memory_space<vmem>>) target_semaphore(%arg17 : memref<!tpu.dma_semaphore, #tpu.memory_space<semaphore_mem>>)
    %mul3A_58 = arith.constant 640 : i32
    %mul3A_59 = arith.muli %arg1, %mul3A_58 : i32
    "tpu.region"() ({
      %run_scoped3A = tpu.sem_alloc : memref<!tpu.dma_semaphore, #tpu.memory_space<semaphore_mem>>
      %dma_start3A_78 = arith.constant 0 : i32
      %dma_start3A_79 = tpu.memref_slice %arg13[%mul3A_59, %dma_start3A_78] : memref<10240x128xf32, #tpu.memory_space<vmem_shared>> -> memref<640x128xf32, #tpu.memory_space<vmem_shared>>
      tpu.enqueue_dma source(%arg5 : memref<640x128xf32, #tpu.memory_space<hbm>>) target(%dma_start3A_79 : memref<640x128xf32, #tpu.memory_space<vmem_shared>>) target_semaphore(%run_scoped3A : memref<!tpu.dma_semaphore, #tpu.memory_space<semaphore_mem>>)
      %dma_wait3A_80 = arith.constant 0 : i32
      %dma_wait3A_81 = tpu.memref_slice %arg13[%mul3A_59, %dma_wait3A_80] : memref<10240x128xf32, #tpu.memory_space<vmem_shared>> -> memref<640x128xf32, #tpu.memory_space<vmem_shared>>
      tpu.wait_dma2 semaphore(%run_scoped3A : memref<!tpu.dma_semaphore, #tpu.memory_space<semaphore_mem>>) src(%arg5 : memref<640x128xf32, #tpu.memory_space<hbm>>) dst(%dma_wait3A_81 : memref<640x128xf32, #tpu.memory_space<vmem_shared>>)
      tpu.yield
    }) : () -> ()
    %barrier3A_60 = arith.constant 0 : index
    tpu.barrier barrier_id(%barrier3A_60)
    %dma_wait3A_61 = tpu.memref_slice %arg3[%mul3A_45] : memref<655360xi32, #tpu.memory_space<hbm>> -> memref<128xi32, #tpu.memory_space<hbm>>
    %dma_wait3A_62 = tpu.memref_slice %arg3[%mul3A_45] : memref<655360xi32, #tpu.memory_space<hbm>> -> memref<128xi32, #tpu.memory_space<hbm>>
    tpu.wait_dma2 semaphore(%arg16 : memref<!tpu.dma_semaphore, #tpu.memory_space<semaphore_mem>>) src(%dma_wait3A_62 : memref<128xi32, #tpu.memory_space<hbm>>) dst(%arg7 : memref<128xi32, #tpu.memory_space<vmem>>)
    %dma_wait3A_63 = tpu.memref_slice %arg4[%mul3A_0] : memref<163840xi32, #tpu.memory_space<hbm>> -> memref<128xi32, #tpu.memory_space<hbm>>
    %dma_wait3A_64 = tpu.memref_slice %arg4[%mul3A_0] : memref<163840xi32, #tpu.memory_space<hbm>> -> memref<128xi32, #tpu.memory_space<hbm>>
    tpu.wait_dma2 semaphore(%arg16 : memref<!tpu.dma_semaphore, #tpu.memory_space<semaphore_mem>>) src(%dma_wait3A_64 : memref<128xi32, #tpu.memory_space<hbm>>) dst(%arg9 : memref<128xi32, #tpu.memory_space<vmem>>)
    %dma_start3A_65 = arith.constant 0 : i32
    %dma_start3A_66 = arith.constant 0 : i32
    %dma_start3A_67 = tpu.memref_slice %arg2[%dma_start3A_65, %dma_start3A_66] : memref<40960x128xf32, #tpu.memory_space<hbm>> -> memref<40960x128xf32, #tpu.memory_space<hbm>>
    tpu.enqueue_indirect_dma source(%dma_start3A_67 : memref<40960x128xf32, #tpu.memory_space<hbm>>) target(%arg11 : memref<128x128xf32, #tpu.memory_space<vmem>>) offsets(%arg7 : memref<128xi32, #tpu.memory_space<vmem>>) semaphore(%arg14 : memref<!tpu.dma_semaphore, #tpu.memory_space<semaphore_mem>>)
    %scan3A_68 = arith.constant 0 : i32
    %scan3A_69 = arith.constant 40 : i32
    %scan3A_70 = arith.addi %scan3A_68, %scan3A_69 : i32
    %scan3A_71 = arith.constant 1 : i32
    scf.for %scan3A_78 = %scan3A_68 to %scan3A_70 step %scan3A_71  : i32 {
      %mul3A_79 = arith.constant 2 : i32
      %mul3A_80 = arith.muli %scan3A_78, %mul3A_79 : i32
      %add3A_81 = arith.constant 0 : i32
      %add3A_82 = arith.addi %add3A_81, %mul3A_80 : i32
      %dma_wait3A_83 = tpu.memref_slice %arg3[%mul3A_45] : memref<655360xi32, #tpu.memory_space<hbm>> -> memref<128xi32, #tpu.memory_space<hbm>>
      %dma_wait3A_84 = tpu.memref_slice %arg3[%mul3A_45] : memref<655360xi32, #tpu.memory_space<hbm>> -> memref<128xi32, #tpu.memory_space<hbm>>
      tpu.wait_dma2 semaphore(%arg17 : memref<!tpu.dma_semaphore, #tpu.memory_space<semaphore_mem>>) src(%dma_wait3A_84 : memref<128xi32, #tpu.memory_space<hbm>>) dst(%arg8 : memref<128xi32, #tpu.memory_space<vmem>>)
      %dma_wait3A_85 = tpu.memref_slice %arg4[%mul3A_0] : memref<163840xi32, #tpu.memory_space<hbm>> -> memref<128xi32, #tpu.memory_space<hbm>>
      %dma_wait3A_86 = tpu.memref_slice %arg4[%mul3A_0] : memref<163840xi32, #tpu.memory_space<hbm>> -> memref<128xi32, #tpu.memory_space<hbm>>
      tpu.wait_dma2 semaphore(%arg17 : memref<!tpu.dma_semaphore, #tpu.memory_space<semaphore_mem>>) src(%dma_wait3A_86 : memref<128xi32, #tpu.memory_space<hbm>>) dst(%arg10 : memref<128xi32, #tpu.memory_space<vmem>>)
      %dma_start3A_87 = arith.constant 0 : i32
      %dma_start3A_88 = arith.constant 0 : i32
      %dma_start3A_89 = tpu.memref_slice %arg2[%dma_start3A_87, %dma_start3A_88] : memref<40960x128xf32, #tpu.memory_space<hbm>> -> memref<40960x128xf32, #tpu.memory_space<hbm>>
      tpu.enqueue_indirect_dma source(%dma_start3A_89 : memref<40960x128xf32, #tpu.memory_space<hbm>>) target(%arg12 : memref<128x128xf32, #tpu.memory_space<vmem>>) offsets(%arg8 : memref<128xi32, #tpu.memory_space<vmem>>) semaphore(%arg15 : memref<!tpu.dma_semaphore, #tpu.memory_space<semaphore_mem>>)
      %dma_wait3A_90 = arith.constant 0 : i32
      %dma_wait3A_91 = arith.constant 0 : i32
      %dma_wait3A_92 = tpu.memref_slice %arg2[%dma_wait3A_90, %dma_wait3A_91] : memref<40960x128xf32, #tpu.memory_space<hbm>> -> memref<40960x128xf32, #tpu.memory_space<hbm>>
      tpu.wait_indirect_dma semaphore(%arg14 : memref<!tpu.dma_semaphore, #tpu.memory_space<semaphore_mem>>) src(%dma_wait3A_92 : memref<40960x128xf32, #tpu.memory_space<hbm>>) dst(%arg11 : memref<128x128xf32, #tpu.memory_space<vmem>>)
      "tpu.region"() ({
        %run_scoped3A = tpu.sem_alloc : memref<!tpu.dma_semaphore, #tpu.memory_space<semaphore_mem>>
        %dma_start3A_114 = arith.constant 0 : i32
        %dma_start3A_115 = arith.constant 0 : i32
        %dma_start3A_116 = tpu.memref_slice %arg13[%dma_start3A_114, %dma_start3A_115] : memref<10240x128xf32, #tpu.memory_space<vmem_shared>> -> memref<10240x128xf32, #tpu.memory_space<vmem_shared>>
        tpu.enqueue_indirect_dma source(%arg11 : memref<128x128xf32, #tpu.memory_space<vmem>>) target(%dma_start3A_116 : memref<10240x128xf32, #tpu.memory_space<vmem_shared>>) offsets(%arg9 : memref<128xi32, #tpu.memory_space<vmem>>) semaphore(%run_scoped3A : memref<!tpu.dma_semaphore, #tpu.memory_space<semaphore_mem>>) {add = true}
        %dma_wait3A_117 = arith.constant 0 : i32
        %dma_wait3A_118 = arith.constant 0 : i32
        %dma_wait3A_119 = tpu.memref_slice %arg13[%dma_wait3A_117, %dma_wait3A_118] : memref<10240x128xf32, #tpu.memory_space<vmem_shared>> -> memref<10240x128xf32, #tpu.memory_space<vmem_shared>>
        tpu.wait_indirect_dma semaphore(%run_scoped3A : memref<!tpu.dma_semaphore, #tpu.memory_space<semaphore_mem>>) src(%arg11 : memref<128x128xf32, #tpu.memory_space<vmem>>) dst(%dma_wait3A_119 : memref<10240x128xf32, #tpu.memory_space<vmem_shared>>)
        tpu.yield
      }) : () -> ()
      %add3A_93 = arith.constant 2 : i32
      %add3A_94 = arith.addi %add3A_82, %add3A_93 : i32
      %lt3A = arith.constant 80 : i32
      %lt3A_95 = arith.cmpi slt, %add3A_94, %lt3A : i32
      %convert_element_type3A = arith.extui %lt3A_95 : i1 to i32
      %cond3A = arith.constant 0 : i32
      %cond3A_96 = arith.cmpi ne, %convert_element_type3A, %cond3A : i32
      scf.if %cond3A_96 {
        %add3A_114 = arith.constant 2 : i32
        %add3A_115 = arith.addi %add3A_82, %add3A_114 : i32
        %mul3A_116 = arith.constant 128 : i32
        %mul3A_117 = arith.muli %add3A_115, %mul3A_116 : i32
        %add3A_118 = arith.addi %mul3A_45, %mul3A_117 : i32
        %dma_start3A_119 = tpu.memref_slice %arg3[%add3A_118] : memref<655360xi32, #tpu.memory_space<hbm>> -> memref<128xi32, #tpu.memory_space<hbm>>
        %dma_start3A_120 = tpu.memref_slice %arg3[%add3A_118] : memref<655360xi32, #tpu.memory_space<hbm>> -> memref<128xi32, #tpu.memory_space<hbm>>
        tpu.enqueue_dma source(%dma_start3A_120 : memref<128xi32, #tpu.memory_space<hbm>>) target(%arg7 : memref<128xi32, #tpu.memory_space<vmem>>) target_semaphore(%arg16 : memref<!tpu.dma_semaphore, #tpu.memory_space<semaphore_mem>>)
        %add3A_121 = arith.addi %mul3A_0, %mul3A_117 : i32
        %dma_start3A_122 = tpu.memref_slice %arg4[%add3A_121] : memref<163840xi32, #tpu.memory_space<hbm>> -> memref<128xi32, #tpu.memory_space<hbm>>
        %dma_start3A_123 = tpu.memref_slice %arg4[%add3A_121] : memref<163840xi32, #tpu.memory_space<hbm>> -> memref<128xi32, #tpu.memory_space<hbm>>
        tpu.enqueue_dma source(%dma_start3A_123 : memref<128xi32, #tpu.memory_space<hbm>>) target(%arg9 : memref<128xi32, #tpu.memory_space<vmem>>) target_semaphore(%arg16 : memref<!tpu.dma_semaphore, #tpu.memory_space<semaphore_mem>>)
      } else {
      }
      %dma_wait3A_97 = arith.constant 0 : i32
      %dma_wait3A_98 = arith.constant 0 : i32
      %dma_wait3A_99 = tpu.memref_slice %arg2[%dma_wait3A_97, %dma_wait3A_98] : memref<40960x128xf32, #tpu.memory_space<hbm>> -> memref<40960x128xf32, #tpu.memory_space<hbm>>
      tpu.wait_indirect_dma semaphore(%arg15 : memref<!tpu.dma_semaphore, #tpu.memory_space<semaphore_mem>>) src(%dma_wait3A_99 : memref<40960x128xf32, #tpu.memory_space<hbm>>) dst(%arg12 : memref<128x128xf32, #tpu.memory_space<vmem>>)
      "tpu.region"() ({
        %run_scoped3A = tpu.sem_alloc : memref<!tpu.dma_semaphore, #tpu.memory_space<semaphore_mem>>
        %dma_start3A_114 = arith.constant 0 : i32
        %dma_start3A_115 = arith.constant 0 : i32
        %dma_start3A_116 = tpu.memref_slice %arg13[%dma_start3A_114, %dma_start3A_115] : memref<10240x128xf32, #tpu.memory_space<vmem_shared>> -> memref<10240x128xf32, #tpu.memory_space<vmem_shared>>
        tpu.enqueue_indirect_dma source(%arg12 : memref<128x128xf32, #tpu.memory_space<vmem>>) target(%dma_start3A_116 : memref<10240x128xf32, #tpu.memory_space<vmem_shared>>) offsets(%arg10 : memref<128xi32, #tpu.memory_space<vmem>>) semaphore(%run_scoped3A : memref<!tpu.dma_semaphore, #tpu.memory_space<semaphore_mem>>) {add = true}
        %dma_wait3A_117 = arith.constant 0 : i32
        %dma_wait3A_118 = arith.constant 0 : i32
        %dma_wait3A_119 = tpu.memref_slice %arg13[%dma_wait3A_117, %dma_wait3A_118] : memref<10240x128xf32, #tpu.memory_space<vmem_shared>> -> memref<10240x128xf32, #tpu.memory_space<vmem_shared>>
        tpu.wait_indirect_dma semaphore(%run_scoped3A : memref<!tpu.dma_semaphore, #tpu.memory_space<semaphore_mem>>) src(%arg12 : memref<128x128xf32, #tpu.memory_space<vmem>>) dst(%dma_wait3A_119 : memref<10240x128xf32, #tpu.memory_space<vmem_shared>>)
        tpu.yield
      }) : () -> ()
      %add3A_100 = arith.constant 2 : i32
      %add3A_101 = arith.addi %add3A_82, %add3A_100 : i32
      %lt3A_102 = arith.constant 80 : i32
      %lt3A_103 = arith.cmpi slt, %add3A_101, %lt3A_102 : i32
      %convert_element_type3A_104 = arith.extui %lt3A_103 : i1 to i32
      %cond3A_105 = arith.constant 0 : i32
      %cond3A_106 = arith.cmpi ne, %convert_element_type3A_104, %cond3A_105 : i32
      scf.if %cond3A_106 {
        %add3A_114 = arith.constant 2 : i32
        %add3A_115 = arith.addi %add3A_82, %add3A_114 : i32
        %mul3A_116 = arith.constant 128 : i32
        %mul3A_117 = arith.muli %add3A_115, %mul3A_116 : i32
        %add3A_118 = arith.addi %mul3A_45, %mul3A_117 : i32
        %dma_wait3A_119 = tpu.memref_slice %arg3[%add3A_118] : memref<655360xi32, #tpu.memory_space<hbm>> -> memref<128xi32, #tpu.memory_space<hbm>>
        %dma_wait3A_120 = tpu.memref_slice %arg3[%add3A_118] : memref<655360xi32, #tpu.memory_space<hbm>> -> memref<128xi32, #tpu.memory_space<hbm>>
        tpu.wait_dma2 semaphore(%arg16 : memref<!tpu.dma_semaphore, #tpu.memory_space<semaphore_mem>>) src(%dma_wait3A_120 : memref<128xi32, #tpu.memory_space<hbm>>) dst(%arg7 : memref<128xi32, #tpu.memory_space<vmem>>)
        %add3A_121 = arith.addi %mul3A_0, %mul3A_117 : i32
        %dma_wait3A_122 = tpu.memref_slice %arg4[%add3A_121] : memref<163840xi32, #tpu.memory_space<hbm>> -> memref<128xi32, #tpu.memory_space<hbm>>
        %dma_wait3A_123 = tpu.memref_slice %arg4[%add3A_121] : memref<163840xi32, #tpu.memory_space<hbm>> -> memref<128xi32, #tpu.memory_space<hbm>>
        tpu.wait_dma2 semaphore(%arg16 : memref<!tpu.dma_semaphore, #tpu.memory_space<semaphore_mem>>) src(%dma_wait3A_123 : memref<128xi32, #tpu.memory_space<hbm>>) dst(%arg9 : memref<128xi32, #tpu.memory_space<vmem>>)
        %dma_start3A_124 = arith.constant 0 : i32
        %dma_start3A_125 = arith.constant 0 : i32
        %dma_start3A_126 = tpu.memref_slice %arg2[%dma_start3A_124, %dma_start3A_125] : memref<40960x128xf32, #tpu.memory_space<hbm>> -> memref<40960x128xf32, #tpu.memory_space<hbm>>
        tpu.enqueue_indirect_dma source(%dma_start3A_126 : memref<40960x128xf32, #tpu.memory_space<hbm>>) target(%arg11 : memref<128x128xf32, #tpu.memory_space<vmem>>) offsets(%arg7 : memref<128xi32, #tpu.memory_space<vmem>>) semaphore(%arg14 : memref<!tpu.dma_semaphore, #tpu.memory_space<semaphore_mem>>)
      } else {
      }
      %add3A_107 = arith.constant 3 : i32
      %add3A_108 = arith.addi %add3A_82, %add3A_107 : i32
      %lt3A_109 = arith.constant 80 : i32
      %lt3A_110 = arith.cmpi slt, %add3A_108, %lt3A_109 : i32
      %convert_element_type3A_111 = arith.extui %lt3A_110 : i1 to i32
      %cond3A_112 = arith.constant 0 : i32
      %cond3A_113 = arith.cmpi ne, %convert_element_type3A_111, %cond3A_112 : i32
      scf.if %cond3A_113 {
        %add3A_114 = arith.constant 3 : i32
        %add3A_115 = arith.addi %add3A_82, %add3A_114 : i32
        %mul3A_116 = arith.constant 128 : i32
        %mul3A_117 = arith.muli %add3A_115, %mul3A_116 : i32
        %add3A_118 = arith.addi %mul3A_45, %mul3A_117 : i32
        %dma_start3A_119 = tpu.memref_slice %arg3[%add3A_118] : memref<655360xi32, #tpu.memory_space<hbm>> -> memref<128xi32, #tpu.memory_space<hbm>>
        %dma_start3A_120 = tpu.memref_slice %arg3[%add3A_118] : memref<655360xi32, #tpu.memory_space<hbm>> -> memref<128xi32, #tpu.memory_space<hbm>>
        tpu.enqueue_dma source(%dma_start3A_120 : memref<128xi32, #tpu.memory_space<hbm>>) target(%arg8 : memref<128xi32, #tpu.memory_space<vmem>>) target_semaphore(%arg17 : memref<!tpu.dma_semaphore, #tpu.memory_space<semaphore_mem>>)
        %add3A_121 = arith.addi %mul3A_0, %mul3A_117 : i32
        %dma_start3A_122 = tpu.memref_slice %arg4[%add3A_121] : memref<163840xi32, #tpu.memory_space<hbm>> -> memref<128xi32, #tpu.memory_space<hbm>>
        %dma_start3A_123 = tpu.memref_slice %arg4[%add3A_121] : memref<163840xi32, #tpu.memory_space<hbm>> -> memref<128xi32, #tpu.memory_space<hbm>>
        tpu.enqueue_dma source(%dma_start3A_123 : memref<128xi32, #tpu.memory_space<hbm>>) target(%arg10 : memref<128xi32, #tpu.memory_space<vmem>>) target_semaphore(%arg17 : memref<!tpu.dma_semaphore, #tpu.memory_space<semaphore_mem>>)
      } else {
      }
    }
    %scan3A_72 = arith.constant 40 : i32
    %barrier3A_73 = arith.constant 0 : index
    tpu.barrier barrier_id(%barrier3A_73)
    %mul3A_74 = arith.constant 640 : i32
    %mul3A_75 = arith.muli %arg1, %mul3A_74 : i32
    %mul3A_76 = arith.constant 640 : i32
    %mul3A_77 = arith.muli %arg1, %mul3A_76 : i32
    "tpu.region"() ({
      %run_scoped3A = tpu.sem_alloc : memref<!tpu.dma_semaphore, #tpu.memory_space<semaphore_mem>>
      %dma_start3A_78 = arith.constant 0 : i32
      %dma_start3A_79 = tpu.memref_slice %arg6[%add3A_40, %mul3A_77, %dma_start3A_78] : memref<4x10240x128xf32, #tpu.memory_space<hbm>> -> memref<1x640x128xf32, #tpu.memory_space<hbm>>
      %dma_start3A_80 = tpu.memref_squeeze %dma_start3A_79 : memref<1x640x128xf32, #tpu.memory_space<hbm>> -> memref<640x128xf32, #tpu.memory_space<hbm>>
      %dma_start3A_81 = arith.constant 0 : i32
      %dma_start3A_82 = tpu.memref_slice %arg13[%mul3A_75, %dma_start3A_81] : memref<10240x128xf32, #tpu.memory_space<vmem_shared>> -> memref<640x128xf32, #tpu.memory_space<vmem_shared>>
      tpu.enqueue_dma source(%dma_start3A_82 : memref<640x128xf32, #tpu.memory_space<vmem_shared>>) target(%dma_start3A_80 : memref<640x128xf32, #tpu.memory_space<hbm>>) target_semaphore(%run_scoped3A : memref<!tpu.dma_semaphore, #tpu.memory_space<semaphore_mem>>)
      %dma_wait3A_83 = arith.constant 0 : i32
      %dma_wait3A_84 = tpu.memref_slice %arg6[%add3A_40, %mul3A_77, %dma_wait3A_83] : memref<4x10240x128xf32, #tpu.memory_space<hbm>> -> memref<1x640x128xf32, #tpu.memory_space<hbm>>
      %dma_wait3A_85 = tpu.memref_squeeze %dma_wait3A_84 : memref<1x640x128xf32, #tpu.memory_space<hbm>> -> memref<640x128xf32, #tpu.memory_space<hbm>>
      %dma_wait3A_86 = arith.constant 0 : i32
      %dma_wait3A_87 = tpu.memref_slice %arg13[%mul3A_75, %dma_wait3A_86] : memref<10240x128xf32, #tpu.memory_space<vmem_shared>> -> memref<640x128xf32, #tpu.memory_space<vmem_shared>>
      tpu.wait_dma2 semaphore(%run_scoped3A : memref<!tpu.dma_semaphore, #tpu.memory_space<semaphore_mem>>) src(%dma_wait3A_87 : memref<640x128xf32, #tpu.memory_space<vmem_shared>>) dst(%dma_wait3A_85 : memref<640x128xf32, #tpu.memory_space<hbm>>)
      tpu.yield
    }) : () -> ()
    return
  }
}

#map = affine_map<(d0, d1) -> (0, 0)>
#map1 = affine_map<(d0, d1) -> (0)>
#map2 = affine_map<(d0, d1) -> (0, 0, 0)>
module attributes {stable_mosaic.version = 14 : i64} {
  func.func @msg_kernel(%arg0: i32, %arg1: i32, %arg2: memref<40960x128xf32, #tpu.memory_space<hbm>>, %arg3: memref<655360xi32, #tpu.memory_space<hbm>>, %arg4: memref<163840xi32, #tpu.memory_space<hbm>>, %arg5: memref<640x128xf32, #tpu.memory_space<hbm>>, %arg6: memref<4x10240x128xf32, #tpu.memory_space<hbm>>, %arg7: memref<128xi32, #tpu.memory_space<vmem>>, %arg8: memref<128xi32, #tpu.memory_space<vmem>>, %arg9: memref<128xi32, #tpu.memory_space<vmem>>, %arg10: memref<128xi32, #tpu.memory_space<vmem>>, %arg11: memref<128x128xf32, #tpu.memory_space<vmem>>, %arg12: memref<128x128xf32, #tpu.memory_space<vmem>>, %arg13: memref<10240x128xf32, #tpu.memory_space<vmem_shared>>, %arg14: memref<!tpu.dma_semaphore, #tpu.memory_space<semaphore_mem>>, %arg15: memref<!tpu.dma_semaphore, #tpu.memory_space<semaphore_mem>>, %arg16: memref<!tpu.dma_semaphore, #tpu.memory_space<semaphore_mem>>, %arg17: memref<!tpu.dma_semaphore, #tpu.memory_space<semaphore_mem>>) attributes {dimension_semantics = [#tpu.dimension_semantics<core_parallel>, #tpu.dimension_semantics<subcore_parallel>], iteration_bounds = array<i64: 2, 16>, scalar_prefetch = 0 : i64, scratch_operands = 11 : i64, tpu.core_type = #tpu.core_type<sc_vector_subcore>, window_params = [{transform_indices = #map}, {transform_indices = #map1}, {transform_indices = #map1}, {transform_indices = #map}, {transform_indices = #map2}]} {
    %mul3A = arith.constant 10240 : i32
    %mul3A_0 = arith.muli %arg1, %mul3A : i32
    %mul3A_1 = arith.constant 2 : i32
    %mul3A_2 = arith.muli %arg0, %mul3A_1 : i32
    %add3A = arith.constant 0 : i32
    %add3A_3 = arith.addi %mul3A_2, %add3A : i32
    %mul3A_4 = arith.constant 16 : i32
    %mul3A_5 = arith.muli %add3A_3, %mul3A_4 : i32
    %add3A_6 = arith.addi %mul3A_5, %arg1 : i32
    %mul3A_7 = arith.constant 10240 : i32
    %mul3A_8 = arith.muli %add3A_6, %mul3A_7 : i32
    %dma_start3A = tpu.memref_slice %arg3[%mul3A_8] : memref<655360xi32, #tpu.memory_space<hbm>> -> memref<128xi32, #tpu.memory_space<hbm>>
    %dma_start3A_9 = tpu.memref_slice %arg3[%mul3A_8] : memref<655360xi32, #tpu.memory_space<hbm>> -> memref<128xi32, #tpu.memory_space<hbm>>
    tpu.enqueue_dma source(%dma_start3A_9 : memref<128xi32, #tpu.memory_space<hbm>>) target(%arg7 : memref<128xi32, #tpu.memory_space<vmem>>) target_semaphore(%arg16 : memref<!tpu.dma_semaphore, #tpu.memory_space<semaphore_mem>>)
    %dma_start3A_10 = tpu.memref_slice %arg4[%mul3A_0] : memref<163840xi32, #tpu.memory_space<hbm>> -> memref<128xi32, #tpu.memory_space<hbm>>
    %dma_start3A_11 = tpu.memref_slice %arg4[%mul3A_0] : memref<163840xi32, #tpu.memory_space<hbm>> -> memref<128xi32, #tpu.memory_space<hbm>>
    tpu.enqueue_dma source(%dma_start3A_11 : memref<128xi32, #tpu.memory_space<hbm>>) target(%arg9 : memref<128xi32, #tpu.memory_space<vmem>>) target_semaphore(%arg16 : memref<!tpu.dma_semaphore, #tpu.memory_space<semaphore_mem>>)
    %add3A_12 = arith.constant 128 : i32
    %add3A_13 = arith.addi %mul3A_8, %add3A_12 : i32
    %dma_start3A_14 = tpu.memref_slice %arg3[%add3A_13] : memref<655360xi32, #tpu.memory_space<hbm>> -> memref<128xi32, #tpu.memory_space<hbm>>
    %dma_start3A_15 = tpu.memref_slice %arg3[%add3A_13] : memref<655360xi32, #tpu.memory_space<hbm>> -> memref<128xi32, #tpu.memory_space<hbm>>
    tpu.enqueue_dma source(%dma_start3A_15 : memref<128xi32, #tpu.memory_space<hbm>>) target(%arg8 : memref<128xi32, #tpu.memory_space<vmem>>) target_semaphore(%arg17 : memref<!tpu.dma_semaphore, #tpu.memory_space<semaphore_mem>>)
    %add3A_16 = arith.constant 128 : i32
    %add3A_17 = arith.addi %mul3A_0, %add3A_16 : i32
    %dma_start3A_18 = tpu.memref_slice %arg4[%add3A_17] : memref<163840xi32, #tpu.memory_space<hbm>> -> memref<128xi32, #tpu.memory_space<hbm>>
    %dma_start3A_19 = tpu.memref_slice %arg4[%add3A_17] : memref<163840xi32, #tpu.memory_space<hbm>> -> memref<128xi32, #tpu.memory_space<hbm>>
    tpu.enqueue_dma source(%dma_start3A_19 : memref<128xi32, #tpu.memory_space<hbm>>) target(%arg10 : memref<128xi32, #tpu.memory_space<vmem>>) target_semaphore(%arg17 : memref<!tpu.dma_semaphore, #tpu.memory_space<semaphore_mem>>)
    %mul3A_20 = arith.constant 640 : i32
    %mul3A_21 = arith.muli %arg1, %mul3A_20 : i32
    "tpu.region"() ({
      %run_scoped3A = tpu.sem_alloc : memref<!tpu.dma_semaphore, #tpu.memory_space<semaphore_mem>>
      %dma_start3A_78 = arith.constant 0 : i32
      %dma_start3A_79 = tpu.memref_slice %arg13[%mul3A_21, %dma_start3A_78] : memref<10240x128xf32, #tpu.memory_space<vmem_shared>> -> memref<640x128xf32, #tpu.memory_space<vmem_shared>>
      tpu.enqueue_dma source(%arg5 : memref<640x128xf32, #tpu.memory_space<hbm>>) target(%dma_start3A_79 : memref<640x128xf32, #tpu.memory_space<vmem_shared>>) target_semaphore(%run_scoped3A : memref<!tpu.dma_semaphore, #tpu.memory_space<semaphore_mem>>)
      %dma_wait3A_80 = arith.constant 0 : i32
      %dma_wait3A_81 = tpu.memref_slice %arg13[%mul3A_21, %dma_wait3A_80] : memref<10240x128xf32, #tpu.memory_space<vmem_shared>> -> memref<640x128xf32, #tpu.memory_space<vmem_shared>>
      tpu.wait_dma2 semaphore(%run_scoped3A : memref<!tpu.dma_semaphore, #tpu.memory_space<semaphore_mem>>) src(%arg5 : memref<640x128xf32, #tpu.memory_space<hbm>>) dst(%dma_wait3A_81 : memref<640x128xf32, #tpu.memory_space<vmem_shared>>)
      tpu.yield
    }) : () -> ()
    %barrier3A = arith.constant 0 : index
    tpu.barrier barrier_id(%barrier3A)
    %dma_wait3A = tpu.memref_slice %arg3[%mul3A_8] : memref<655360xi32, #tpu.memory_space<hbm>> -> memref<128xi32, #tpu.memory_space<hbm>>
    %dma_wait3A_22 = tpu.memref_slice %arg3[%mul3A_8] : memref<655360xi32, #tpu.memory_space<hbm>> -> memref<128xi32, #tpu.memory_space<hbm>>
    tpu.wait_dma2 semaphore(%arg16 : memref<!tpu.dma_semaphore, #tpu.memory_space<semaphore_mem>>) src(%dma_wait3A_22 : memref<128xi32, #tpu.memory_space<hbm>>) dst(%arg7 : memref<128xi32, #tpu.memory_space<vmem>>)
    %dma_wait3A_23 = tpu.memref_slice %arg4[%mul3A_0] : memref<163840xi32, #tpu.memory_space<hbm>> -> memref<128xi32, #tpu.memory_space<hbm>>
    %dma_wait3A_24 = tpu.memref_slice %arg4[%mul3A_0] : memref<163840xi32, #tpu.memory_space<hbm>> -> memref<128xi32, #tpu.memory_space<hbm>>
    tpu.wait_dma2 semaphore(%arg16 : memref<!tpu.dma_semaphore, #tpu.memory_space<semaphore_mem>>) src(%dma_wait3A_24 : memref<128xi32, #tpu.memory_space<hbm>>) dst(%arg9 : memref<128xi32, #tpu.memory_space<vmem>>)
    %dma_start3A_25 = arith.constant 0 : i32
    %dma_start3A_26 = arith.constant 0 : i32
    %dma_start3A_27 = tpu.memref_slice %arg2[%dma_start3A_25, %dma_start3A_26] : memref<40960x128xf32, #tpu.memory_space<hbm>> -> memref<40960x128xf32, #tpu.memory_space<hbm>>
    tpu.enqueue_indirect_dma source(%dma_start3A_27 : memref<40960x128xf32, #tpu.memory_space<hbm>>) target(%arg11 : memref<128x128xf32, #tpu.memory_space<vmem>>) offsets(%arg7 : memref<128xi32, #tpu.memory_space<vmem>>) semaphore(%arg14 : memref<!tpu.dma_semaphore, #tpu.memory_space<semaphore_mem>>)
    %scan3A = arith.constant 0 : i32
    %scan3A_28 = arith.constant 40 : i32
    %scan3A_29 = arith.addi %scan3A, %scan3A_28 : i32
    %scan3A_30 = arith.constant 1 : i32
    scf.for %scan3A_78 = %scan3A to %scan3A_29 step %scan3A_30  : i32 {
      %mul3A_79 = arith.constant 2 : i32
      %mul3A_80 = arith.muli %scan3A_78, %mul3A_79 : i32
      %add3A_81 = arith.constant 0 : i32
      %add3A_82 = arith.addi %add3A_81, %mul3A_80 : i32
      %dma_wait3A_83 = tpu.memref_slice %arg3[%mul3A_8] : memref<655360xi32, #tpu.memory_space<hbm>> -> memref<128xi32, #tpu.memory_space<hbm>>
      %dma_wait3A_84 = tpu.memref_slice %arg3[%mul3A_8] : memref<655360xi32, #tpu.memory_space<hbm>> -> memref<128xi32, #tpu.memory_space<hbm>>
      tpu.wait_dma2 semaphore(%arg17 : memref<!tpu.dma_semaphore, #tpu.memory_space<semaphore_mem>>) src(%dma_wait3A_84 : memref<128xi32, #tpu.memory_space<hbm>>) dst(%arg8 : memref<128xi32, #tpu.memory_space<vmem>>)
      %dma_wait3A_85 = tpu.memref_slice %arg4[%mul3A_0] : memref<163840xi32, #tpu.memory_space<hbm>> -> memref<128xi32, #tpu.memory_space<hbm>>
      %dma_wait3A_86 = tpu.memref_slice %arg4[%mul3A_0] : memref<163840xi32, #tpu.memory_space<hbm>> -> memref<128xi32, #tpu.memory_space<hbm>>
      tpu.wait_dma2 semaphore(%arg17 : memref<!tpu.dma_semaphore, #tpu.memory_space<semaphore_mem>>) src(%dma_wait3A_86 : memref<128xi32, #tpu.memory_space<hbm>>) dst(%arg10 : memref<128xi32, #tpu.memory_space<vmem>>)
      %dma_start3A_87 = arith.constant 0 : i32
      %dma_start3A_88 = arith.constant 0 : i32
      %dma_start3A_89 = tpu.memref_slice %arg2[%dma_start3A_87, %dma_start3A_88] : memref<40960x128xf32, #tpu.memory_space<hbm>> -> memref<40960x128xf32, #tpu.memory_space<hbm>>
      tpu.enqueue_indirect_dma source(%dma_start3A_89 : memref<40960x128xf32, #tpu.memory_space<hbm>>) target(%arg12 : memref<128x128xf32, #tpu.memory_space<vmem>>) offsets(%arg8 : memref<128xi32, #tpu.memory_space<vmem>>) semaphore(%arg15 : memref<!tpu.dma_semaphore, #tpu.memory_space<semaphore_mem>>)
      %dma_wait3A_90 = arith.constant 0 : i32
      %dma_wait3A_91 = arith.constant 0 : i32
      %dma_wait3A_92 = tpu.memref_slice %arg2[%dma_wait3A_90, %dma_wait3A_91] : memref<40960x128xf32, #tpu.memory_space<hbm>> -> memref<40960x128xf32, #tpu.memory_space<hbm>>
      tpu.wait_indirect_dma semaphore(%arg14 : memref<!tpu.dma_semaphore, #tpu.memory_space<semaphore_mem>>) src(%dma_wait3A_92 : memref<40960x128xf32, #tpu.memory_space<hbm>>) dst(%arg11 : memref<128x128xf32, #tpu.memory_space<vmem>>)
      "tpu.region"() ({
        %run_scoped3A = tpu.sem_alloc : memref<!tpu.dma_semaphore, #tpu.memory_space<semaphore_mem>>
        %dma_start3A_114 = arith.constant 0 : i32
        %dma_start3A_115 = arith.constant 0 : i32
        %dma_start3A_116 = tpu.memref_slice %arg13[%dma_start3A_114, %dma_start3A_115] : memref<10240x128xf32, #tpu.memory_space<vmem_shared>> -> memref<10240x128xf32, #tpu.memory_space<vmem_shared>>
        tpu.enqueue_indirect_dma source(%arg11 : memref<128x128xf32, #tpu.memory_space<vmem>>) target(%dma_start3A_116 : memref<10240x128xf32, #tpu.memory_space<vmem_shared>>) offsets(%arg9 : memref<128xi32, #tpu.memory_space<vmem>>) semaphore(%run_scoped3A : memref<!tpu.dma_semaphore, #tpu.memory_space<semaphore_mem>>) {add = true}
        %dma_wait3A_117 = arith.constant 0 : i32
        %dma_wait3A_118 = arith.constant 0 : i32
        %dma_wait3A_119 = tpu.memref_slice %arg13[%dma_wait3A_117, %dma_wait3A_118] : memref<10240x128xf32, #tpu.memory_space<vmem_shared>> -> memref<10240x128xf32, #tpu.memory_space<vmem_shared>>
        tpu.wait_indirect_dma semaphore(%run_scoped3A : memref<!tpu.dma_semaphore, #tpu.memory_space<semaphore_mem>>) src(%arg11 : memref<128x128xf32, #tpu.memory_space<vmem>>) dst(%dma_wait3A_119 : memref<10240x128xf32, #tpu.memory_space<vmem_shared>>)
        tpu.yield
      }) : () -> ()
      %add3A_93 = arith.constant 2 : i32
      %add3A_94 = arith.addi %add3A_82, %add3A_93 : i32
      %lt3A = arith.constant 80 : i32
      %lt3A_95 = arith.cmpi slt, %add3A_94, %lt3A : i32
      %convert_element_type3A = arith.extui %lt3A_95 : i1 to i32
      %cond3A = arith.constant 0 : i32
      %cond3A_96 = arith.cmpi ne, %convert_element_type3A, %cond3A : i32
      scf.if %cond3A_96 {
        %add3A_114 = arith.constant 2 : i32
        %add3A_115 = arith.addi %add3A_82, %add3A_114 : i32
        %mul3A_116 = arith.constant 128 : i32
        %mul3A_117 = arith.muli %add3A_115, %mul3A_116 : i32
        %add3A_118 = arith.addi %mul3A_8, %mul3A_117 : i32
        %dma_start3A_119 = tpu.memref_slice %arg3[%add3A_118] : memref<655360xi32, #tpu.memory_space<hbm>> -> memref<128xi32, #tpu.memory_space<hbm>>
        %dma_start3A_120 = tpu.memref_slice %arg3[%add3A_118] : memref<655360xi32, #tpu.memory_space<hbm>> -> memref<128xi32, #tpu.memory_space<hbm>>
        tpu.enqueue_dma source(%dma_start3A_120 : memref<128xi32, #tpu.memory_space<hbm>>) target(%arg7 : memref<128xi32, #tpu.memory_space<vmem>>) target_semaphore(%arg16 : memref<!tpu.dma_semaphore, #tpu.memory_space<semaphore_mem>>)
        %add3A_121 = arith.addi %mul3A_0, %mul3A_117 : i32
        %dma_start3A_122 = tpu.memref_slice %arg4[%add3A_121] : memref<163840xi32, #tpu.memory_space<hbm>> -> memref<128xi32, #tpu.memory_space<hbm>>
        %dma_start3A_123 = tpu.memref_slice %arg4[%add3A_121] : memref<163840xi32, #tpu.memory_space<hbm>> -> memref<128xi32, #tpu.memory_space<hbm>>
        tpu.enqueue_dma source(%dma_start3A_123 : memref<128xi32, #tpu.memory_space<hbm>>) target(%arg9 : memref<128xi32, #tpu.memory_space<vmem>>) target_semaphore(%arg16 : memref<!tpu.dma_semaphore, #tpu.memory_space<semaphore_mem>>)
      } else {
      }
      %dma_wait3A_97 = arith.constant 0 : i32
      %dma_wait3A_98 = arith.constant 0 : i32
      %dma_wait3A_99 = tpu.memref_slice %arg2[%dma_wait3A_97, %dma_wait3A_98] : memref<40960x128xf32, #tpu.memory_space<hbm>> -> memref<40960x128xf32, #tpu.memory_space<hbm>>
      tpu.wait_indirect_dma semaphore(%arg15 : memref<!tpu.dma_semaphore, #tpu.memory_space<semaphore_mem>>) src(%dma_wait3A_99 : memref<40960x128xf32, #tpu.memory_space<hbm>>) dst(%arg12 : memref<128x128xf32, #tpu.memory_space<vmem>>)
      "tpu.region"() ({
        %run_scoped3A = tpu.sem_alloc : memref<!tpu.dma_semaphore, #tpu.memory_space<semaphore_mem>>
        %dma_start3A_114 = arith.constant 0 : i32
        %dma_start3A_115 = arith.constant 0 : i32
        %dma_start3A_116 = tpu.memref_slice %arg13[%dma_start3A_114, %dma_start3A_115] : memref<10240x128xf32, #tpu.memory_space<vmem_shared>> -> memref<10240x128xf32, #tpu.memory_space<vmem_shared>>
        tpu.enqueue_indirect_dma source(%arg12 : memref<128x128xf32, #tpu.memory_space<vmem>>) target(%dma_start3A_116 : memref<10240x128xf32, #tpu.memory_space<vmem_shared>>) offsets(%arg10 : memref<128xi32, #tpu.memory_space<vmem>>) semaphore(%run_scoped3A : memref<!tpu.dma_semaphore, #tpu.memory_space<semaphore_mem>>) {add = true}
        %dma_wait3A_117 = arith.constant 0 : i32
        %dma_wait3A_118 = arith.constant 0 : i32
        %dma_wait3A_119 = tpu.memref_slice %arg13[%dma_wait3A_117, %dma_wait3A_118] : memref<10240x128xf32, #tpu.memory_space<vmem_shared>> -> memref<10240x128xf32, #tpu.memory_space<vmem_shared>>
        tpu.wait_indirect_dma semaphore(%run_scoped3A : memref<!tpu.dma_semaphore, #tpu.memory_space<semaphore_mem>>) src(%arg12 : memref<128x128xf32, #tpu.memory_space<vmem>>) dst(%dma_wait3A_119 : memref<10240x128xf32, #tpu.memory_space<vmem_shared>>)
        tpu.yield
      }) : () -> ()
      %add3A_100 = arith.constant 2 : i32
      %add3A_101 = arith.addi %add3A_82, %add3A_100 : i32
      %lt3A_102 = arith.constant 80 : i32
      %lt3A_103 = arith.cmpi slt, %add3A_101, %lt3A_102 : i32
      %convert_element_type3A_104 = arith.extui %lt3A_103 : i1 to i32
      %cond3A_105 = arith.constant 0 : i32
      %cond3A_106 = arith.cmpi ne, %convert_element_type3A_104, %cond3A_105 : i32
      scf.if %cond3A_106 {
        %add3A_114 = arith.constant 2 : i32
        %add3A_115 = arith.addi %add3A_82, %add3A_114 : i32
        %mul3A_116 = arith.constant 128 : i32
        %mul3A_117 = arith.muli %add3A_115, %mul3A_116 : i32
        %add3A_118 = arith.addi %mul3A_8, %mul3A_117 : i32
        %dma_wait3A_119 = tpu.memref_slice %arg3[%add3A_118] : memref<655360xi32, #tpu.memory_space<hbm>> -> memref<128xi32, #tpu.memory_space<hbm>>
        %dma_wait3A_120 = tpu.memref_slice %arg3[%add3A_118] : memref<655360xi32, #tpu.memory_space<hbm>> -> memref<128xi32, #tpu.memory_space<hbm>>
        tpu.wait_dma2 semaphore(%arg16 : memref<!tpu.dma_semaphore, #tpu.memory_space<semaphore_mem>>) src(%dma_wait3A_120 : memref<128xi32, #tpu.memory_space<hbm>>) dst(%arg7 : memref<128xi32, #tpu.memory_space<vmem>>)
        %add3A_121 = arith.addi %mul3A_0, %mul3A_117 : i32
        %dma_wait3A_122 = tpu.memref_slice %arg4[%add3A_121] : memref<163840xi32, #tpu.memory_space<hbm>> -> memref<128xi32, #tpu.memory_space<hbm>>
        %dma_wait3A_123 = tpu.memref_slice %arg4[%add3A_121] : memref<163840xi32, #tpu.memory_space<hbm>> -> memref<128xi32, #tpu.memory_space<hbm>>
        tpu.wait_dma2 semaphore(%arg16 : memref<!tpu.dma_semaphore, #tpu.memory_space<semaphore_mem>>) src(%dma_wait3A_123 : memref<128xi32, #tpu.memory_space<hbm>>) dst(%arg9 : memref<128xi32, #tpu.memory_space<vmem>>)
        %dma_start3A_124 = arith.constant 0 : i32
        %dma_start3A_125 = arith.constant 0 : i32
        %dma_start3A_126 = tpu.memref_slice %arg2[%dma_start3A_124, %dma_start3A_125] : memref<40960x128xf32, #tpu.memory_space<hbm>> -> memref<40960x128xf32, #tpu.memory_space<hbm>>
        tpu.enqueue_indirect_dma source(%dma_start3A_126 : memref<40960x128xf32, #tpu.memory_space<hbm>>) target(%arg11 : memref<128x128xf32, #tpu.memory_space<vmem>>) offsets(%arg7 : memref<128xi32, #tpu.memory_space<vmem>>) semaphore(%arg14 : memref<!tpu.dma_semaphore, #tpu.memory_space<semaphore_mem>>)
      } else {
      }
      %add3A_107 = arith.constant 3 : i32
      %add3A_108 = arith.addi %add3A_82, %add3A_107 : i32
      %lt3A_109 = arith.constant 80 : i32
      %lt3A_110 = arith.cmpi slt, %add3A_108, %lt3A_109 : i32
      %convert_element_type3A_111 = arith.extui %lt3A_110 : i1 to i32
      %cond3A_112 = arith.constant 0 : i32
      %cond3A_113 = arith.cmpi ne, %convert_element_type3A_111, %cond3A_112 : i32
      scf.if %cond3A_113 {
        %add3A_114 = arith.constant 3 : i32
        %add3A_115 = arith.addi %add3A_82, %add3A_114 : i32
        %mul3A_116 = arith.constant 128 : i32
        %mul3A_117 = arith.muli %add3A_115, %mul3A_116 : i32
        %add3A_118 = arith.addi %mul3A_8, %mul3A_117 : i32
        %dma_start3A_119 = tpu.memref_slice %arg3[%add3A_118] : memref<655360xi32, #tpu.memory_space<hbm>> -> memref<128xi32, #tpu.memory_space<hbm>>
        %dma_start3A_120 = tpu.memref_slice %arg3[%add3A_118] : memref<655360xi32, #tpu.memory_space<hbm>> -> memref<128xi32, #tpu.memory_space<hbm>>
        tpu.enqueue_dma source(%dma_start3A_120 : memref<128xi32, #tpu.memory_space<hbm>>) target(%arg8 : memref<128xi32, #tpu.memory_space<vmem>>) target_semaphore(%arg17 : memref<!tpu.dma_semaphore, #tpu.memory_space<semaphore_mem>>)
        %add3A_121 = arith.addi %mul3A_0, %mul3A_117 : i32
        %dma_start3A_122 = tpu.memref_slice %arg4[%add3A_121] : memref<163840xi32, #tpu.memory_space<hbm>> -> memref<128xi32, #tpu.memory_space<hbm>>
        %dma_start3A_123 = tpu.memref_slice %arg4[%add3A_121] : memref<163840xi32, #tpu.memory_space<hbm>> -> memref<128xi32, #tpu.memory_space<hbm>>
        tpu.enqueue_dma source(%dma_start3A_123 : memref<128xi32, #tpu.memory_space<hbm>>) target(%arg10 : memref<128xi32, #tpu.memory_space<vmem>>) target_semaphore(%arg17 : memref<!tpu.dma_semaphore, #tpu.memory_space<semaphore_mem>>)
      } else {
      }
    }
    %scan3A_31 = arith.constant 40 : i32
    %barrier3A_32 = arith.constant 0 : index
    tpu.barrier barrier_id(%barrier3A_32)
    %mul3A_33 = arith.constant 640 : i32
    %mul3A_34 = arith.muli %arg1, %mul3A_33 : i32
    %mul3A_35 = arith.constant 640 : i32
    %mul3A_36 = arith.muli %arg1, %mul3A_35 : i32
    "tpu.region"() ({
      %run_scoped3A = tpu.sem_alloc : memref<!tpu.dma_semaphore, #tpu.memory_space<semaphore_mem>>
      %dma_start3A_78 = arith.constant 0 : i32
      %dma_start3A_79 = tpu.memref_slice %arg6[%add3A_3, %mul3A_36, %dma_start3A_78] : memref<4x10240x128xf32, #tpu.memory_space<hbm>> -> memref<1x640x128xf32, #tpu.memory_space<hbm>>
      %dma_start3A_80 = tpu.memref_squeeze %dma_start3A_79 : memref<1x640x128xf32, #tpu.memory_space<hbm>> -> memref<640x128xf32, #tpu.memory_space<hbm>>
      %dma_start3A_81 = arith.constant 0 : i32
      %dma_start3A_82 = tpu.memref_slice %arg13[%mul3A_34, %dma_start3A_81] : memref<10240x128xf32, #tpu.memory_space<vmem_shared>> -> memref<640x128xf32, #tpu.memory_space<vmem_shared>>
      tpu.enqueue_dma source(%dma_start3A_82 : memref<640x128xf32, #tpu.memory_space<vmem_shared>>) target(%dma_start3A_80 : memref<640x128xf32, #tpu.memory_space<hbm>>) target_semaphore(%run_scoped3A : memref<!tpu.dma_semaphore, #tpu.memory_space<semaphore_mem>>)
      %dma_wait3A_83 = arith.constant 0 : i32
      %dma_wait3A_84 = tpu.memref_slice %arg6[%add3A_3, %mul3A_36, %dma_wait3A_83] : memref<4x10240x128xf32, #tpu.memory_space<hbm>> -> memref<1x640x128xf32, #tpu.memory_space<hbm>>
      %dma_wait3A_85 = tpu.memref_squeeze %dma_wait3A_84 : memref<1x640x128xf32, #tpu.memory_space<hbm>> -> memref<640x128xf32, #tpu.memory_space<hbm>>
      %dma_wait3A_86 = arith.constant 0 : i32
      %dma_wait3A_87 = tpu.memref_slice %arg13[%mul3A_34, %dma_wait3A_86] : memref<10240x128xf32, #tpu.memory_space<vmem_shared>> -> memref<640x128xf32, #tpu.memory_space<vmem_shared>>
      tpu.wait_dma2 semaphore(%run_scoped3A : memref<!tpu.dma_semaphore, #tpu.memory_space<semaphore_mem>>) src(%dma_wait3A_87 : memref<640x128xf32, #tpu.memory_space<vmem_shared>>) dst(%dma_wait3A_85 : memref<640x128xf32, #tpu.memory_space<hbm>>)
      tpu.yield
    }) : () -> ()
    %mul3A_37 = arith.constant 2 : i32
    %mul3A_38 = arith.muli %arg0, %mul3A_37 : i32
    %add3A_39 = arith.constant 1 : i32
    %add3A_40 = arith.addi %mul3A_38, %add3A_39 : i32
    %mul3A_41 = arith.constant 16 : i32
    %mul3A_42 = arith.muli %add3A_40, %mul3A_41 : i32
    %add3A_43 = arith.addi %mul3A_42, %arg1 : i32
    %mul3A_44 = arith.constant 10240 : i32
    %mul3A_45 = arith.muli %add3A_43, %mul3A_44 : i32
    %dma_start3A_46 = tpu.memref_slice %arg3[%mul3A_45] : memref<655360xi32, #tpu.memory_space<hbm>> -> memref<128xi32, #tpu.memory_space<hbm>>
    %dma_start3A_47 = tpu.memref_slice %arg3[%mul3A_45] : memref<655360xi32, #tpu.memory_space<hbm>> -> memref<128xi32, #tpu.memory_space<hbm>>
    tpu.enqueue_dma source(%dma_start3A_47 : memref<128xi32, #tpu.memory_space<hbm>>) target(%arg7 : memref<128xi32, #tpu.memory_space<vmem>>) target_semaphore(%arg16 : memref<!tpu.dma_semaphore, #tpu.memory_space<semaphore_mem>>)
    %dma_start3A_48 = tpu.memref_slice %arg4[%mul3A_0] : memref<163840xi32, #tpu.memory_space<hbm>> -> memref<128xi32, #tpu.memory_space<hbm>>
    %dma_start3A_49 = tpu.memref_slice %arg4[%mul3A_0] : memref<163840xi32, #tpu.memory_space<hbm>> -> memref<128xi32, #tpu.memory_space<hbm>>
    tpu.enqueue_dma source(%dma_start3A_49 : memref<128xi32, #tpu.memory_space<hbm>>) target(%arg9 : memref<128xi32, #tpu.memory_space<vmem>>) target_semaphore(%arg16 : memref<!tpu.dma_semaphore, #tpu.memory_space<semaphore_mem>>)
    %add3A_50 = arith.constant 128 : i32
    %add3A_51 = arith.addi %mul3A_45, %add3A_50 : i32
    %dma_start3A_52 = tpu.memref_slice %arg3[%add3A_51] : memref<655360xi32, #tpu.memory_space<hbm>> -> memref<128xi32, #tpu.memory_space<hbm>>
    %dma_start3A_53 = tpu.memref_slice %arg3[%add3A_51] : memref<655360xi32, #tpu.memory_space<hbm>> -> memref<128xi32, #tpu.memory_space<hbm>>
    tpu.enqueue_dma source(%dma_start3A_53 : memref<128xi32, #tpu.memory_space<hbm>>) target(%arg8 : memref<128xi32, #tpu.memory_space<vmem>>) target_semaphore(%arg17 : memref<!tpu.dma_semaphore, #tpu.memory_space<semaphore_mem>>)
    %add3A_54 = arith.constant 128 : i32
    %add3A_55 = arith.addi %mul3A_0, %add3A_54 : i32
    %dma_start3A_56 = tpu.memref_slice %arg4[%add3A_55] : memref<163840xi32, #tpu.memory_space<hbm>> -> memref<128xi32, #tpu.memory_space<hbm>>
    %dma_start3A_57 = tpu.memref_slice %arg4[%add3A_55] : memref<163840xi32, #tpu.memory_space<hbm>> -> memref<128xi32, #tpu.memory_space<hbm>>
    tpu.enqueue_dma source(%dma_start3A_57 : memref<128xi32, #tpu.memory_space<hbm>>) target(%arg10 : memref<128xi32, #tpu.memory_space<vmem>>) target_semaphore(%arg17 : memref<!tpu.dma_semaphore, #tpu.memory_space<semaphore_mem>>)
    %mul3A_58 = arith.constant 640 : i32
    %mul3A_59 = arith.muli %arg1, %mul3A_58 : i32
    "tpu.region"() ({
      %run_scoped3A = tpu.sem_alloc : memref<!tpu.dma_semaphore, #tpu.memory_space<semaphore_mem>>
      %dma_start3A_78 = arith.constant 0 : i32
      %dma_start3A_79 = tpu.memref_slice %arg13[%mul3A_59, %dma_start3A_78] : memref<10240x128xf32, #tpu.memory_space<vmem_shared>> -> memref<640x128xf32, #tpu.memory_space<vmem_shared>>
      tpu.enqueue_dma source(%arg5 : memref<640x128xf32, #tpu.memory_space<hbm>>) target(%dma_start3A_79 : memref<640x128xf32, #tpu.memory_space<vmem_shared>>) target_semaphore(%run_scoped3A : memref<!tpu.dma_semaphore, #tpu.memory_space<semaphore_mem>>)
      %dma_wait3A_80 = arith.constant 0 : i32
      %dma_wait3A_81 = tpu.memref_slice %arg13[%mul3A_59, %dma_wait3A_80] : memref<10240x128xf32, #tpu.memory_space<vmem_shared>> -> memref<640x128xf32, #tpu.memory_space<vmem_shared>>
      tpu.wait_dma2 semaphore(%run_scoped3A : memref<!tpu.dma_semaphore, #tpu.memory_space<semaphore_mem>>) src(%arg5 : memref<640x128xf32, #tpu.memory_space<hbm>>) dst(%dma_wait3A_81 : memref<640x128xf32, #tpu.memory_space<vmem_shared>>)
      tpu.yield
    }) : () -> ()
    %barrier3A_60 = arith.constant 0 : index
    tpu.barrier barrier_id(%barrier3A_60)
    %dma_wait3A_61 = tpu.memref_slice %arg3[%mul3A_45] : memref<655360xi32, #tpu.memory_space<hbm>> -> memref<128xi32, #tpu.memory_space<hbm>>
    %dma_wait3A_62 = tpu.memref_slice %arg3[%mul3A_45] : memref<655360xi32, #tpu.memory_space<hbm>> -> memref<128xi32, #tpu.memory_space<hbm>>
    tpu.wait_dma2 semaphore(%arg16 : memref<!tpu.dma_semaphore, #tpu.memory_space<semaphore_mem>>) src(%dma_wait3A_62 : memref<128xi32, #tpu.memory_space<hbm>>) dst(%arg7 : memref<128xi32, #tpu.memory_space<vmem>>)
    %dma_wait3A_63 = tpu.memref_slice %arg4[%mul3A_0] : memref<163840xi32, #tpu.memory_space<hbm>> -> memref<128xi32, #tpu.memory_space<hbm>>
    %dma_wait3A_64 = tpu.memref_slice %arg4[%mul3A_0] : memref<163840xi32, #tpu.memory_space<hbm>> -> memref<128xi32, #tpu.memory_space<hbm>>
    tpu.wait_dma2 semaphore(%arg16 : memref<!tpu.dma_semaphore, #tpu.memory_space<semaphore_mem>>) src(%dma_wait3A_64 : memref<128xi32, #tpu.memory_space<hbm>>) dst(%arg9 : memref<128xi32, #tpu.memory_space<vmem>>)
    %dma_start3A_65 = arith.constant 0 : i32
    %dma_start3A_66 = arith.constant 0 : i32
    %dma_start3A_67 = tpu.memref_slice %arg2[%dma_start3A_65, %dma_start3A_66] : memref<40960x128xf32, #tpu.memory_space<hbm>> -> memref<40960x128xf32, #tpu.memory_space<hbm>>
    tpu.enqueue_indirect_dma source(%dma_start3A_67 : memref<40960x128xf32, #tpu.memory_space<hbm>>) target(%arg11 : memref<128x128xf32, #tpu.memory_space<vmem>>) offsets(%arg7 : memref<128xi32, #tpu.memory_space<vmem>>) semaphore(%arg14 : memref<!tpu.dma_semaphore, #tpu.memory_space<semaphore_mem>>)
    %scan3A_68 = arith.constant 0 : i32
    %scan3A_69 = arith.constant 40 : i32
    %scan3A_70 = arith.addi %scan3A_68, %scan3A_69 : i32
    %scan3A_71 = arith.constant 1 : i32
    scf.for %scan3A_78 = %scan3A_68 to %scan3A_70 step %scan3A_71  : i32 {
      %mul3A_79 = arith.constant 2 : i32
      %mul3A_80 = arith.muli %scan3A_78, %mul3A_79 : i32
      %add3A_81 = arith.constant 0 : i32
      %add3A_82 = arith.addi %add3A_81, %mul3A_80 : i32
      %dma_wait3A_83 = tpu.memref_slice %arg3[%mul3A_45] : memref<655360xi32, #tpu.memory_space<hbm>> -> memref<128xi32, #tpu.memory_space<hbm>>
      %dma_wait3A_84 = tpu.memref_slice %arg3[%mul3A_45] : memref<655360xi32, #tpu.memory_space<hbm>> -> memref<128xi32, #tpu.memory_space<hbm>>
      tpu.wait_dma2 semaphore(%arg17 : memref<!tpu.dma_semaphore, #tpu.memory_space<semaphore_mem>>) src(%dma_wait3A_84 : memref<128xi32, #tpu.memory_space<hbm>>) dst(%arg8 : memref<128xi32, #tpu.memory_space<vmem>>)
      %dma_wait3A_85 = tpu.memref_slice %arg4[%mul3A_0] : memref<163840xi32, #tpu.memory_space<hbm>> -> memref<128xi32, #tpu.memory_space<hbm>>
      %dma_wait3A_86 = tpu.memref_slice %arg4[%mul3A_0] : memref<163840xi32, #tpu.memory_space<hbm>> -> memref<128xi32, #tpu.memory_space<hbm>>
      tpu.wait_dma2 semaphore(%arg17 : memref<!tpu.dma_semaphore, #tpu.memory_space<semaphore_mem>>) src(%dma_wait3A_86 : memref<128xi32, #tpu.memory_space<hbm>>) dst(%arg10 : memref<128xi32, #tpu.memory_space<vmem>>)
      %dma_start3A_87 = arith.constant 0 : i32
      %dma_start3A_88 = arith.constant 0 : i32
      %dma_start3A_89 = tpu.memref_slice %arg2[%dma_start3A_87, %dma_start3A_88] : memref<40960x128xf32, #tpu.memory_space<hbm>> -> memref<40960x128xf32, #tpu.memory_space<hbm>>
      tpu.enqueue_indirect_dma source(%dma_start3A_89 : memref<40960x128xf32, #tpu.memory_space<hbm>>) target(%arg12 : memref<128x128xf32, #tpu.memory_space<vmem>>) offsets(%arg8 : memref<128xi32, #tpu.memory_space<vmem>>) semaphore(%arg15 : memref<!tpu.dma_semaphore, #tpu.memory_space<semaphore_mem>>)
      %dma_wait3A_90 = arith.constant 0 : i32
      %dma_wait3A_91 = arith.constant 0 : i32
      %dma_wait3A_92 = tpu.memref_slice %arg2[%dma_wait3A_90, %dma_wait3A_91] : memref<40960x128xf32, #tpu.memory_space<hbm>> -> memref<40960x128xf32, #tpu.memory_space<hbm>>
      tpu.wait_indirect_dma semaphore(%arg14 : memref<!tpu.dma_semaphore, #tpu.memory_space<semaphore_mem>>) src(%dma_wait3A_92 : memref<40960x128xf32, #tpu.memory_space<hbm>>) dst(%arg11 : memref<128x128xf32, #tpu.memory_space<vmem>>)
      "tpu.region"() ({
        %run_scoped3A = tpu.sem_alloc : memref<!tpu.dma_semaphore, #tpu.memory_space<semaphore_mem>>
        %dma_start3A_114 = arith.constant 0 : i32
        %dma_start3A_115 = arith.constant 0 : i32
        %dma_start3A_116 = tpu.memref_slice %arg13[%dma_start3A_114, %dma_start3A_115] : memref<10240x128xf32, #tpu.memory_space<vmem_shared>> -> memref<10240x128xf32, #tpu.memory_space<vmem_shared>>
        tpu.enqueue_indirect_dma source(%arg11 : memref<128x128xf32, #tpu.memory_space<vmem>>) target(%dma_start3A_116 : memref<10240x128xf32, #tpu.memory_space<vmem_shared>>) offsets(%arg9 : memref<128xi32, #tpu.memory_space<vmem>>) semaphore(%run_scoped3A : memref<!tpu.dma_semaphore, #tpu.memory_space<semaphore_mem>>) {add = true}
        %dma_wait3A_117 = arith.constant 0 : i32
        %dma_wait3A_118 = arith.constant 0 : i32
        %dma_wait3A_119 = tpu.memref_slice %arg13[%dma_wait3A_117, %dma_wait3A_118] : memref<10240x128xf32, #tpu.memory_space<vmem_shared>> -> memref<10240x128xf32, #tpu.memory_space<vmem_shared>>
        tpu.wait_indirect_dma semaphore(%run_scoped3A : memref<!tpu.dma_semaphore, #tpu.memory_space<semaphore_mem>>) src(%arg11 : memref<128x128xf32, #tpu.memory_space<vmem>>) dst(%dma_wait3A_119 : memref<10240x128xf32, #tpu.memory_space<vmem_shared>>)
        tpu.yield
      }) : () -> ()
      %add3A_93 = arith.constant 2 : i32
      %add3A_94 = arith.addi %add3A_82, %add3A_93 : i32
      %lt3A = arith.constant 80 : i32
      %lt3A_95 = arith.cmpi slt, %add3A_94, %lt3A : i32
      %convert_element_type3A = arith.extui %lt3A_95 : i1 to i32
      %cond3A = arith.constant 0 : i32
      %cond3A_96 = arith.cmpi ne, %convert_element_type3A, %cond3A : i32
      scf.if %cond3A_96 {
        %add3A_114 = arith.constant 2 : i32
        %add3A_115 = arith.addi %add3A_82, %add3A_114 : i32
        %mul3A_116 = arith.constant 128 : i32
        %mul3A_117 = arith.muli %add3A_115, %mul3A_116 : i32
        %add3A_118 = arith.addi %mul3A_45, %mul3A_117 : i32
        %dma_start3A_119 = tpu.memref_slice %arg3[%add3A_118] : memref<655360xi32, #tpu.memory_space<hbm>> -> memref<128xi32, #tpu.memory_space<hbm>>
        %dma_start3A_120 = tpu.memref_slice %arg3[%add3A_118] : memref<655360xi32, #tpu.memory_space<hbm>> -> memref<128xi32, #tpu.memory_space<hbm>>
        tpu.enqueue_dma source(%dma_start3A_120 : memref<128xi32, #tpu.memory_space<hbm>>) target(%arg7 : memref<128xi32, #tpu.memory_space<vmem>>) target_semaphore(%arg16 : memref<!tpu.dma_semaphore, #tpu.memory_space<semaphore_mem>>)
        %add3A_121 = arith.addi %mul3A_0, %mul3A_117 : i32
        %dma_start3A_122 = tpu.memref_slice %arg4[%add3A_121] : memref<163840xi32, #tpu.memory_space<hbm>> -> memref<128xi32, #tpu.memory_space<hbm>>
        %dma_start3A_123 = tpu.memref_slice %arg4[%add3A_121] : memref<163840xi32, #tpu.memory_space<hbm>> -> memref<128xi32, #tpu.memory_space<hbm>>
        tpu.enqueue_dma source(%dma_start3A_123 : memref<128xi32, #tpu.memory_space<hbm>>) target(%arg9 : memref<128xi32, #tpu.memory_space<vmem>>) target_semaphore(%arg16 : memref<!tpu.dma_semaphore, #tpu.memory_space<semaphore_mem>>)
      } else {
      }
      %dma_wait3A_97 = arith.constant 0 : i32
      %dma_wait3A_98 = arith.constant 0 : i32
      %dma_wait3A_99 = tpu.memref_slice %arg2[%dma_wait3A_97, %dma_wait3A_98] : memref<40960x128xf32, #tpu.memory_space<hbm>> -> memref<40960x128xf32, #tpu.memory_space<hbm>>
      tpu.wait_indirect_dma semaphore(%arg15 : memref<!tpu.dma_semaphore, #tpu.memory_space<semaphore_mem>>) src(%dma_wait3A_99 : memref<40960x128xf32, #tpu.memory_space<hbm>>) dst(%arg12 : memref<128x128xf32, #tpu.memory_space<vmem>>)
      "tpu.region"() ({
        %run_scoped3A = tpu.sem_alloc : memref<!tpu.dma_semaphore, #tpu.memory_space<semaphore_mem>>
        %dma_start3A_114 = arith.constant 0 : i32
        %dma_start3A_115 = arith.constant 0 : i32
        %dma_start3A_116 = tpu.memref_slice %arg13[%dma_start3A_114, %dma_start3A_115] : memref<10240x128xf32, #tpu.memory_space<vmem_shared>> -> memref<10240x128xf32, #tpu.memory_space<vmem_shared>>
        tpu.enqueue_indirect_dma source(%arg12 : memref<128x128xf32, #tpu.memory_space<vmem>>) target(%dma_start3A_116 : memref<10240x128xf32, #tpu.memory_space<vmem_shared>>) offsets(%arg10 : memref<128xi32, #tpu.memory_space<vmem>>) semaphore(%run_scoped3A : memref<!tpu.dma_semaphore, #tpu.memory_space<semaphore_mem>>) {add = true}
        %dma_wait3A_117 = arith.constant 0 : i32
        %dma_wait3A_118 = arith.constant 0 : i32
        %dma_wait3A_119 = tpu.memref_slice %arg13[%dma_wait3A_117, %dma_wait3A_118] : memref<10240x128xf32, #tpu.memory_space<vmem_shared>> -> memref<10240x128xf32, #tpu.memory_space<vmem_shared>>
        tpu.wait_indirect_dma semaphore(%run_scoped3A : memref<!tpu.dma_semaphore, #tpu.memory_space<semaphore_mem>>) src(%arg12 : memref<128x128xf32, #tpu.memory_space<vmem>>) dst(%dma_wait3A_119 : memref<10240x128xf32, #tpu.memory_space<vmem_shared>>)
        tpu.yield
      }) : () -> ()
      %add3A_100 = arith.constant 2 : i32
      %add3A_101 = arith.addi %add3A_82, %add3A_100 : i32
      %lt3A_102 = arith.constant 80 : i32
      %lt3A_103 = arith.cmpi slt, %add3A_101, %lt3A_102 : i32
      %convert_element_type3A_104 = arith.extui %lt3A_103 : i1 to i32
      %cond3A_105 = arith.constant 0 : i32
      %cond3A_106 = arith.cmpi ne, %convert_element_type3A_104, %cond3A_105 : i32
      scf.if %cond3A_106 {
        %add3A_114 = arith.constant 2 : i32
        %add3A_115 = arith.addi %add3A_82, %add3A_114 : i32
        %mul3A_116 = arith.constant 128 : i32
        %mul3A_117 = arith.muli %add3A_115, %mul3A_116 : i32
        %add3A_118 = arith.addi %mul3A_45, %mul3A_117 : i32
        %dma_wait3A_119 = tpu.memref_slice %arg3[%add3A_118] : memref<655360xi32, #tpu.memory_space<hbm>> -> memref<128xi32, #tpu.memory_space<hbm>>
        %dma_wait3A_120 = tpu.memref_slice %arg3[%add3A_118] : memref<655360xi32, #tpu.memory_space<hbm>> -> memref<128xi32, #tpu.memory_space<hbm>>
        tpu.wait_dma2 semaphore(%arg16 : memref<!tpu.dma_semaphore, #tpu.memory_space<semaphore_mem>>) src(%dma_wait3A_120 : memref<128xi32, #tpu.memory_space<hbm>>) dst(%arg7 : memref<128xi32, #tpu.memory_space<vmem>>)
        %add3A_121 = arith.addi %mul3A_0, %mul3A_117 : i32
        %dma_wait3A_122 = tpu.memref_slice %arg4[%add3A_121] : memref<163840xi32, #tpu.memory_space<hbm>> -> memref<128xi32, #tpu.memory_space<hbm>>
        %dma_wait3A_123 = tpu.memref_slice %arg4[%add3A_121] : memref<163840xi32, #tpu.memory_space<hbm>> -> memref<128xi32, #tpu.memory_space<hbm>>
        tpu.wait_dma2 semaphore(%arg16 : memref<!tpu.dma_semaphore, #tpu.memory_space<semaphore_mem>>) src(%dma_wait3A_123 : memref<128xi32, #tpu.memory_space<hbm>>) dst(%arg9 : memref<128xi32, #tpu.memory_space<vmem>>)
        %dma_start3A_124 = arith.constant 0 : i32
        %dma_start3A_125 = arith.constant 0 : i32
        %dma_start3A_126 = tpu.memref_slice %arg2[%dma_start3A_124, %dma_start3A_125] : memref<40960x128xf32, #tpu.memory_space<hbm>> -> memref<40960x128xf32, #tpu.memory_space<hbm>>
        tpu.enqueue_indirect_dma source(%dma_start3A_126 : memref<40960x128xf32, #tpu.memory_space<hbm>>) target(%arg11 : memref<128x128xf32, #tpu.memory_space<vmem>>) offsets(%arg7 : memref<128xi32, #tpu.memory_space<vmem>>) semaphore(%arg14 : memref<!tpu.dma_semaphore, #tpu.memory_space<semaphore_mem>>)
      } else {
      }
      %add3A_107 = arith.constant 3 : i32
      %add3A_108 = arith.addi %add3A_82, %add3A_107 : i32
      %lt3A_109 = arith.constant 80 : i32
      %lt3A_110 = arith.cmpi slt, %add3A_108, %lt3A_109 : i32
      %convert_element_type3A_111 = arith.extui %lt3A_110 : i1 to i32
      %cond3A_112 = arith.constant 0 : i32
      %cond3A_113 = arith.cmpi ne, %convert_element_type3A_111, %cond3A_112 : i32
      scf.if %cond3A_113 {
        %add3A_114 = arith.constant 3 : i32
        %add3A_115 = arith.addi %add3A_82, %add3A_114 : i32
        %mul3A_116 = arith.constant 128 : i32
        %mul3A_117 = arith.muli %add3A_115, %mul3A_116 : i32
        %add3A_118 = arith.addi %mul3A_45, %mul3A_117 : i32
        %dma_start3A_119 = tpu.memref_slice %arg3[%add3A_118] : memref<655360xi32, #tpu.memory_space<hbm>> -> memref<128xi32, #tpu.memory_space<hbm>>
        %dma_start3A_120 = tpu.memref_slice %arg3[%add3A_118] : memref<655360xi32, #tpu.memory_space<hbm>> -> memref<128xi32, #tpu.memory_space<hbm>>
        tpu.enqueue_dma source(%dma_start3A_120 : memref<128xi32, #tpu.memory_space<hbm>>) target(%arg8 : memref<128xi32, #tpu.memory_space<vmem>>) target_semaphore(%arg17 : memref<!tpu.dma_semaphore, #tpu.memory_space<semaphore_mem>>)
        %add3A_121 = arith.addi %mul3A_0, %mul3A_117 : i32
        %dma_start3A_122 = tpu.memref_slice %arg4[%add3A_121] : memref<163840xi32, #tpu.memory_space<hbm>> -> memref<128xi32, #tpu.memory_space<hbm>>
        %dma_start3A_123 = tpu.memref_slice %arg4[%add3A_121] : memref<163840xi32, #tpu.memory_space<hbm>> -> memref<128xi32, #tpu.memory_space<hbm>>
        tpu.enqueue_dma source(%dma_start3A_123 : memref<128xi32, #tpu.memory_space<hbm>>) target(%arg10 : memref<128xi32, #tpu.memory_space<vmem>>) target_semaphore(%arg17 : memref<!tpu.dma_semaphore, #tpu.memory_space<semaphore_mem>>)
      } else {
      }
    }
    %scan3A_72 = arith.constant 40 : i32
    %barrier3A_73 = arith.constant 0 : index
    tpu.barrier barrier_id(%barrier3A_73)
    %mul3A_74 = arith.constant 640 : i32
    %mul3A_75 = arith.muli %arg1, %mul3A_74 : i32
    %mul3A_76 = arith.constant 640 : i32
    %mul3A_77 = arith.muli %arg1, %mul3A_76 : i32
    "tpu.region"() ({
      %run_scoped3A = tpu.sem_alloc : memref<!tpu.dma_semaphore, #tpu.memory_space<semaphore_mem>>
      %dma_start3A_78 = arith.constant 0 : i32
      %dma_start3A_79 = tpu.memref_slice %arg6[%add3A_40, %mul3A_77, %dma_start3A_78] : memref<4x10240x128xf32, #tpu.memory_space<hbm>> -> memref<1x640x128xf32, #tpu.memory_space<hbm>>
      %dma_start3A_80 = tpu.memref_squeeze %dma_start3A_79 : memref<1x640x128xf32, #tpu.memory_space<hbm>> -> memref<640x128xf32, #tpu.memory_space<hbm>>
      %dma_start3A_81 = arith.constant 0 : i32
      %dma_start3A_82 = tpu.memref_slice %arg13[%mul3A_75, %dma_start3A_81] : memref<10240x128xf32, #tpu.memory_space<vmem_shared>> -> memref<640x128xf32, #tpu.memory_space<vmem_shared>>
      tpu.enqueue_dma source(%dma_start3A_82 : memref<640x128xf32, #tpu.memory_space<vmem_shared>>) target(%dma_start3A_80 : memref<640x128xf32, #tpu.memory_space<hbm>>) target_semaphore(%run_scoped3A : memref<!tpu.dma_semaphore, #tpu.memory_space<semaphore_mem>>)
      %dma_wait3A_83 = arith.constant 0 : i32
      %dma_wait3A_84 = tpu.memref_slice %arg6[%add3A_40, %mul3A_77, %dma_wait3A_83] : memref<4x10240x128xf32, #tpu.memory_space<hbm>> -> memref<1x640x128xf32, #tpu.memory_space<hbm>>
      %dma_wait3A_85 = tpu.memref_squeeze %dma_wait3A_84 : memref<1x640x128xf32, #tpu.memory_space<hbm>> -> memref<640x128xf32, #tpu.memory_space<hbm>>
      %dma_wait3A_86 = arith.constant 0 : i32
      %dma_wait3A_87 = tpu.memref_slice %arg13[%mul3A_75, %dma_wait3A_86] : memref<10240x128xf32, #tpu.memory_space<vmem_shared>> -> memref<640x128xf32, #tpu.memory_space<vmem_shared>>
      tpu.wait_dma2 semaphore(%run_scoped3A : memref<!tpu.dma_semaphore, #tpu.memory_space<semaphore_mem>>) src(%dma_wait3A_87 : memref<640x128xf32, #tpu.memory_space<vmem_shared>>) dst(%dma_wait3A_85 : memref<640x128xf32, #tpu.memory_space<hbm>>)
      tpu.yield
    }) : () -> ()
    return
  }
}

module attributes {stable_mosaic.version = 14 : i64} {
  func.func @_bn_matmul_relu_body(%arg0: i32, %arg1: memref<512x256xf32, #tpu.memory_space<vmem>>, %arg2: memref<256x512xf32, #tpu.memory_space<vmem>>, %arg3: memref<512x512xf32, #tpu.memory_space<vmem>>, %arg4: memref<2x256xf32, #tpu.memory_space<vmem>>) attributes {dimension_semantics = [#tpu.dimension_semantics<arbitrary>], iteration_bounds = array<i64: 40>, scalar_prefetch = 0 : i64, scratch_operands = 1 : i64, tpu.core_type = #tpu.core_type<tc>, window_params = [{transform_indices = @transform_0, window_bounds = array<i64: 512, 256>}, {pipeline_mode = #tpu.pipeline_mode<synchronous>, transform_indices = @transform_1, window_bounds = array<i64: 256, 512>}, {transform_indices = @transform_2, window_bounds = array<i64: 512, 512>}]} {
    %eq3A = arith.constant 0 : i32
    %eq3A_0 = arith.cmpi eq, %arg0, %eq3A : i32
    %convert_element_type3A = arith.extui %eq3A_0 : i1 to i32
    %cond3A = arith.constant 0 : i32
    %cond3A_1 = arith.cmpi ne, %convert_element_type3A, %cond3A : i32
    scf.if %cond3A_1 {
      %broadcast_in_dim3A = arith.constant 0.000000e+00 : f32
      %broadcast_in_dim3A_10 = vector.broadcast %broadcast_in_dim3A : f32 to vector<2x256xf32>
      %swap3A = arith.constant 0 : index
      %swap3A_11 = arith.constant 0 : index
      %swap3A_12 = vector.load %arg4[%swap3A, %swap3A_11] : memref<2x256xf32, #tpu.memory_space<vmem>>, vector<2x256xf32>
      tpu.vector_store %arg4[%swap3A, %swap3A_11], %broadcast_in_dim3A_10 {strides = array<i32>} : memref<2x256xf32, #tpu.memory_space<vmem>>, vector<2x256xf32>,
    } else {
    }
    %lt3A = arith.constant 20 : i32
    %lt3A_2 = arith.cmpi slt, %arg0, %lt3A : i32
    %convert_element_type3A_3 = arith.extui %lt3A_2 : i1 to i32
    %cond3A_4 = arith.constant 0 : i32
    %cond3A_5 = arith.cmpi ne, %convert_element_type3A_3, %cond3A_4 : i32
    scf.if %cond3A_5 {
      %get3A = arith.constant 0 : index
      %get3A_10 = arith.constant 0 : index
      %get3A_11 = vector.load %arg1[%get3A, %get3A_10] : memref<512x256xf32, #tpu.memory_space<vmem>>, vector<512x256xf32>
      %iota3A = tpu.iota {dimensions = array<i32: 0>} : vector<512x1xi32>
      %mul3A = arith.constant 512 : i32
      %mul3A_12 = arith.muli %arg0, %mul3A : i32
      %add3A = vector.broadcast %mul3A_12 : i32 to vector<512x1xi32>
      %add3A_13 = arith.addi %iota3A, %add3A : vector<512x1xi32>
      %lt3A_14 = arith.constant 10000 : i32
      %lt3A_15 = vector.broadcast %lt3A_14 : i32 to vector<512x1xi32>
      %lt3A_16 = arith.cmpi slt, %add3A_13, %lt3A_15 : vector<512x1xi32>
      %jit3A = arith.constant 0.000000e+00 : f32
      %broadcast_in_dim3A = vector.shape_cast %lt3A_16 : vector<512x1xi1> to vector<512x1xi1>
      %broadcast_in_dim3A_17 = vector.broadcast %broadcast_in_dim3A : vector<512x1xi1> to vector<512x256xi1>
      %broadcast_in_dim3A_18 = vector.broadcast %jit3A : f32 to vector<512x256xf32>
      %select_n3A = arith.select %broadcast_in_dim3A_17, %get3A_11, %broadcast_in_dim3A_18 : vector<512x256xi1>, vector<512x256xf32>
      %get3A_19 = arith.constant 0 : index
      %get3A_20 = arith.constant 0 : index
      %get3A_21 = vector.load %arg4[%get3A_19, %get3A_20] : memref<2x256xf32, #tpu.memory_space<vmem>>, vector<1x256xf32>
      %reduce_sum3A = arith.constant dense<0.000000e+00> : vector<256xf32>
      %reduce_sum3A_22 = vector.multi_reduction <add>, %select_n3A, %reduce_sum3A [0] : vector<512x256xf32> to vector<256xf32>
      %broadcast_in_dim3A_23 = vector.shape_cast %reduce_sum3A_22 : vector<256xf32> to vector<1x256xf32>
      %add3A_24 = arith.addf %get3A_21, %broadcast_in_dim3A_23 : vector<1x256xf32>
      %swap3A = arith.constant 0 : index
      %swap3A_25 = arith.constant 0 : index
      %swap3A_26 = vector.load %arg4[%swap3A, %swap3A_25] : memref<2x256xf32, #tpu.memory_space<vmem>>, vector<1x256xf32>
      tpu.vector_store %arg4[%swap3A, %swap3A_25], %add3A_24 {strides = array<i32>} : memref<2x256xf32, #tpu.memory_space<vmem>>, vector<1x256xf32>,
      %get3A_27 = arith.constant 1 : index
      %get3A_28 = arith.constant 0 : index
      %get3A_29 = vector.load %arg4[%get3A_27, %get3A_28] : memref<2x256xf32, #tpu.memory_space<vmem>>, vector<1x256xf32>
      %mul3A_30 = arith.mulf %select_n3A, %select_n3A : vector<512x256xf32>
      %reduce_sum3A_31 = arith.constant dense<0.000000e+00> : vector<256xf32>
      %reduce_sum3A_32 = vector.multi_reduction <add>, %mul3A_30, %reduce_sum3A_31 [0] : vector<512x256xf32> to vector<256xf32>
      %broadcast_in_dim3A_33 = vector.shape_cast %reduce_sum3A_32 : vector<256xf32> to vector<1x256xf32>
      %add3A_34 = arith.addf %get3A_29, %broadcast_in_dim3A_33 : vector<1x256xf32>
      %swap3A_35 = arith.constant 1 : index
      %swap3A_36 = arith.constant 0 : index
      %swap3A_37 = vector.load %arg4[%swap3A_35, %swap3A_36] : memref<2x256xf32, #tpu.memory_space<vmem>>, vector<1x256xf32>
      tpu.vector_store %arg4[%swap3A_35, %swap3A_36], %add3A_34 {strides = array<i32>} : memref<2x256xf32, #tpu.memory_space<vmem>>, vector<1x256xf32>,
    } else {
    }
    %ge3A = arith.constant 20 : i32
    %ge3A_6 = arith.cmpi sge, %arg0, %ge3A : i32
    %convert_element_type3A_7 = arith.extui %ge3A_6 : i1 to i32
    %cond3A_8 = arith.constant 0 : i32
    %cond3A_9 = arith.cmpi ne, %convert_element_type3A_7, %cond3A_8 : i32
    scf.if %cond3A_9 {
      %get3A = arith.constant 0 : index
      %get3A_10 = arith.constant 0 : index
      %get3A_11 = vector.load %arg1[%get3A, %get3A_10] : memref<512x256xf32, #tpu.memory_space<vmem>>, vector<512x256xf32>
      %get3A_12 = arith.constant 0 : index
      %get3A_13 = arith.constant 0 : index
      %get3A_14 = vector.load %arg4[%get3A_12, %get3A_13] : memref<2x256xf32, #tpu.memory_space<vmem>>, vector<1x256xf32>
      %div3A = arith.constant 1.000000e+04 : f32
      %div3A_15 = vector.broadcast %div3A : f32 to vector<1x256xf32>
      %div3A_16 = arith.divf %get3A_14, %div3A_15 : vector<1x256xf32>
      %get3A_17 = arith.constant 1 : index
      %get3A_18 = arith.constant 0 : index
      %get3A_19 = vector.load %arg4[%get3A_17, %get3A_18] : memref<2x256xf32, #tpu.memory_space<vmem>>, vector<1x256xf32>
      %div3A_20 = arith.constant 1.000000e+04 : f32
      %div3A_21 = vector.broadcast %div3A_20 : f32 to vector<1x256xf32>
      %div3A_22 = arith.divf %get3A_19, %div3A_21 : vector<1x256xf32>
      %mul3A = arith.mulf %div3A_16, %div3A_16 : vector<1x256xf32>
      %sub3A = arith.subf %div3A_22, %mul3A : vector<1x256xf32>
      %add3A = arith.constant 9.99999974E-6 : f32
      %add3A_23 = vector.broadcast %add3A : f32 to vector<1x256xf32>
      %add3A_24 = arith.addf %sub3A, %add3A_23 : vector<1x256xf32>
      %rsqrt3A = math.rsqrt %add3A_24 : vector<1x256xf32>
      %sub3A_25 = vector.broadcast %div3A_16 : vector<1x256xf32> to vector<512x256xf32>
      %sub3A_26 = arith.subf %get3A_11, %sub3A_25 : vector<512x256xf32>
      %mul3A_27 = vector.broadcast %rsqrt3A : vector<1x256xf32> to vector<512x256xf32>
      %mul3A_28 = arith.mulf %sub3A_26, %mul3A_27 : vector<512x256xf32>
      %add3A_29 = arith.constant 9.99999974E-5 : f32
      %add3A_30 = vector.broadcast %add3A_29 : f32 to vector<512x256xf32>
      %add3A_31 = arith.addf %mul3A_28, %add3A_30 : vector<512x256xf32>
      %get3A_32 = arith.constant 0 : index
      %get3A_33 = arith.constant 0 : index
      %get3A_34 = vector.load %arg2[%get3A_32, %get3A_33] : memref<256x512xf32, #tpu.memory_space<vmem>>, vector<256x512xf32>
      %dot_general3A = arith.constant dense<0.000000e+00> : vector<512x512xf32>
      %dot_general3A_35 = tpu.matmul %add3A_31, %get3A_34, %dot_general3A {dimension_numbers = #tpu.dot_dimension_numbers<[1], [0], [0], [1], [0, 0, 1, 1], [], []>, precision = #tpu.contract_precision<fp32>, transpose_lhs_hint = false} : vector<512x256xf32>, vector<256x512xf32>, vector<512x512xf32> -> vector<512x512xf32>
      %max3A = arith.constant 0.000000e+00 : f32
      %max3A_36 = vector.broadcast %max3A : f32 to vector<512x512xf32>
      %max3A_37 = arith.maximumf %dot_general3A_35, %max3A_36 : vector<512x512xf32>
      %swap3A = arith.constant 0 : index
      %swap3A_38 = arith.constant 0 : index
      %swap3A_39 = vector.load %arg3[%swap3A, %swap3A_38] : memref<512x512xf32, #tpu.memory_space<vmem>>, vector<512x512xf32>
      tpu.vector_store %arg3[%swap3A, %swap3A_38], %max3A_37 {strides = array<i32>} : memref<512x512xf32, #tpu.memory_space<vmem>>, vector<512x512xf32>,
    } else {
    }
    return
  }
  func.func @transform_0(%arg0: i32) -> (i32, i32) {
    %lt3A = arith.constant 20 : i32
    %lt3A_0 = arith.cmpi slt, %arg0, %lt3A : i32
    %sub3A = arith.constant 20 : i32
    %sub3A_1 = arith.subi %arg0, %sub3A : i32
    %select_n3A = arith.select %lt3A_0, %arg0, %sub3A_1 : i32
    %c0_i32 = arith.constant 0 : i32
    %c0_i32_2 = arith.constant 0 : i32
    return %select_n3A, %c0_i32 : i32, i32
  }
  func.func @transform_1(%arg0: i32) -> (i32, i32) {
    %c0_i32 = arith.constant 0 : i32
    %c0_i32_0 = arith.constant 0 : i32
    %c0_i32_1 = arith.constant 0 : i32
    return %c0_i32, %c0_i32_0 : i32, i32
  }
  func.func @transform_2(%arg0: i32) -> (i32, i32) {
    %lt3A = arith.constant 20 : i32
    %lt3A_0 = arith.cmpi slt, %arg0, %lt3A : i32
    %sub3A = arith.constant 20 : i32
    %sub3A_1 = arith.subi %arg0, %sub3A : i32
    %jit3A = arith.constant 0 : i32
    %select_n3A = arith.select %lt3A_0, %jit3A, %sub3A_1 : i32
    %c0_i32 = arith.constant 0 : i32
    %c0_i32_2 = arith.constant 0 : i32
    return %select_n3A, %c0_i32 : i32, i32
  }
}

module attributes {stable_mosaic.version = 14 : i64} {
  func.func @_dinv_body(%arg0: i32, %arg1: memref<2x512x128xf32, #tpu.memory_space<vmem>>, %arg2: memref<512x128xf32, #tpu.memory_space<vmem>>) attributes {dimension_semantics = [#tpu.dimension_semantics<arbitrary>], iteration_bounds = array<i64: 20>, scalar_prefetch = 0 : i64, scratch_operands = 0 : i64, tpu.core_type = #tpu.core_type<tc>, window_params = [{transform_indices = @transform_0, window_bounds = array<i64: 2, 512, 128>}, {transform_indices = @transform_1, window_bounds = array<i64: 512, 128>}]} {
    %get3A = arith.constant 0 : index
    %get3A_0 = arith.constant 0 : index
    %get3A_1 = arith.constant 0 : index
    %get3A_2 = vector.load %arg1[%get3A, %get3A_0, %get3A_1] : memref<2x512x128xf32, #tpu.memory_space<vmem>>, vector<1x512x1xf32>
    %get3A_3 = vector.shape_cast %get3A_2 : vector<1x512x1xf32> to vector<512x1xf32>
    %get3A_4 = arith.constant 1 : index
    %get3A_5 = arith.constant 0 : index
    %get3A_6 = arith.constant 0 : index
    %get3A_7 = vector.load %arg1[%get3A_4, %get3A_5, %get3A_6] : memref<2x512x128xf32, #tpu.memory_space<vmem>>, vector<1x512x1xf32>
    %get3A_8 = vector.shape_cast %get3A_7 : vector<1x512x1xf32> to vector<512x1xf32>
    %add3A = arith.addf %get3A_3, %get3A_8 : vector<512x1xf32>
    %add3A_9 = arith.constant 1.000000e+00 : f32
    %add3A_10 = vector.broadcast %add3A_9 : f32 to vector<512x1xf32>
    %add3A_11 = arith.addf %add3A, %add3A_10 : vector<512x1xf32>
    %rsqrt3A = math.rsqrt %add3A_11 : vector<512x1xf32>
    %broadcast_in_dim3A = vector.shape_cast %rsqrt3A : vector<512x1xf32> to vector<512x1xf32>
    %broadcast_in_dim3A_12 = vector.broadcast %broadcast_in_dim3A : vector<512x1xf32> to vector<512x128xf32>
    %swap3A = arith.constant 0 : index
    %swap3A_13 = arith.constant 0 : index
    %swap3A_14 = vector.load %arg2[%swap3A, %swap3A_13] : memref<512x128xf32, #tpu.memory_space<vmem>>, vector<512x128xf32>
    tpu.vector_store %arg2[%swap3A, %swap3A_13], %broadcast_in_dim3A_12 {strides = array<i32>} : memref<512x128xf32, #tpu.memory_space<vmem>>, vector<512x128xf32>,
    return
  }
  func.func @transform_0(%arg0: i32) -> (i32, i32, i32) {
    %c0_i32 = arith.constant 0 : i32
    %c0_i32_0 = arith.constant 0 : i32
    %c0_i32_1 = arith.constant 0 : i32
    return %c0_i32, %arg0, %c0_i32_0 : i32, i32, i32
  }
  func.func @transform_1(%arg0: i32) -> (i32, i32) {
    %c0_i32 = arith.constant 0 : i32
    %c0_i32_0 = arith.constant 0 : i32
    return %arg0, %c0_i32 : i32, i32
  }
}

module attributes {stable_mosaic.version = 14 : i64} {
  func.func @_bn_matmul_scale_body(%arg0: i32, %arg1: memref<512x512xf32, #tpu.memory_space<vmem>>, %arg2: memref<512x512xf32, #tpu.memory_space<vmem>>, %arg3: memref<512x128xf32, #tpu.memory_space<vmem>>, %arg4: memref<4x512x128xf32, #tpu.memory_space<vmem>>, %arg5: memref<2x512xf32, #tpu.memory_space<vmem>>) attributes {dimension_semantics = [#tpu.dimension_semantics<arbitrary>], iteration_bounds = array<i64: 40>, scalar_prefetch = 0 : i64, scratch_operands = 1 : i64, tpu.core_type = #tpu.core_type<tc>, window_params = [{transform_indices = @transform_0, window_bounds = array<i64: 512, 512>}, {pipeline_mode = #tpu.pipeline_mode<synchronous>, transform_indices = @transform_1, window_bounds = array<i64: 512, 512>}, {transform_indices = @transform_2, window_bounds = array<i64: 512, 128>}, {transform_indices = @transform_3, window_bounds = array<i64: 4, 512, 128>}]} {
    %eq3A = arith.constant 0 : i32
    %eq3A_0 = arith.cmpi eq, %arg0, %eq3A : i32
    %convert_element_type3A = arith.extui %eq3A_0 : i1 to i32
    %cond3A = arith.constant 0 : i32
    %cond3A_1 = arith.cmpi ne, %convert_element_type3A, %cond3A : i32
    scf.if %cond3A_1 {
      %broadcast_in_dim3A = arith.constant 0.000000e+00 : f32
      %broadcast_in_dim3A_10 = vector.broadcast %broadcast_in_dim3A : f32 to vector<2x512xf32>
      %swap3A = arith.constant 0 : index
      %swap3A_11 = arith.constant 0 : index
      %swap3A_12 = vector.load %arg5[%swap3A, %swap3A_11] : memref<2x512xf32, #tpu.memory_space<vmem>>, vector<2x512xf32>
      tpu.vector_store %arg5[%swap3A, %swap3A_11], %broadcast_in_dim3A_10 {strides = array<i32>} : memref<2x512xf32, #tpu.memory_space<vmem>>, vector<2x512xf32>,
    } else {
    }
    %lt3A = arith.constant 20 : i32
    %lt3A_2 = arith.cmpi slt, %arg0, %lt3A : i32
    %convert_element_type3A_3 = arith.extui %lt3A_2 : i1 to i32
    %cond3A_4 = arith.constant 0 : i32
    %cond3A_5 = arith.cmpi ne, %convert_element_type3A_3, %cond3A_4 : i32
    scf.if %cond3A_5 {
      %get3A = arith.constant 0 : index
      %get3A_10 = arith.constant 0 : index
      %get3A_11 = vector.load %arg1[%get3A, %get3A_10] : memref<512x512xf32, #tpu.memory_space<vmem>>, vector<512x512xf32>
      %iota3A = tpu.iota {dimensions = array<i32: 0>} : vector<512x1xi32>
      %mul3A = arith.constant 512 : i32
      %mul3A_12 = arith.muli %arg0, %mul3A : i32
      %add3A = vector.broadcast %mul3A_12 : i32 to vector<512x1xi32>
      %add3A_13 = arith.addi %iota3A, %add3A : vector<512x1xi32>
      %lt3A_14 = arith.constant 10000 : i32
      %lt3A_15 = vector.broadcast %lt3A_14 : i32 to vector<512x1xi32>
      %lt3A_16 = arith.cmpi slt, %add3A_13, %lt3A_15 : vector<512x1xi32>
      %jit3A = arith.constant 0.000000e+00 : f32
      %broadcast_in_dim3A = vector.shape_cast %lt3A_16 : vector<512x1xi1> to vector<512x1xi1>
      %broadcast_in_dim3A_17 = vector.broadcast %broadcast_in_dim3A : vector<512x1xi1> to vector<512x512xi1>
      %broadcast_in_dim3A_18 = vector.broadcast %jit3A : f32 to vector<512x512xf32>
      %select_n3A = arith.select %broadcast_in_dim3A_17, %get3A_11, %broadcast_in_dim3A_18 : vector<512x512xi1>, vector<512x512xf32>
      %get3A_19 = arith.constant 0 : index
      %get3A_20 = arith.constant 0 : index
      %get3A_21 = vector.load %arg5[%get3A_19, %get3A_20] : memref<2x512xf32, #tpu.memory_space<vmem>>, vector<1x512xf32>
      %reduce_sum3A = arith.constant dense<0.000000e+00> : vector<512xf32>
      %reduce_sum3A_22 = vector.multi_reduction <add>, %select_n3A, %reduce_sum3A [0] : vector<512x512xf32> to vector<512xf32>
      %broadcast_in_dim3A_23 = vector.shape_cast %reduce_sum3A_22 : vector<512xf32> to vector<1x512xf32>
      %add3A_24 = arith.addf %get3A_21, %broadcast_in_dim3A_23 : vector<1x512xf32>
      %swap3A = arith.constant 0 : index
      %swap3A_25 = arith.constant 0 : index
      %swap3A_26 = vector.load %arg5[%swap3A, %swap3A_25] : memref<2x512xf32, #tpu.memory_space<vmem>>, vector<1x512xf32>
      tpu.vector_store %arg5[%swap3A, %swap3A_25], %add3A_24 {strides = array<i32>} : memref<2x512xf32, #tpu.memory_space<vmem>>, vector<1x512xf32>,
      %get3A_27 = arith.constant 1 : index
      %get3A_28 = arith.constant 0 : index
      %get3A_29 = vector.load %arg5[%get3A_27, %get3A_28] : memref<2x512xf32, #tpu.memory_space<vmem>>, vector<1x512xf32>
      %mul3A_30 = arith.mulf %select_n3A, %select_n3A : vector<512x512xf32>
      %reduce_sum3A_31 = arith.constant dense<0.000000e+00> : vector<512xf32>
      %reduce_sum3A_32 = vector.multi_reduction <add>, %mul3A_30, %reduce_sum3A_31 [0] : vector<512x512xf32> to vector<512xf32>
      %broadcast_in_dim3A_33 = vector.shape_cast %reduce_sum3A_32 : vector<512xf32> to vector<1x512xf32>
      %add3A_34 = arith.addf %get3A_29, %broadcast_in_dim3A_33 : vector<1x512xf32>
      %swap3A_35 = arith.constant 1 : index
      %swap3A_36 = arith.constant 0 : index
      %swap3A_37 = vector.load %arg5[%swap3A_35, %swap3A_36] : memref<2x512xf32, #tpu.memory_space<vmem>>, vector<1x512xf32>
      tpu.vector_store %arg5[%swap3A_35, %swap3A_36], %add3A_34 {strides = array<i32>} : memref<2x512xf32, #tpu.memory_space<vmem>>, vector<1x512xf32>,
    } else {
    }
    %ge3A = arith.constant 20 : i32
    %ge3A_6 = arith.cmpi sge, %arg0, %ge3A : i32
    %convert_element_type3A_7 = arith.extui %ge3A_6 : i1 to i32
    %cond3A_8 = arith.constant 0 : i32
    %cond3A_9 = arith.cmpi ne, %convert_element_type3A_7, %cond3A_8 : i32
    scf.if %cond3A_9 {
      %get3A = arith.constant 0 : index
      %get3A_10 = arith.constant 0 : index
      %get3A_11 = vector.load %arg1[%get3A, %get3A_10] : memref<512x512xf32, #tpu.memory_space<vmem>>, vector<512x512xf32>
      %get3A_12 = arith.constant 0 : index
      %get3A_13 = arith.constant 0 : index
      %get3A_14 = vector.load %arg5[%get3A_12, %get3A_13] : memref<2x512xf32, #tpu.memory_space<vmem>>, vector<1x512xf32>
      %div3A = arith.constant 1.000000e+04 : f32
      %div3A_15 = vector.broadcast %div3A : f32 to vector<1x512xf32>
      %div3A_16 = arith.divf %get3A_14, %div3A_15 : vector<1x512xf32>
      %get3A_17 = arith.constant 1 : index
      %get3A_18 = arith.constant 0 : index
      %get3A_19 = vector.load %arg5[%get3A_17, %get3A_18] : memref<2x512xf32, #tpu.memory_space<vmem>>, vector<1x512xf32>
      %div3A_20 = arith.constant 1.000000e+04 : f32
      %div3A_21 = vector.broadcast %div3A_20 : f32 to vector<1x512xf32>
      %div3A_22 = arith.divf %get3A_19, %div3A_21 : vector<1x512xf32>
      %mul3A = arith.mulf %div3A_16, %div3A_16 : vector<1x512xf32>
      %sub3A = arith.subf %div3A_22, %mul3A : vector<1x512xf32>
      %add3A = arith.constant 9.99999974E-6 : f32
      %add3A_23 = vector.broadcast %add3A : f32 to vector<1x512xf32>
      %add3A_24 = arith.addf %sub3A, %add3A_23 : vector<1x512xf32>
      %rsqrt3A = math.rsqrt %add3A_24 : vector<1x512xf32>
      %sub3A_25 = vector.broadcast %div3A_16 : vector<1x512xf32> to vector<512x512xf32>
      %sub3A_26 = arith.subf %get3A_11, %sub3A_25 : vector<512x512xf32>
      %mul3A_27 = vector.broadcast %rsqrt3A : vector<1x512xf32> to vector<512x512xf32>
      %mul3A_28 = arith.mulf %sub3A_26, %mul3A_27 : vector<512x512xf32>
      %add3A_29 = arith.constant 9.99999974E-5 : f32
      %add3A_30 = vector.broadcast %add3A_29 : f32 to vector<512x512xf32>
      %add3A_31 = arith.addf %mul3A_28, %add3A_30 : vector<512x512xf32>
      %get3A_32 = arith.constant 0 : index
      %get3A_33 = arith.constant 0 : index
      %get3A_34 = vector.load %arg2[%get3A_32, %get3A_33] : memref<512x512xf32, #tpu.memory_space<vmem>>, vector<512x512xf32>
      %dot_general3A = arith.constant dense<0.000000e+00> : vector<512x512xf32>
      %dot_general3A_35 = tpu.matmul %add3A_31, %get3A_34, %dot_general3A {dimension_numbers = #tpu.dot_dimension_numbers<[1], [0], [0], [1], [0, 0, 1, 1], [], []>, precision = #tpu.contract_precision<fp32>, transpose_lhs_hint = false} : vector<512x512xf32>, vector<512x512xf32>, vector<512x512xf32> -> vector<512x512xf32>
      %get3A_36 = arith.constant 0 : index
      %get3A_37 = arith.constant 0 : index
      %get3A_38 = vector.load %arg3[%get3A_36, %get3A_37] : memref<512x128xf32, #tpu.memory_space<vmem>>, vector<512x1xf32>
      %mul3A_39 = vector.broadcast %get3A_38 : vector<512x1xf32> to vector<512x512xf32>
      %mul3A_40 = arith.mulf %dot_general3A_35, %mul3A_39 : vector<512x512xf32>
      %slice3A = vector.extract_strided_slice %mul3A_40 {offsets = [0, 0], sizes = [512, 128], strides = [1, 1]} : vector<512x512xf32> to vector<512x128xf32>
      %swap3A = arith.constant 0 : index
      %swap3A_41 = arith.constant 0 : index
      %swap3A_42 = arith.constant 0 : index
      %swap3A_43 = vector.load %arg4[%swap3A, %swap3A_41, %swap3A_42] : memref<4x512x128xf32, #tpu.memory_space<vmem>>, vector<1x512x128xf32>
      %swap3A_44 = vector.shape_cast %swap3A_43 : vector<1x512x128xf32> to vector<512x128xf32>
      %swap3A_45 = vector.shape_cast %slice3A : vector<512x128xf32> to vector<1x512x128xf32>
      tpu.vector_store %arg4[%swap3A, %swap3A_41, %swap3A_42], %swap3A_45 {strides = array<i32>} : memref<4x512x128xf32, #tpu.memory_space<vmem>>, vector<1x512x128xf32>,
      %slice3A_46 = vector.extract_strided_slice %mul3A_40 {offsets = [0, 128], sizes = [512, 128], strides = [1, 1]} : vector<512x512xf32> to vector<512x128xf32>
      %swap3A_47 = arith.constant 1 : index
      %swap3A_48 = arith.constant 0 : index
      %swap3A_49 = arith.constant 0 : index
      %swap3A_50 = vector.load %arg4[%swap3A_47, %swap3A_48, %swap3A_49] : memref<4x512x128xf32, #tpu.memory_space<vmem>>, vector<1x512x128xf32>
      %swap3A_51 = vector.shape_cast %swap3A_50 : vector<1x512x128xf32> to vector<512x128xf32>
      %swap3A_52 = vector.shape_cast %slice3A_46 : vector<512x128xf32> to vector<1x512x128xf32>
      tpu.vector_store %arg4[%swap3A_47, %swap3A_48, %swap3A_49], %swap3A_52 {strides = array<i32>} : memref<4x512x128xf32, #tpu.memory_space<vmem>>, vector<1x512x128xf32>,
      %slice3A_53 = vector.extract_strided_slice %mul3A_40 {offsets = [0, 256], sizes = [512, 128], strides = [1, 1]} : vector<512x512xf32> to vector<512x128xf32>
      %swap3A_54 = arith.constant 2 : index
      %swap3A_55 = arith.constant 0 : index
      %swap3A_56 = arith.constant 0 : index
      %swap3A_57 = vector.load %arg4[%swap3A_54, %swap3A_55, %swap3A_56] : memref<4x512x128xf32, #tpu.memory_space<vmem>>, vector<1x512x128xf32>
      %swap3A_58 = vector.shape_cast %swap3A_57 : vector<1x512x128xf32> to vector<512x128xf32>
      %swap3A_59 = vector.shape_cast %slice3A_53 : vector<512x128xf32> to vector<1x512x128xf32>
      tpu.vector_store %arg4[%swap3A_54, %swap3A_55, %swap3A_56], %swap3A_59 {strides = array<i32>} : memref<4x512x128xf32, #tpu.memory_space<vmem>>, vector<1x512x128xf32>,
      %slice3A_60 = vector.extract_strided_slice %mul3A_40 {offsets = [0, 384], sizes = [512, 128], strides = [1, 1]} : vector<512x512xf32> to vector<512x128xf32>
      %swap3A_61 = arith.constant 3 : index
      %swap3A_62 = arith.constant 0 : index
      %swap3A_63 = arith.constant 0 : index
      %swap3A_64 = vector.load %arg4[%swap3A_61, %swap3A_62, %swap3A_63] : memref<4x512x128xf32, #tpu.memory_space<vmem>>, vector<1x512x128xf32>
      %swap3A_65 = vector.shape_cast %swap3A_64 : vector<1x512x128xf32> to vector<512x128xf32>
      %swap3A_66 = vector.shape_cast %slice3A_60 : vector<512x128xf32> to vector<1x512x128xf32>
      tpu.vector_store %arg4[%swap3A_61, %swap3A_62, %swap3A_63], %swap3A_66 {strides = array<i32>} : memref<4x512x128xf32, #tpu.memory_space<vmem>>, vector<1x512x128xf32>,
    } else {
    }
    return
  }
  func.func @transform_0(%arg0: i32) -> (i32, i32) {
    %lt3A = arith.constant 20 : i32
    %lt3A_0 = arith.cmpi slt, %arg0, %lt3A : i32
    %sub3A = arith.constant 20 : i32
    %sub3A_1 = arith.subi %arg0, %sub3A : i32
    %select_n3A = arith.select %lt3A_0, %arg0, %sub3A_1 : i32
    %c0_i32 = arith.constant 0 : i32
    %c0_i32_2 = arith.constant 0 : i32
    return %select_n3A, %c0_i32 : i32, i32
  }
  func.func @transform_1(%arg0: i32) -> (i32, i32) {
    %c0_i32 = arith.constant 0 : i32
    %c0_i32_0 = arith.constant 0 : i32
    %c0_i32_1 = arith.constant 0 : i32
    return %c0_i32, %c0_i32_0 : i32, i32
  }
  func.func @transform_2(%arg0: i32) -> (i32, i32) {
    %lt3A = arith.constant 20 : i32
    %lt3A_0 = arith.cmpi slt, %arg0, %lt3A : i32
    %sub3A = arith.constant 20 : i32
    %sub3A_1 = arith.subi %arg0, %sub3A : i32
    %jit3A = arith.constant 0 : i32
    %select_n3A = arith.select %lt3A_0, %jit3A, %sub3A_1 : i32
    %c0_i32 = arith.constant 0 : i32
    %c0_i32_2 = arith.constant 0 : i32
    return %select_n3A, %c0_i32 : i32, i32
  }
  func.func @transform_3(%arg0: i32) -> (i32, i32, i32) {
    %lt3A = arith.constant 20 : i32
    %lt3A_0 = arith.cmpi slt, %arg0, %lt3A : i32
    %sub3A = arith.constant 20 : i32
    %sub3A_1 = arith.subi %arg0, %sub3A : i32
    %jit3A = arith.constant 0 : i32
    %select_n3A = arith.select %lt3A_0, %jit3A, %sub3A_1 : i32
    %c0_i32 = arith.constant 0 : i32
    %c0_i32_2 = arith.constant 0 : i32
    %c0_i32_3 = arith.constant 0 : i32
    return %c0_i32, %select_n3A, %c0_i32_2 : i32, i32, i32
  }
}

module attributes {stable_mosaic.version = 14 : i64} {
  func.func @_combine_body(%arg0: i32, %arg1: memref<4x512x128xf32, #tpu.memory_space<vmem>>, %arg2: memref<4x512x128xf32, #tpu.memory_space<vmem>>, %arg3: memref<512x128xf32, #tpu.memory_space<vmem>>, %arg4: memref<1x512xf32, #tpu.memory_space<vmem>>, %arg5: memref<512x512xf32, #tpu.memory_space<vmem>>) attributes {dimension_semantics = [#tpu.dimension_semantics<arbitrary>], iteration_bounds = array<i64: 20>, scalar_prefetch = 0 : i64, scratch_operands = 0 : i64, tpu.core_type = #tpu.core_type<tc>, window_params = [{transform_indices = @transform_0, window_bounds = array<i64: 4, 512, 128>}, {transform_indices = @transform_1, window_bounds = array<i64: 4, 512, 128>}, {transform_indices = @transform_2, window_bounds = array<i64: 512, 128>}, {pipeline_mode = #tpu.pipeline_mode<synchronous>, transform_indices = @transform_3, window_bounds = array<i64: 1, 512>}, {transform_indices = @transform_4, window_bounds = array<i64: 512, 512>}]} {
    %get3A = arith.constant 0 : index
    %get3A_0 = arith.constant 0 : index
    %get3A_1 = vector.load %arg3[%get3A, %get3A_0] : memref<512x128xf32, #tpu.memory_space<vmem>>, vector<512x1xf32>
    %get3A_2 = arith.constant 0 : index
    %get3A_3 = arith.constant 0 : index
    %get3A_4 = arith.constant 0 : index
    %get3A_5 = vector.load %arg1[%get3A_2, %get3A_3, %get3A_4] : memref<4x512x128xf32, #tpu.memory_space<vmem>>, vector<1x512x128xf32>
    %get3A_6 = vector.shape_cast %get3A_5 : vector<1x512x128xf32> to vector<512x128xf32>
    %get3A_7 = arith.constant 0 : index
    %get3A_8 = arith.constant 0 : index
    %get3A_9 = arith.constant 0 : index
    %get3A_10 = vector.load %arg2[%get3A_7, %get3A_8, %get3A_9] : memref<4x512x128xf32, #tpu.memory_space<vmem>>, vector<1x512x128xf32>
    %get3A_11 = vector.shape_cast %get3A_10 : vector<1x512x128xf32> to vector<512x128xf32>
    %add3A = arith.addf %get3A_6, %get3A_11 : vector<512x128xf32>
    %mul3A = vector.broadcast %get3A_1 : vector<512x1xf32> to vector<512x128xf32>
    %mul3A_12 = arith.mulf %mul3A, %add3A : vector<512x128xf32>
    %get3A_13 = arith.constant 0 : index
    %get3A_14 = arith.constant 0 : index
    %get3A_15 = vector.load %arg4[%get3A_13, %get3A_14] : memref<1x512xf32, #tpu.memory_space<vmem>>, vector<1x128xf32>
    %add3A_16 = vector.broadcast %get3A_15 : vector<1x128xf32> to vector<512x128xf32>
    %add3A_17 = arith.addf %mul3A_12, %add3A_16 : vector<512x128xf32>
    %max3A = arith.constant 0.000000e+00 : f32
    %max3A_18 = vector.broadcast %max3A : f32 to vector<512x128xf32>
    %max3A_19 = arith.maximumf %add3A_17, %max3A_18 : vector<512x128xf32>
    %swap3A = arith.constant 0 : index
    %swap3A_20 = arith.constant 0 : index
    %swap3A_21 = vector.load %arg5[%swap3A, %swap3A_20] : memref<512x512xf32, #tpu.memory_space<vmem>>, vector<512x128xf32>
    tpu.vector_store %arg5[%swap3A, %swap3A_20], %max3A_19 {strides = array<i32>} : memref<512x512xf32, #tpu.memory_space<vmem>>, vector<512x128xf32>,
    %get3A_22 = arith.constant 1 : index
    %get3A_23 = arith.constant 0 : index
    %get3A_24 = arith.constant 0 : index
    %get3A_25 = vector.load %arg1[%get3A_22, %get3A_23, %get3A_24] : memref<4x512x128xf32, #tpu.memory_space<vmem>>, vector<1x512x128xf32>
    %get3A_26 = vector.shape_cast %get3A_25 : vector<1x512x128xf32> to vector<512x128xf32>
    %get3A_27 = arith.constant 1 : index
    %get3A_28 = arith.constant 0 : index
    %get3A_29 = arith.constant 0 : index
    %get3A_30 = vector.load %arg2[%get3A_27, %get3A_28, %get3A_29] : memref<4x512x128xf32, #tpu.memory_space<vmem>>, vector<1x512x128xf32>
    %get3A_31 = vector.shape_cast %get3A_30 : vector<1x512x128xf32> to vector<512x128xf32>
    %add3A_32 = arith.addf %get3A_26, %get3A_31 : vector<512x128xf32>
    %mul3A_33 = vector.broadcast %get3A_1 : vector<512x1xf32> to vector<512x128xf32>
    %mul3A_34 = arith.mulf %mul3A_33, %add3A_32 : vector<512x128xf32>
    %get3A_35 = arith.constant 0 : index
    %get3A_36 = arith.constant 128 : index
    %get3A_37 = vector.load %arg4[%get3A_35, %get3A_36] : memref<1x512xf32, #tpu.memory_space<vmem>>, vector<1x128xf32>
    %add3A_38 = vector.broadcast %get3A_37 : vector<1x128xf32> to vector<512x128xf32>
    %add3A_39 = arith.addf %mul3A_34, %add3A_38 : vector<512x128xf32>
    %max3A_40 = arith.constant 0.000000e+00 : f32
    %max3A_41 = vector.broadcast %max3A_40 : f32 to vector<512x128xf32>
    %max3A_42 = arith.maximumf %add3A_39, %max3A_41 : vector<512x128xf32>
    %swap3A_43 = arith.constant 0 : index
    %swap3A_44 = arith.constant 128 : index
    %swap3A_45 = vector.load %arg5[%swap3A_43, %swap3A_44] : memref<512x512xf32, #tpu.memory_space<vmem>>, vector<512x128xf32>
    tpu.vector_store %arg5[%swap3A_43, %swap3A_44], %max3A_42 {strides = array<i32>} : memref<512x512xf32, #tpu.memory_space<vmem>>, vector<512x128xf32>,
    %get3A_46 = arith.constant 2 : index
    %get3A_47 = arith.constant 0 : index
    %get3A_48 = arith.constant 0 : index
    %get3A_49 = vector.load %arg1[%get3A_46, %get3A_47, %get3A_48] : memref<4x512x128xf32, #tpu.memory_space<vmem>>, vector<1x512x128xf32>
    %get3A_50 = vector.shape_cast %get3A_49 : vector<1x512x128xf32> to vector<512x128xf32>
    %get3A_51 = arith.constant 2 : index
    %get3A_52 = arith.constant 0 : index
    %get3A_53 = arith.constant 0 : index
    %get3A_54 = vector.load %arg2[%get3A_51, %get3A_52, %get3A_53] : memref<4x512x128xf32, #tpu.memory_space<vmem>>, vector<1x512x128xf32>
    %get3A_55 = vector.shape_cast %get3A_54 : vector<1x512x128xf32> to vector<512x128xf32>
    %add3A_56 = arith.addf %get3A_50, %get3A_55 : vector<512x128xf32>
    %mul3A_57 = vector.broadcast %get3A_1 : vector<512x1xf32> to vector<512x128xf32>
    %mul3A_58 = arith.mulf %mul3A_57, %add3A_56 : vector<512x128xf32>
    %get3A_59 = arith.constant 0 : index
    %get3A_60 = arith.constant 256 : index
    %get3A_61 = vector.load %arg4[%get3A_59, %get3A_60] : memref<1x512xf32, #tpu.memory_space<vmem>>, vector<1x128xf32>
    %add3A_62 = vector.broadcast %get3A_61 : vector<1x128xf32> to vector<512x128xf32>
    %add3A_63 = arith.addf %mul3A_58, %add3A_62 : vector<512x128xf32>
    %max3A_64 = arith.constant 0.000000e+00 : f32
    %max3A_65 = vector.broadcast %max3A_64 : f32 to vector<512x128xf32>
    %max3A_66 = arith.maximumf %add3A_63, %max3A_65 : vector<512x128xf32>
    %swap3A_67 = arith.constant 0 : index
    %swap3A_68 = arith.constant 256 : index
    %swap3A_69 = vector.load %arg5[%swap3A_67, %swap3A_68] : memref<512x512xf32, #tpu.memory_space<vmem>>, vector<512x128xf32>
    tpu.vector_store %arg5[%swap3A_67, %swap3A_68], %max3A_66 {strides = array<i32>} : memref<512x512xf32, #tpu.memory_space<vmem>>, vector<512x128xf32>,
    %get3A_70 = arith.constant 3 : index
    %get3A_71 = arith.constant 0 : index
    %get3A_72 = arith.constant 0 : index
    %get3A_73 = vector.load %arg1[%get3A_70, %get3A_71, %get3A_72] : memref<4x512x128xf32, #tpu.memory_space<vmem>>, vector<1x512x128xf32>
    %get3A_74 = vector.shape_cast %get3A_73 : vector<1x512x128xf32> to vector<512x128xf32>
    %get3A_75 = arith.constant 3 : index
    %get3A_76 = arith.constant 0 : index
    %get3A_77 = arith.constant 0 : index
    %get3A_78 = vector.load %arg2[%get3A_75, %get3A_76, %get3A_77] : memref<4x512x128xf32, #tpu.memory_space<vmem>>, vector<1x512x128xf32>
    %get3A_79 = vector.shape_cast %get3A_78 : vector<1x512x128xf32> to vector<512x128xf32>
    %add3A_80 = arith.addf %get3A_74, %get3A_79 : vector<512x128xf32>
    %mul3A_81 = vector.broadcast %get3A_1 : vector<512x1xf32> to vector<512x128xf32>
    %mul3A_82 = arith.mulf %mul3A_81, %add3A_80 : vector<512x128xf32>
    %get3A_83 = arith.constant 0 : index
    %get3A_84 = arith.constant 384 : index
    %get3A_85 = vector.load %arg4[%get3A_83, %get3A_84] : memref<1x512xf32, #tpu.memory_space<vmem>>, vector<1x128xf32>
    %add3A_86 = vector.broadcast %get3A_85 : vector<1x128xf32> to vector<512x128xf32>
    %add3A_87 = arith.addf %mul3A_82, %add3A_86 : vector<512x128xf32>
    %max3A_88 = arith.constant 0.000000e+00 : f32
    %max3A_89 = vector.broadcast %max3A_88 : f32 to vector<512x128xf32>
    %max3A_90 = arith.maximumf %add3A_87, %max3A_89 : vector<512x128xf32>
    %swap3A_91 = arith.constant 0 : index
    %swap3A_92 = arith.constant 384 : index
    %swap3A_93 = vector.load %arg5[%swap3A_91, %swap3A_92] : memref<512x512xf32, #tpu.memory_space<vmem>>, vector<512x128xf32>
    tpu.vector_store %arg5[%swap3A_91, %swap3A_92], %max3A_90 {strides = array<i32>} : memref<512x512xf32, #tpu.memory_space<vmem>>, vector<512x128xf32>,
    return
  }
  func.func @transform_0(%arg0: i32) -> (i32, i32, i32) {
    %c0_i32 = arith.constant 0 : i32
    %c0_i32_0 = arith.constant 0 : i32
    %c0_i32_1 = arith.constant 0 : i32
    return %c0_i32, %arg0, %c0_i32_0 : i32, i32, i32
  }
  func.func @transform_1(%arg0: i32) -> (i32, i32, i32) {
    %c0_i32 = arith.constant 0 : i32
    %c0_i32_0 = arith.constant 0 : i32
    %c0_i32_1 = arith.constant 0 : i32
    return %c0_i32, %arg0, %c0_i32_0 : i32, i32, i32
  }
  func.func @transform_2(%arg0: i32) -> (i32, i32) {
    %c0_i32 = arith.constant 0 : i32
    %c0_i32_0 = arith.constant 0 : i32
    return %arg0, %c0_i32 : i32, i32
  }
  func.func @transform_3(%arg0: i32) -> (i32, i32) {
    %c0_i32 = arith.constant 0 : i32
    %c0_i32_0 = arith.constant 0 : i32
    %c0_i32_1 = arith.constant 0 : i32
    return %c0_i32, %c0_i32_0 : i32, i32
  }
  func.func @transform_4(%arg0: i32) -> (i32, i32) {
    %c0_i32 = arith.constant 0 : i32
    %c0_i32_0 = arith.constant 0 : i32
    return %arg0, %c0_i32 : i32, i32
  }
}

module attributes {stable_mosaic.version = 14 : i64} {
  func.func @_pool_body(%arg0: i32, %arg1: memref<512x512xf32, #tpu.memory_space<vmem>>, %arg2: memref<512x1xi32, #tpu.memory_space<vmem>>, %arg3: memref<128x512xf32, #tpu.memory_space<vmem>>, %arg4: memref<128x512xf32, #tpu.memory_space<vmem>>) attributes {dimension_semantics = [#tpu.dimension_semantics<arbitrary>], iteration_bounds = array<i64: 20>, scalar_prefetch = 0 : i64, scratch_operands = 1 : i64, tpu.core_type = #tpu.core_type<tc>, window_params = [{transform_indices = @transform_0, window_bounds = array<i64: 512, 512>}, {transform_indices = @transform_1, window_bounds = array<i64: 512, 1>}, {pipeline_mode = #tpu.pipeline_mode<synchronous>, transform_indices = @transform_2, window_bounds = array<i64: 128, 512>}]} {
    %eq3A = arith.constant 0 : i32
    %eq3A_0 = arith.cmpi eq, %arg0, %eq3A : i32
    %convert_element_type3A = arith.extui %eq3A_0 : i1 to i32
    %cond3A = arith.constant 0 : i32
    %cond3A_1 = arith.cmpi ne, %convert_element_type3A, %cond3A : i32
    scf.if %cond3A_1 {
      %broadcast_in_dim3A = arith.constant 0.000000e+00 : f32
      %broadcast_in_dim3A_23 = vector.broadcast %broadcast_in_dim3A : f32 to vector<128x512xf32>
      %swap3A_24 = arith.constant 0 : index
      %swap3A_25 = arith.constant 0 : index
      %swap3A_26 = vector.load %arg4[%swap3A_24, %swap3A_25] : memref<128x512xf32, #tpu.memory_space<vmem>>, vector<128x512xf32>
      tpu.vector_store %arg4[%swap3A_24, %swap3A_25], %broadcast_in_dim3A_23 {strides = array<i32>} : memref<128x512xf32, #tpu.memory_space<vmem>>, vector<128x512xf32>,
    } else {
    }
    %get3A = arith.constant 0 : index
    %get3A_2 = arith.constant 0 : index
    %get3A_3 = vector.load %arg2[%get3A, %get3A_2] : memref<512x1xi32, #tpu.memory_space<vmem>>, vector<512x1xi32>
    %iota3A = tpu.iota {dimensions = array<i32: 1>} : vector<1x128xi32>
    %eq3A_4 = vector.broadcast %get3A_3 : vector<512x1xi32> to vector<512x128xi32>
    %eq3A_5 = vector.broadcast %iota3A : vector<1x128xi32> to vector<512x128xi32>
    %eq3A_6 = arith.cmpi eq, %eq3A_4, %eq3A_5 : vector<512x128xi32>
    %convert_element_type3A_7 = arith.extui %eq3A_6 : vector<512x128xi1> to vector<512x128xi32>
    %convert_element_type3A_8 = arith.sitofp %convert_element_type3A_7 : vector<512x128xi32> to vector<512x128xf32>
    %get3A_9 = arith.constant 0 : index
    %get3A_10 = arith.constant 0 : index
    %get3A_11 = vector.load %arg4[%get3A_9, %get3A_10] : memref<128x512xf32, #tpu.memory_space<vmem>>, vector<128x512xf32>
    %get3A_12 = arith.constant 0 : index
    %get3A_13 = arith.constant 0 : index
    %get3A_14 = vector.load %arg1[%get3A_12, %get3A_13] : memref<512x512xf32, #tpu.memory_space<vmem>>, vector<512x512xf32>
    %dot_general3A = arith.constant dense<0.000000e+00> : vector<128x512xf32>
    %dot_general3A_15 = tpu.matmul %convert_element_type3A_8, %get3A_14, %dot_general3A {dimension_numbers = #tpu.dot_dimension_numbers<[0], [0], [1], [1], [0, 1, 1, 1], [], []>, precision = #tpu.contract_precision<fp32>, transpose_lhs_hint = false} : vector<512x128xf32>, vector<512x512xf32>, vector<128x512xf32> -> vector<128x512xf32>
    %add3A = arith.addf %get3A_11, %dot_general3A_15 : vector<128x512xf32>
    %swap3A = arith.constant 0 : index
    %swap3A_16 = arith.constant 0 : index
    %swap3A_17 = vector.load %arg4[%swap3A, %swap3A_16] : memref<128x512xf32, #tpu.memory_space<vmem>>, vector<128x512xf32>
    tpu.vector_store %arg4[%swap3A, %swap3A_16], %add3A {strides = array<i32>} : memref<128x512xf32, #tpu.memory_space<vmem>>, vector<128x512xf32>,
    %eq3A_18 = arith.constant 19 : i32
    %eq3A_19 = arith.cmpi eq, %arg0, %eq3A_18 : i32
    %convert_element_type3A_20 = arith.extui %eq3A_19 : i1 to i32
    %cond3A_21 = arith.constant 0 : i32
    %cond3A_22 = arith.cmpi ne, %convert_element_type3A_20, %cond3A_21 : i32
    scf.if %cond3A_22 {
      %get3A_23 = arith.constant 0 : index
      %get3A_24 = arith.constant 0 : index
      %get3A_25 = vector.load %arg4[%get3A_23, %get3A_24] : memref<128x512xf32, #tpu.memory_space<vmem>>, vector<128x512xf32>
      %swap3A_26 = arith.constant 0 : index
      %swap3A_27 = arith.constant 0 : index
      %swap3A_28 = vector.load %arg3[%swap3A_26, %swap3A_27] : memref<128x512xf32, #tpu.memory_space<vmem>>, vector<128x512xf32>
      tpu.vector_store %arg3[%swap3A_26, %swap3A_27], %get3A_25 {strides = array<i32>} : memref<128x512xf32, #tpu.memory_space<vmem>>, vector<128x512xf32>,
    } else {
    }
    return
  }
  func.func @transform_0(%arg0: i32) -> (i32, i32) {
    %c0_i32 = arith.constant 0 : i32
    %c0_i32_0 = arith.constant 0 : i32
    return %arg0, %c0_i32 : i32, i32
  }
  func.func @transform_1(%arg0: i32) -> (i32, i32) {
    %c0_i32 = arith.constant 0 : i32
    %c0_i32_0 = arith.constant 0 : i32
    return %arg0, %c0_i32 : i32, i32
  }
  func.func @transform_2(%arg0: i32) -> (i32, i32) {
    %c0_i32 = arith.constant 0 : i32
    %c0_i32_0 = arith.constant 0 : i32
    %c0_i32_1 = arith.constant 0 : i32
    return %c0_i32, %c0_i32_0 : i32, i32
  }
}

module attributes {stable_mosaic.version = 14 : i64} {
  func.func @_head_body(%arg0: memref<128x512xf32, #tpu.memory_space<vmem>>, %arg1: memref<512x512xf32, #tpu.memory_space<vmem>>, %arg2: memref<1x512xf32, #tpu.memory_space<vmem>>, %arg3: memref<512x10xf32, #tpu.memory_space<vmem>>, %arg4: memref<1x10xf32, #tpu.memory_space<vmem>>, %arg5: memref<128x10xf32, #tpu.memory_space<vmem>>) attributes {dimension_semantics = [], scalar_prefetch = 0 : i64, scratch_operands = 0 : i64, tpu.core_type = #tpu.core_type<tc>} {
    %get3A = arith.constant 0 : index
    %get3A_0 = arith.constant 0 : index
    %get3A_1 = vector.load %arg0[%get3A, %get3A_0] : memref<128x512xf32, #tpu.memory_space<vmem>>, vector<128x512xf32>
    %reduce_sum3A = arith.constant dense<0.000000e+00> : vector<512xf32>
    %reduce_sum3A_2 = vector.multi_reduction <add>, %get3A_1, %reduce_sum3A [0] : vector<128x512xf32> to vector<512xf32>
    %broadcast_in_dim3A = vector.shape_cast %reduce_sum3A_2 : vector<512xf32> to vector<1x512xf32>
    %div3A = arith.constant 1.280000e+02 : f32
    %div3A_3 = vector.broadcast %div3A : f32 to vector<1x512xf32>
    %div3A_4 = arith.divf %broadcast_in_dim3A, %div3A_3 : vector<1x512xf32>
    %sub3A = vector.broadcast %div3A_4 : vector<1x512xf32> to vector<128x512xf32>
    %sub3A_5 = arith.subf %get3A_1, %sub3A : vector<128x512xf32>
    %integer_pow3A = arith.mulf %sub3A_5, %sub3A_5 : vector<128x512xf32>
    %reduce_sum3A_6 = arith.constant dense<0.000000e+00> : vector<512xf32>
    %reduce_sum3A_7 = vector.multi_reduction <add>, %integer_pow3A, %reduce_sum3A_6 [0] : vector<128x512xf32> to vector<512xf32>
    %broadcast_in_dim3A_8 = vector.shape_cast %reduce_sum3A_7 : vector<512xf32> to vector<1x512xf32>
    %div3A_9 = arith.constant 1.280000e+02 : f32
    %div3A_10 = vector.broadcast %div3A_9 : f32 to vector<1x512xf32>
    %div3A_11 = arith.divf %broadcast_in_dim3A_8, %div3A_10 : vector<1x512xf32>
    %sub3A_12 = vector.broadcast %div3A_4 : vector<1x512xf32> to vector<128x512xf32>
    %sub3A_13 = arith.subf %get3A_1, %sub3A_12 : vector<128x512xf32>
    %add3A = arith.constant 9.99999974E-6 : f32
    %add3A_14 = vector.broadcast %add3A : f32 to vector<1x512xf32>
    %add3A_15 = arith.addf %div3A_11, %add3A_14 : vector<1x512xf32>
    %rsqrt3A = math.rsqrt %add3A_15 : vector<1x512xf32>
    %mul3A = vector.broadcast %rsqrt3A : vector<1x512xf32> to vector<128x512xf32>
    %mul3A_16 = arith.mulf %sub3A_13, %mul3A : vector<128x512xf32>
    %add3A_17 = arith.constant 9.99999974E-5 : f32
    %add3A_18 = vector.broadcast %add3A_17 : f32 to vector<128x512xf32>
    %add3A_19 = arith.addf %mul3A_16, %add3A_18 : vector<128x512xf32>
    %get3A_20 = arith.constant 0 : index
    %get3A_21 = arith.constant 0 : index
    %get3A_22 = vector.load %arg1[%get3A_20, %get3A_21] : memref<512x512xf32, #tpu.memory_space<vmem>>, vector<512x512xf32>
    %dot_general3A = arith.constant dense<0.000000e+00> : vector<128x512xf32>
    %dot_general3A_23 = tpu.matmul %add3A_19, %get3A_22, %dot_general3A {dimension_numbers = #tpu.dot_dimension_numbers<[1], [0], [0], [1], [0, 0, 1, 1], [], []>, precision = #tpu.contract_precision<fp32>, transpose_lhs_hint = false} : vector<128x512xf32>, vector<512x512xf32>, vector<128x512xf32> -> vector<128x512xf32>
    %get3A_24 = arith.constant 0 : index
    %get3A_25 = arith.constant 0 : index
    %get3A_26 = vector.load %arg2[%get3A_24, %get3A_25] : memref<1x512xf32, #tpu.memory_space<vmem>>, vector<1x512xf32>
    %add3A_27 = vector.broadcast %get3A_26 : vector<1x512xf32> to vector<128x512xf32>
    %add3A_28 = arith.addf %dot_general3A_23, %add3A_27 : vector<128x512xf32>
    %max3A = arith.constant 0.000000e+00 : f32
    %max3A_29 = vector.broadcast %max3A : f32 to vector<128x512xf32>
    %max3A_30 = arith.maximumf %add3A_28, %max3A_29 : vector<128x512xf32>
    %reduce_sum3A_31 = arith.constant dense<0.000000e+00> : vector<512xf32>
    %reduce_sum3A_32 = vector.multi_reduction <add>, %max3A_30, %reduce_sum3A_31 [0] : vector<128x512xf32> to vector<512xf32>
    %broadcast_in_dim3A_33 = vector.shape_cast %reduce_sum3A_32 : vector<512xf32> to vector<1x512xf32>
    %div3A_34 = arith.constant 1.280000e+02 : f32
    %div3A_35 = vector.broadcast %div3A_34 : f32 to vector<1x512xf32>
    %div3A_36 = arith.divf %broadcast_in_dim3A_33, %div3A_35 : vector<1x512xf32>
    %sub3A_37 = vector.broadcast %div3A_36 : vector<1x512xf32> to vector<128x512xf32>
    %sub3A_38 = arith.subf %max3A_30, %sub3A_37 : vector<128x512xf32>
    %integer_pow3A_39 = arith.mulf %sub3A_38, %sub3A_38 : vector<128x512xf32>
    %reduce_sum3A_40 = arith.constant dense<0.000000e+00> : vector<512xf32>
    %reduce_sum3A_41 = vector.multi_reduction <add>, %integer_pow3A_39, %reduce_sum3A_40 [0] : vector<128x512xf32> to vector<512xf32>
    %broadcast_in_dim3A_42 = vector.shape_cast %reduce_sum3A_41 : vector<512xf32> to vector<1x512xf32>
    %div3A_43 = arith.constant 1.280000e+02 : f32
    %div3A_44 = vector.broadcast %div3A_43 : f32 to vector<1x512xf32>
    %div3A_45 = arith.divf %broadcast_in_dim3A_42, %div3A_44 : vector<1x512xf32>
    %sub3A_46 = vector.broadcast %div3A_36 : vector<1x512xf32> to vector<128x512xf32>
    %sub3A_47 = arith.subf %max3A_30, %sub3A_46 : vector<128x512xf32>
    %add3A_48 = arith.constant 9.99999974E-6 : f32
    %add3A_49 = vector.broadcast %add3A_48 : f32 to vector<1x512xf32>
    %add3A_50 = arith.addf %div3A_45, %add3A_49 : vector<1x512xf32>
    %rsqrt3A_51 = math.rsqrt %add3A_50 : vector<1x512xf32>
    %mul3A_52 = vector.broadcast %rsqrt3A_51 : vector<1x512xf32> to vector<128x512xf32>
    %mul3A_53 = arith.mulf %sub3A_47, %mul3A_52 : vector<128x512xf32>
    %add3A_54 = arith.constant 9.99999974E-5 : f32
    %add3A_55 = vector.broadcast %add3A_54 : f32 to vector<128x512xf32>
    %add3A_56 = arith.addf %mul3A_53, %add3A_55 : vector<128x512xf32>
    %get3A_57 = arith.constant 0 : index
    %get3A_58 = arith.constant 0 : index
    %get3A_59 = vector.load %arg3[%get3A_57, %get3A_58] : memref<512x10xf32, #tpu.memory_space<vmem>>, vector<512x10xf32>
    %dot_general3A_60 = arith.constant dense<0.000000e+00> : vector<128x10xf32>
    %dot_general3A_61 = tpu.matmul %add3A_56, %get3A_59, %dot_general3A_60 {dimension_numbers = #tpu.dot_dimension_numbers<[1], [0], [0], [1], [0, 0, 1, 1], [], []>, precision = #tpu.contract_precision<fp32>, transpose_lhs_hint = false} : vector<128x512xf32>, vector<512x10xf32>, vector<128x10xf32> -> vector<128x10xf32>
    %get3A_62 = arith.constant 0 : index
    %get3A_63 = arith.constant 0 : index
    %get3A_64 = vector.load %arg4[%get3A_62, %get3A_63] : memref<1x10xf32, #tpu.memory_space<vmem>>, vector<1x10xf32>
    %add3A_65 = vector.broadcast %get3A_64 : vector<1x10xf32> to vector<128x10xf32>
    %add3A_66 = arith.addf %dot_general3A_61, %add3A_65 : vector<128x10xf32>
    %reduce_max3A = arith.constant dense<0xFF800000> : vector<128xf32>
    %reduce_max3A_67 = vector.multi_reduction <maximumf>, %add3A_66, %reduce_max3A [1] : vector<128x10xf32> to vector<128xf32>
    %broadcast_in_dim3A_68 = vector.shape_cast %reduce_max3A_67 : vector<128xf32> to vector<128x1xf32>
    %sub3A_69 = vector.broadcast %broadcast_in_dim3A_68 : vector<128x1xf32> to vector<128x10xf32>
    %sub3A_70 = arith.subf %add3A_66, %sub3A_69 : vector<128x10xf32>
    %exp3A = math.exp %sub3A_70 : vector<128x10xf32>
    %reduce_sum3A_71 = arith.constant dense<0.000000e+00> : vector<128xf32>
    %reduce_sum3A_72 = vector.multi_reduction <add>, %exp3A, %reduce_sum3A_71 [1] : vector<128x10xf32> to vector<128xf32>
    %broadcast_in_dim3A_73 = vector.shape_cast %reduce_sum3A_72 : vector<128xf32> to vector<128x1xf32>
    %log3A = math.log %broadcast_in_dim3A_73 : vector<128x1xf32>
    %sub3A_74 = vector.broadcast %log3A : vector<128x1xf32> to vector<128x10xf32>
    %sub3A_75 = arith.subf %sub3A_70, %sub3A_74 : vector<128x10xf32>
    %swap3A = arith.constant 0 : index
    %swap3A_76 = arith.constant 0 : index
    %swap3A_77 = vector.load %arg5[%swap3A, %swap3A_76] : memref<128x10xf32, #tpu.memory_space<vmem>>, vector<128x10xf32>
    tpu.vector_store %arg5[%swap3A, %swap3A_76], %sub3A_75 {strides = array<i32>} : memref<128x10xf32, #tpu.memory_space<vmem>>, vector<128x10xf32>,
    return
  }
}

</mosaic_0001>

<sc_bundles>
// kernel: kernel.16.cloned.1.call-start
scs
__scs_entry_jumppad:
0x0: {  	(pc) =	sbr.rel $0x88, $3  }
0x1: {  	(tag) =	ssettag $0x0;
	lr =	simm.s32 $0x1  }
0x2: {  	[smem:$0x3F97] =	sst lr;
	_ =	strace $0xD0000000  }
0x3: {  	_ = 	snop  }
0x4: {  	_ = 	snop  }
0x5: {  	_ = 	snop  }
0x6: {  	_ = 	snop  }
0x7: {  	_ = 	snop  }
__scs_overlays_trampoline_lowered:
0x8: {  	[smem:$0x3FA6] =	sst s0  }
0x9: {  	[smem:$0x3FA7] =	sst s1  }
0xa: {  	[smem:$0x3FA8] =	sst s2  }
0xb: {  	[smem:$0x3FA9] =	sst s3  }
0xc: {  	[smem:$0x3FAA] =	sst s4  }
0xd: {  	[smem:$0x3FAB] =	sst s5  }
0xe: {  	[smem:$0x3FAC] =	sst s6  }
0xf: {  	[smem:$0x3FAD] =	sst s7  }
0x10: {  	[smem:$0x3FAE] =	sst s8  }
0x11: {  	[smem:$0x3FAF] =	sst s9;
	s0 =	simm.s32 @!p0 $0x0  }
0x12: {  	s1 =	sld [smem:$0x3F95];
	s0 =	simm.s32 @p0 $0x1  }
0x13: {  	[smem:$0x3FB0] =	sst s0;
	s0 =	simm.s32 @!p1 $0x0  }
0x14: {  	s2 =	sld [smem:$0x3F94];
	s0 =	simm.s32 @p1 $0x1  }
0x15: {  	[smem:$0x3FB1] =	sst s0;
	s0 =	simm.s32 @!p2 $0x0  }
0x16: {  	s3 =	sld [smem:$0x3FDB];
	s0 =	simm.s32 @p2 $0x1  }
0x17: {  	s4 =	simm.s32 $0x1BF5;
	[smem:$0x3FB3] =	sst s0  }
0x18: {  	s0 =	sld [smem:$0x3F96];
	_ =	swait.ge [sflag:s4], $0x0  }
0x19: {  	s7 =	sld [smem:$0x3F97]  }
0x1a: {  	s8 =	sadd.s32 $0xFFFFE003, lr  }
0x1b: {  	s9 =	sadd.s32 $0xFFFFFEF7, lr;
	s5 =	simm.s32 $0xFFFFFFFF;
	p2 =	slt.u32 s8, $0xFFFFF086  }
0x1c: {  	p1 =	slt.u32 s9, $0xF7A;
	s5 =	simm.s32 @!p2 $0x0  }
0x1d: {  	s5 =	simm.s32 @p1 $0x1;
	p0 =	seq.s32 s7, s2  }
0x1e: {  	s7 =	smul.u32 @!p0 $0xF7A, s2;
	p2 =	seq.s32 @!p0 s5, $0x0  }
0x1f: {  	s9 =	smul.u32 $0xF7A, s1;
	s8 =	simm.s32 @!p0 $0x1BF5;
	p2 =	por !p2, p0  }
0x20: {  	[sflag:s8] =	ssyncset.s32 @!p0 $0xFFFFF086;
	s6 =	sadd.s32 @!p0 s3, s7;
	s7 =	simm.s32 @!p0 $0x108  }
0x21: {  	s3 =	sadd.s32 s3, s9;
	s6 =	sadd.s32 @!p0 $0x88, s6;
	s7 =	simm.s32 @p2 $0x1082  }
0x22: {  	[simem:s7], [sflag:s8] =	dma.local @!p0 [hbm:s6], $0xF7A  }
0x23: {  	s9 =	sor.u32 $0xD0000000, s2;
	s6 =	simm.s32 $0x108;
	_ =	swait.ge @!p0 [sflag:s8], $0x0  }
0x24: {  	s3 =	sadd.s32 $0x88, s3;
	s6 =	simm.s32 @!p1 $0x1082;
	[sflag:s4] =	ssyncset.s32 $0xFFFFF086  }
0x25: {  	[simem:s6], [sflag:s4] =	dma.local [hbm:s3], $0xF7A  }
0x26: {  	[smem:$0x3F97] =	sst s1;
	(tag) =	ssettag s2;
	_ =	strace s9  }
0x27: {  	s1 =	sld [smem:$0x3FA7]  }
0x28: {  	s2 =	sld [smem:$0x3FA8]  }
0x29: {  	s4 =	sld [smem:$0x3FAA]  }
0x2a: {  	p0 =	seq.s32 s5, $0x0;
	s5 =	sld [smem:$0x3FAB]  }
0x2b: {  	s6 =	sld [smem:$0x3FAC]  }
0x2c: {  	s7 =	sld [smem:$0x3FAD]  }
0x2d: {  	s3 =	simm.s32 $0x108;
	s8 =	sld [smem:$0x3FAE]  }
0x2e: {  	s3 =	simm.s32 @!p0 $0x1082;
	s9 =	sld [smem:$0x3FAF]  }
0x2f: {  	lr =	sadd.s32 s0, s3;
	s0 =	sld [smem:$0x3FA6]  }
0x30: {  	s3 =	sld [smem:$0x3FA9]  }
0x31: {  	[smem:$0x3FB2] =	sst s10  }
0x32: {  	s10 =	sld [smem:$0x3FB0];
	_ =	sdelay $0x3  }
0x33: {  	p0 =	seq.s32 s10, $0x1;
	s10 =	sld [smem:$0x3FB2];
	_ =	sdelay $0x3  }
0x34: {  	[smem:$0x3FB2] =	sst s10  }
0x35: {  	s10 =	sld [smem:$0x3FB1];
	_ =	sdelay $0x3  }
0x36: {  	p1 =	seq.s32 s10, $0x1;
	s10 =	sld [smem:$0x3FB2];
	_ =	sdelay $0x3  }
0x37: {  	[smem:$0x3FB2] =	sst s10  }
0x38: {  	s10 =	sld [smem:$0x3FB3]  }
0x39: {  	_ = 	snop;
	(pc) =	sbr.ind lr, $3  }
0x3a: {  	_ = 	snop  }
0x3b: {  	_ = 	snop  }
0x3c: {  	p2 =	seq.s32 s10, $0x1;
	s10 =	sld [smem:$0x3FB2]  }
0x3d: {  	_ =	shalt  }
0x3e: {  	_ =	shalt  }
0x3f: {  	_ =	shalt  }
0x40: {  	_ =	shalt  }
0x41: {  	_ =	shalt  }
0x42: {  	_ =	shalt  }
0x43: {  	_ =	shalt  }
0x44: {  	_ =	shalt  }
0x45: {  	_ =	shalt  }
0x46: {  	_ =	shalt  }
0x47: {  	_ =	shalt  }
0x48: {  	_ =	shalt  }
0x49: {  	_ =	shalt  }
0x4a: {  	_ =	shalt  }
0x4b: {  	_ =	shalt  }
0x4c: {  	_ =	shalt  }
0x4d: {  	_ =	shalt  }
0x4e: {  	_ =	shalt  }
0x4f: {  	_ =	shalt  }
0x50: {  	_ =	shalt  }
0x51: {  	_ =	shalt  }
0x52: {  	_ =	shalt  }
0x53: {  	_ =	shalt  }
0x54: {  	_ =	shalt  }
0x55: {  	_ =	shalt  }
0x56: {  	_ =	shalt  }
0x57: {  	_ =	shalt  }
0x58: {  	_ =	shalt  }
0x59: {  	_ =	shalt  }
0x5a: {  	_ =	shalt  }
0x5b: {  	_ =	shalt  }
0x5c: {  	_ =	shalt  }
0x5d: {  	_ =	shalt  }
0x5e: {  	_ =	shalt  }
0x5f: {  	_ =	shalt  }
0x60: {  	_ =	shalt  }
0x61: {  	_ =	shalt  }
0x62: {  	_ =	shalt  }
0x63: {  	_ =	shalt  }
0x64: {  	_ =	shalt  }
0x65: {  	_ =	shalt  }
0x66: {  	_ =	shalt  }
0x67: {  	_ =	shalt  }
0x68: {  	_ =	shalt  }
0x69: {  	_ =	shalt  }
0x6a: {  	_ =	shalt  }
0x6b: {  	_ =	shalt  }
0x6c: {  	_ =	shalt  }
0x6d: {  	_ =	shalt  }
0x6e: {  	_ =	shalt  }
0x6f: {  	_ =	shalt  }
0x70: {  	_ =	shalt  }
0x71: {  	_ =	shalt  }
0x72: {  	_ =	shalt  }
0x73: {  	_ =	shalt  }
0x74: {  	_ =	shalt  }
0x75: {  	_ =	shalt  }
0x76: {  	_ =	shalt  }
0x77: {  	_ =	shalt  }
0x78: {  	_ =	shalt  }
0x79: {  	_ =	shalt  }
0x7a: {  	_ =	shalt  }
0x7b: {  	_ =	shalt  }
0x7c: {  	_ =	shalt  }
0x7d: {  	_ =	shalt  }
0x7e: {  	_ =	shalt  }
0x7f: {  	_ =	shalt  }
0x80: {  	_ =	shalt  }
0x81: {  	_ =	shalt  }
0x82: {  	_ =	shalt  }
0x83: {  	_ =	shalt  }
0x84: {  	_ =	shalt  }
0x85: {  	_ =	shalt  }
0x86: {  	_ =	shalt  }
0x87: {  	_ =	shalt  }
.Lfunc_end0:
.L_simem_size_0:
called_computation_lowered:
.L_overlay_start_0:
0x88: {  	s2 =	sld [smem:$0x3FD9]  }
0x89: {  	s3 =	sld [smem:$0x3FFE];
	_ =	sdelay $0x1  }
0x8a: {  	s1 =	srdreg.scid  }
0x8b: {  	s0 =	sand.u32 $0x1, s1  }
0x8c: {  	s16 =	sshll.u32 s0, $0xA;
	s2 =	sadd.s32 s3, s2  }
0x8d: {  	s2 =	sadd.s32 s2, s16  }
0x8e: {  	[smem:$0x3FBE] =	sst s2  }
0x8f: {  	_ = 	snop  }
0x90: {  	(tm) =	ssettm $0x1  }
0x91: {  	s17 =	sld [smem:$0x3FFB];
	_ =	sdelay $0x3  }
0x92: {  	_ =	strace s17  }
0x93: {  	s2 =	sld [smem:$0x3FFC];
	_ =	sdelay $0x3  }
0x94: {  	_ =	strace s2  }
0x95: {  	s2 =	sld [smem:$0x3FFD];
	_ =	sdelay $0x3  }
0x96: {  	_ =	strace s2  }
0x97: {  	_ =	strace $0x8FFFFFFF  }
0x98: {  	s18 =	sld [smem:$0x3FDB];
	_ =	sdelay $0x1  }
0x99: {  	s19 =	simm.s32 $_scs_section_size  }
0x9a: {  	s4 =	simm.s32 $_size__tile_overlayer_lowered;
	s5 =	simm.s32 $_tile_overlayer_lowered  }
0x9b: {  	s22 =	simm.s32 $0x1BFF;
	s21 =	sshll.u32 s5, $0x1;
	s2 =	sadd.s32 s19, s18  }
0x9c: {  	s6 =	simm.s32 $0x0;
	s20 =	sshll.u32 s4, $0x1;
	s4 =	sadd.s32 s21, s2  }
0x9d: {  	[timem:s6], [sflag:s22] =	dma.local [hbm:s4], s20  }
0x9e: {  	_ =	swait.ge [sflag:s22], s20  }
0x9f: {  	s3 =	ssub.s32 $0x0, s20;
	[sflag:s22] =	ssyncset.done $0x0  }
0xa0: {  	[sflag:s22] =	ssyncadd.s32 s3;
	_ =	sdelay $0x1  }
0xa1: {  	s23 =	simm.s32 $0x1B8B  }
0xa2: {  	_ =	swait.ge [sflag:s23], $0x1  }
0xa3: {  	[sflag:s23] =	ssyncset.done $0x0  }
0xa4: {  	s25 =	simm.s32 $0x1B8E;
	s24 =	sld [smem:$0x3FFE];
	[sflag:s23] =	ssyncadd.s32 $0xFFFFFFFF  }
0xa5: {  	s26 =	simm.s32 $execute0_lowered;
	[smem:$0x3FD2] =	sst s25  }
0xa6: {  	s4 =	sshll.u32 s26, $0x1;
	_ =	strace $0x80000046;
	[dreg:$0x1] =	wrdreg $0xFFFFFFFF  }
0xa7: {  	s28 =	simm.s32 $_size_execute0_lowered;
	s2 =	sadd.s32 s2, s4;
	[dreg:$0x0] =	wrdreg $0x0  }
0xa8: {  	s4 =	sshll.u32 s28, $0x1;
	[dreg:$0x2] =	wrdreg s2  }
0xa9: {  	[dreg:$0x3] =	wrdreg s4  }
0xaa: {  	[dreg:$0x4] =	wrdreg $0xC0  }
0xab: {  	_ =	task [dreg:s6], $0x5FFFF  }
0xac: {  	[dreg:$0x1] =	wrdreg $0xFFFFFFFF  }
0xad: {  	[dreg:$0x0] =	wrdreg $0x60  }
0xae: {  	[dreg:$0x2] =	wrdreg s24  }
0xaf: {  	[dreg:$0x3] =	wrdreg $0x40800  }
0xb0: {  	[dreg:$0x4] =	wrdreg $0x9  }
0xb1: {  	_ =	task.clear_ibuf [dreg:s6], $0x5FFFF;
	_ =	strace $0x90000046  }
0xb2: {  	s29 =	simm.s32 $0x9;
	_ =	strace $0x80000048  }
0xb3: {  	_ =	swait.ge [sflag:s29], $0x1  }
0xb4: {  	[sflag:s29] =	ssyncadd.s32 $0xFFFFFFFF  }
0xb5: {  	_ =	strace $0x90000048  }
0xb6: {  	_ =	sfence  }
0xb7: {  	s30 =	sld [smem:$0x0];
	_ =	sdelay $0x2  }
0xb8: {  	s31 =	sshll.u32 s1, $0xD;
	s1 =	sshrl.u32 s1, $0x2  }
0xb9: {  	s3 =	sand.u32 $0x4000, s31;
	s1 =	sadd.s32 s1, s30  }
0xba: {  	s0 =	sor.u32 s3, s0;
	s1 =	sshll.u32 s1, $0x11  }
0xbb: {  	s0 =	sor.u32 s1, s0  }
0xbc: {  	s0 =	sadd.s32 $0x8F2B, s0  }
0xbd: {  	[sflag:s0] =	ssyncadd.remote.s32 $0x1  }
0xbe: {  	_ =	sfence.sel $0xFFFF  }
0xbf: {  	[dreg:$0x0] =	wrdreg $0xFFFFFFFF;
	(pc) =	sbr.abs _section_cstart, $3  }
0xc0: {  	[dreg:$0x1] =	wrdreg $0xFFFFFFFF  }
0xc1: {  	_ =	task.clear_ibuf [dreg:s6], $0x2FFFF;
	_ =	strace $0x9FFFFFFF  }
0xc2: {  	(tm) =	ssettm $0x7FFFFFFF  }
0xc3: {  	_ =	shalt  }
tec
execute0_lowered:
.L_overlay_start_1:
0x0: {  	(tag) =	ssettag $0x1  }
0x1: {  	s6 =	rddreg [dreg:$0x0];
	s2 =	srdreg.scid  }
0x2: {  	s1 =	rddreg [dreg:$0x1];
	s7 =	sand.u32 $0x1, s2  }
0x3: {  	s0 =	rddreg [dreg:$0x2];
	s4 =	smul.u32 $0x2800, s7  }
0x4: {  	s3 =	simm.s32 $0x0;
	s2 =	stileid.u32;
	s8 =	smul.u32 $0x140000, s7  }
0x5: {  	s14 =	simm.s32 $0x0;
	[smem:$0x7FF] =	sst s3;
	s9 =	smul.u32 $0x14000, s2  }
0x6: {  	s5 =	sadd.s32 $0x8000, s6;
	_ =	strace $0x80000047;
	s28 =	smul.u32 $0x50000, s2  }
0x7: {  	s7 =	ssub.s32 $0x2, s7;
	s12 =	smul.u32 $0x280, s2;
	s31 =	sshll.u32 s2, $0x6  }
0x8: {  	s11 =	sshrl.u32 s7, $0x1;
	s10 =	sadd.s32 s4, s6;
	s4 =	sadd.s32 $0xA800, s6  }
0x9: {  	s8 =	sadd.s32 s9, s8;
	s7 =	ssub.s32 s7, s11;
	s29 =	sshrl.u32 s28, $0x2  }
0xa: {  	s9 =	simm.s32 $0x80;
	s11 =	sor.u32 $0x1C02, s31;
	s8 =	sshrl.u32 s8, $0x3  }
0xb: {  	s13 =	sadd.s32 s29, s1;
	s30 =	sadd.s32 s12, s10;
	s7 =	smax.u32 s7, $0x1  }
0xc: {  	s10 =	simm.s32 $0x2;
	s6 =	sadd.s32 s8, s6;
	s8 =	sadd.s32 $0x3000, s30  }
0xd: {  	s12 =	sshrl.u32 s13, $0x3;
	s13 =	simm.s32 $0x1;
	s6 =	sadd.s32 $0xB000, s6  }
.LBB2_1:
0xe: {  	[tilespmem:s9], [sflag:$0x2] =	stream.linear.gather [hbm4b:s4+s3], $0x4000, $0x38;
	[tilespmem:$0x18080] =	vst v63  }
0xf: {  	_ =	swait.ge [sflag:s10], $0x4000  }
0x10: {  	[sflag:s10] =	ssyncset.done $0x0  }
0x11: {  	[sflag:s10] =	ssyncadd.s32 $0xFFFFC000  }
0x12: {  	[spmem:s12], [sflag:s11] =	dma.local [hbm:s5], $0x2800  }
0x13: {  	_ =	swait.ge [sflag:s10], $0x2800  }
0x14: {  	[sflag:s10] =	ssyncset.done $0x0  }
0x15: {  	[sflag:s10] =	ssyncadd.s32 $0xFFFFD800  }
0x16: {  	s15 =	sadd.s32 $0x0, s8;
	[bflag:$0x0] =	sbarrier.arrive $0xFFFF  }
0x17: {  	[tilespmem:s3], [sflag:$0x1] =	stream.linear.gather [hbm4b:s15+s3], $0x80, $0x38;
	[tilespmem:$0x18080] =	vst v63  }
0x18: {  	_ =	swait.ge [sflag:s13], $0x80  }
0x19: {  	[sflag:s13] =	ssyncset.done $0x0  }
0x1a: {  	[sflag:s13] =	ssyncadd.s32 $0xFFFFFF80  }
0x1b: {  	[spmem:s1] =	stream.indirect.scatter.add.f32 [tilespmem:s9], [sflag:$0x2], $0x80, s3, s9, $0xb8;
	[tilespmem:$0x18080] =	vst v63  }
0x1c: {  	_ =	swait.ge [sflag:s10], $0x4000  }
0x1d: {  	s16 =	simm.s32 $0x20;
	s15 =	simm.s32 $0x10;
	[sflag:s10] =	ssyncset.done $0x0  }
.LBB2_2:
0x1e: {  	s17 =	sadd.s32 s15, s8  }
0x1f: {  	[sflag:s10] =	ssyncadd.s32 $0xFFFFC000;
	s15 =	smov.u32 s16;
	s18 =	sadd.s32 $0x10, s16  }
0x20: {  	[tilespmem:s3], [sflag:$0x1] =	stream.linear.gather [hbm4b:s17+s3], $0x80, $0x38;
	[tilespmem:$0x18080] =	vst v63  }
0x21: {  	p0 =	sne.s32 s16, $0x270;
	_ =	swait.ge [sflag:s13], $0x80  }
.Ltmp0:
0x22: {  	[sflag:s13] =	ssyncset.done $0x0;
	(pc) =	sbr.rel @p0 .LBB2_2-.Ltmp0, $4  }
0x23: {  	[sflag:s13] =	ssyncadd.s32 $0xFFFFFF80  }
0x24: {  	[spmem:s1] =	stream.indirect.scatter.add.f32 [tilespmem:s9], [sflag:$0x2], $0x80, s3, s9, $0xb8;
	[tilespmem:$0x18080] =	vst v63  }
0x25: {  	_ =	swait.ge [sflag:s10], $0x4000  }
0x26: {  	s16 =	smov.u32 s18;
	[sflag:s10] =	ssyncset.done $0x0  }
0x27: {  	s15 =	sadd.s32 s15, s8;
	[sflag:s10] =	ssyncadd.s32 $0xFFFFC000  }
0x28: {  	[tilespmem:s3], [sflag:$0x1] =	stream.linear.gather [hbm4b:s15+s3], $0x80, $0x38;
	[tilespmem:$0x18080] =	vst v63  }
0x29: {  	_ =	swait.ge [sflag:s13], $0x80  }
0x2a: {  	[sflag:s13] =	ssyncset.done $0x0  }
0x2b: {  	[sflag:s13] =	ssyncadd.s32 $0xFFFFFF80  }
0x2c: {  	[spmem:s1] =	stream.indirect.scatter.add.f32 [tilespmem:s9], [sflag:$0x2], $0x80, s3, s9, $0xb8;
	[tilespmem:$0x18080] =	vst v63  }
0x2d: {  	_ =	swait.ge [sflag:s10], $0x4000  }
0x2e: {  	s14 =	sadd.s32 $0x1, s14;
	[sflag:s10] =	ssyncset.done $0x0  }
0x2f: {  	p0 =	sne.s32 s14, s7;
	[sflag:s10] =	ssyncadd.s32 $0xFFFFC000  }
.Ltmp1:
0x30: {  	[bflag:$0x0] =	sbarrier.arrive $0xFFFF;
	(pc) =	sbr.rel @p0 .LBB2_1-.Ltmp1, $4  }
0x31: {  	[hbm:s6], [sflag:s11] =	dma.local [spmem:s12], $0x2800  }
0x32: {  	_ =	swait.ge [sflag:s10], $0x2800  }
0x33: {  	[sflag:s10] =	ssyncset.done $0x0  }
0x34: {  	[sflag:s10] =	ssyncadd.s32 $0xFFFFD800  }
0x35: {  	_ =	sfence.sel $0x180000  }
0x36: {  	[bflag:$0x0] =	sbarrier.arrive $0xFFFF  }
0x37: {  	p0 =	sne.s32 s2, $0x0;
	_ =	strace $0x90000047  }
0x38: {  	s0 =	sadd.s32 @!p0 $0x100000, s0;
	[bflag:$0x2] =	sbarrier.arrive $0xFFFF  }
0x39: {  	[sflag:s0] =	ssyncadd.tile.s32 @!p0 $0x1;
	_ =	shalt  }
.Lfunc_end2:
_tile_overlayer_lowered:
.L_overlay_start_2:
0x3a: {  	(tag) =	ssettag $0x2  }
0x3b: {  	s0 =	rddreg [dreg:$0x0];
	s2 =	stileid.u32  }
0x3c: {  	s1 =	rddreg [dreg:$0x1];
	p0 =	sne.s32 s2, $0x0  }
0x3d: {  	s3 =	rddreg [dreg:$0x2];
	[bflag:$0x3] =	sbarrier.arrive $0xFFFF;
	s2 =	simm.s32 @!p0 $0x1C02  }
0x3e: {  	[timem:s3], [sflag:s2] =	dma.local @!p0 [hbm:s0], s1  }
0x3f: {  	s0 =	simm.s32 @!p0 $0x2  }
0x40: {  	_ =	swait.ge @!p0 [sflag:s0], s1  }
0x41: {  	s1 =	ssub.s32 @!p0 $0x0, s1;
	[sflag:s0] =	ssyncset.done @!p0 $0x0  }
0x42: {  	[sflag:s0] =	ssyncadd.s32 @!p0 s1  }
0x43: {  	[bflag:$0x3] =	sbarrier.arrive $0xFFFF  }
0x44: {  	_ =	shalt  }

// kernel: kernel.19.cloned.1.call-start
scs
__scs_entry_jumppad:
0x0: {  	(pc) =	sbr.rel $0x88, $3  }
0x1: {  	(tag) =	ssettag $0x0;
	lr =	simm.s32 $0x1  }
0x2: {  	[smem:$0x3F97] =	sst lr;
	_ =	strace $0xD0000000  }
0x3: {  	_ = 	snop  }
0x4: {  	_ = 	snop  }
0x5: {  	_ = 	snop  }
0x6: {  	_ = 	snop  }
0x7: {  	_ = 	snop  }
__scs_overlays_trampoline_lowered:
0x8: {  	[smem:$0x3FA6] =	sst s0  }
0x9: {  	[smem:$0x3FA7] =	sst s1  }
0xa: {  	[smem:$0x3FA8] =	sst s2  }
0xb: {  	[smem:$0x3FA9] =	sst s3  }
0xc: {  	[smem:$0x3FAA] =	sst s4  }
0xd: {  	[smem:$0x3FAB] =	sst s5  }
0xe: {  	[smem:$0x3FAC] =	sst s6  }
0xf: {  	[smem:$0x3FAD] =	sst s7  }
0x10: {  	[smem:$0x3FAE] =	sst s8  }
0x11: {  	[smem:$0x3FAF] =	sst s9;
	s0 =	simm.s32 @!p0 $0x0  }
0x12: {  	s1 =	sld [smem:$0x3F95];
	s0 =	simm.s32 @p0 $0x1  }
0x13: {  	[smem:$0x3FB0] =	sst s0;
	s0 =	simm.s32 @!p1 $0x0  }
0x14: {  	s2 =	sld [smem:$0x3F94];
	s0 =	simm.s32 @p1 $0x1  }
0x15: {  	[smem:$0x3FB1] =	sst s0;
	s0 =	simm.s32 @!p2 $0x0  }
0x16: {  	s3 =	sld [smem:$0x3FDB];
	s0 =	simm.s32 @p2 $0x1  }
0x17: {  	s4 =	simm.s32 $0x1BF5;
	[smem:$0x3FB3] =	sst s0  }
0x18: {  	s0 =	sld [smem:$0x3F96];
	_ =	swait.ge [sflag:s4], $0x0  }
0x19: {  	s7 =	sld [smem:$0x3F97]  }
0x1a: {  	s8 =	sadd.s32 $0xFFFFE003, lr  }
0x1b: {  	s9 =	sadd.s32 $0xFFFFFEF7, lr;
	s5 =	simm.s32 $0xFFFFFFFF;
	p2 =	slt.u32 s8, $0xFFFFF086  }
0x1c: {  	p1 =	slt.u32 s9, $0xF7A;
	s5 =	simm.s32 @!p2 $0x0  }
0x1d: {  	s5 =	simm.s32 @p1 $0x1;
	p0 =	seq.s32 s7, s2  }
0x1e: {  	s7 =	smul.u32 @!p0 $0xF7A, s2;
	p2 =	seq.s32 @!p0 s5, $0x0  }
0x1f: {  	s9 =	smul.u32 $0xF7A, s1;
	s8 =	simm.s32 @!p0 $0x1BF5;
	p2 =	por !p2, p0  }
0x20: {  	[sflag:s8] =	ssyncset.s32 @!p0 $0xFFFFF086;
	s6 =	sadd.s32 @!p0 s3, s7;
	s7 =	simm.s32 @!p0 $0x108  }
0x21: {  	s3 =	sadd.s32 s3, s9;
	s6 =	sadd.s32 @!p0 $0x88, s6;
	s7 =	simm.s32 @p2 $0x1082  }
0x22: {  	[simem:s7], [sflag:s8] =	dma.local @!p0 [hbm:s6], $0xF7A  }
0x23: {  	s9 =	sor.u32 $0xD0000000, s2;
	s6 =	simm.s32 $0x108;
	_ =	swait.ge @!p0 [sflag:s8], $0x0  }
0x24: {  	s3 =	sadd.s32 $0x88, s3;
	s6 =	simm.s32 @!p1 $0x1082;
	[sflag:s4] =	ssyncset.s32 $0xFFFFF086  }
0x25: {  	[simem:s6], [sflag:s4] =	dma.local [hbm:s3], $0xF7A  }
0x26: {  	[smem:$0x3F97] =	sst s1;
	(tag) =	ssettag s2;
	_ =	strace s9  }
0x27: {  	s1 =	sld [smem:$0x3FA7]  }
0x28: {  	s2 =	sld [smem:$0x3FA8]  }
0x29: {  	s4 =	sld [smem:$0x3FAA]  }
0x2a: {  	p0 =	seq.s32 s5, $0x0;
	s5 =	sld [smem:$0x3FAB]  }
0x2b: {  	s6 =	sld [smem:$0x3FAC]  }
0x2c: {  	s7 =	sld [smem:$0x3FAD]  }
0x2d: {  	s3 =	simm.s32 $0x108;
	s8 =	sld [smem:$0x3FAE]  }
0x2e: {  	s3 =	simm.s32 @!p0 $0x1082;
	s9 =	sld [smem:$0x3FAF]  }
0x2f: {  	lr =	sadd.s32 s0, s3;
	s0 =	sld [smem:$0x3FA6]  }
0x30: {  	s3 =	sld [smem:$0x3FA9]  }
0x31: {  	[smem:$0x3FB2] =	sst s10  }
0x32: {  	s10 =	sld [smem:$0x3FB0];
	_ =	sdelay $0x3  }
0x33: {  	p0 =	seq.s32 s10, $0x1;
	s10 =	sld [smem:$0x3FB2];
	_ =	sdelay $0x3  }
0x34: {  	[smem:$0x3FB2] =	sst s10  }
0x35: {  	s10 =	sld [smem:$0x3FB1];
	_ =	sdelay $0x3  }
0x36: {  	p1 =	seq.s32 s10, $0x1;
	s10 =	sld [smem:$0x3FB2];
	_ =	sdelay $0x3  }
0x37: {  	[smem:$0x3FB2] =	sst s10  }
0x38: {  	s10 =	sld [smem:$0x3FB3]  }
0x39: {  	_ = 	snop;
	(pc) =	sbr.ind lr, $3  }
0x3a: {  	_ = 	snop  }
0x3b: {  	_ = 	snop  }
0x3c: {  	p2 =	seq.s32 s10, $0x1;
	s10 =	sld [smem:$0x3FB2]  }
0x3d: {  	_ =	shalt  }
0x3e: {  	_ =	shalt  }
0x3f: {  	_ =	shalt  }
0x40: {  	_ =	shalt  }
0x41: {  	_ =	shalt  }
0x42: {  	_ =	shalt  }
0x43: {  	_ =	shalt  }
0x44: {  	_ =	shalt  }
0x45: {  	_ =	shalt  }
0x46: {  	_ =	shalt  }
0x47: {  	_ =	shalt  }
0x48: {  	_ =	shalt  }
0x49: {  	_ =	shalt  }
0x4a: {  	_ =	shalt  }
0x4b: {  	_ =	shalt  }
0x4c: {  	_ =	shalt  }
0x4d: {  	_ =	shalt  }
0x4e: {  	_ =	shalt  }
0x4f: {  	_ =	shalt  }
0x50: {  	_ =	shalt  }
0x51: {  	_ =	shalt  }
0x52: {  	_ =	shalt  }
0x53: {  	_ =	shalt  }
0x54: {  	_ =	shalt  }
0x55: {  	_ =	shalt  }
0x56: {  	_ =	shalt  }
0x57: {  	_ =	shalt  }
0x58: {  	_ =	shalt  }
0x59: {  	_ =	shalt  }
0x5a: {  	_ =	shalt  }
0x5b: {  	_ =	shalt  }
0x5c: {  	_ =	shalt  }
0x5d: {  	_ =	shalt  }
0x5e: {  	_ =	shalt  }
0x5f: {  	_ =	shalt  }
0x60: {  	_ =	shalt  }
0x61: {  	_ =	shalt  }
0x62: {  	_ =	shalt  }
0x63: {  	_ =	shalt  }
0x64: {  	_ =	shalt  }
0x65: {  	_ =	shalt  }
0x66: {  	_ =	shalt  }
0x67: {  	_ =	shalt  }
0x68: {  	_ =	shalt  }
0x69: {  	_ =	shalt  }
0x6a: {  	_ =	shalt  }
0x6b: {  	_ =	shalt  }
0x6c: {  	_ =	shalt  }
0x6d: {  	_ =	shalt  }
0x6e: {  	_ =	shalt  }
0x6f: {  	_ =	shalt  }
0x70: {  	_ =	shalt  }
0x71: {  	_ =	shalt  }
0x72: {  	_ =	shalt  }
0x73: {  	_ =	shalt  }
0x74: {  	_ =	shalt  }
0x75: {  	_ =	shalt  }
0x76: {  	_ =	shalt  }
0x77: {  	_ =	shalt  }
0x78: {  	_ =	shalt  }
0x79: {  	_ =	shalt  }
0x7a: {  	_ =	shalt  }
0x7b: {  	_ =	shalt  }
0x7c: {  	_ =	shalt  }
0x7d: {  	_ =	shalt  }
0x7e: {  	_ =	shalt  }
0x7f: {  	_ =	shalt  }
0x80: {  	_ =	shalt  }
0x81: {  	_ =	shalt  }
0x82: {  	_ =	shalt  }
0x83: {  	_ =	shalt  }
0x84: {  	_ =	shalt  }
0x85: {  	_ =	shalt  }
0x86: {  	_ =	shalt  }
0x87: {  	_ =	shalt  }
.Lfunc_end0:
.L_simem_size_0:
called_computation.1_lowered:
.L_overlay_start_0:
0x88: {  	s2 =	sld [smem:$0x3FD9]  }
0x89: {  	s3 =	sld [smem:$0x3FFE];
	_ =	sdelay $0x1  }
0x8a: {  	s1 =	srdreg.scid  }
0x8b: {  	s0 =	sand.u32 $0x1, s1  }
0x8c: {  	s16 =	sshll.u32 s0, $0xA;
	s2 =	sadd.s32 s3, s2  }
0x8d: {  	s2 =	sadd.s32 s2, s16  }
0x8e: {  	[smem:$0x3FBE] =	sst s2  }
0x8f: {  	_ = 	snop  }
0x90: {  	(tm) =	ssettm $0x1  }
0x91: {  	s17 =	sld [smem:$0x3FFB];
	_ =	sdelay $0x3  }
0x92: {  	_ =	strace s17  }
0x93: {  	s2 =	sld [smem:$0x3FFC];
	_ =	sdelay $0x3  }
0x94: {  	_ =	strace s2  }
0x95: {  	s2 =	sld [smem:$0x3FFD];
	_ =	sdelay $0x3  }
0x96: {  	_ =	strace s2  }
0x97: {  	_ =	strace $0x8FFFFFFF  }
0x98: {  	s18 =	sld [smem:$0x3FDB];
	_ =	sdelay $0x1  }
0x99: {  	s19 =	simm.s32 $_scs_section_size  }
0x9a: {  	s4 =	simm.s32 $_size__tile_overlayer_lowered;
	s5 =	simm.s32 $_tile_overlayer_lowered  }
0x9b: {  	s22 =	simm.s32 $0x1BFF;
	s21 =	sshll.u32 s5, $0x1;
	s2 =	sadd.s32 s19, s18  }
0x9c: {  	s6 =	simm.s32 $0x0;
	s20 =	sshll.u32 s4, $0x1;
	s4 =	sadd.s32 s21, s2  }
0x9d: {  	[timem:s6], [sflag:s22] =	dma.local [hbm:s4], s20  }
0x9e: {  	_ =	swait.ge [sflag:s22], s20  }
0x9f: {  	s3 =	ssub.s32 $0x0, s20;
	[sflag:s22] =	ssyncset.done $0x0  }
0xa0: {  	[sflag:s22] =	ssyncadd.s32 s3;
	_ =	sdelay $0x1  }
0xa1: {  	s23 =	simm.s32 $0x1B8B  }
0xa2: {  	_ =	swait.ge [sflag:s23], $0x1  }
0xa3: {  	[sflag:s23] =	ssyncset.done $0x0  }
0xa4: {  	s25 =	simm.s32 $0x1B8E;
	s24 =	sld [smem:$0x3FFE];
	[sflag:s23] =	ssyncadd.s32 $0xFFFFFFFF  }
0xa5: {  	s26 =	simm.s32 $execute0_lowered;
	[smem:$0x3FD2] =	sst s25  }
0xa6: {  	s4 =	sshll.u32 s26, $0x1;
	_ =	strace $0x80000049;
	[dreg:$0x1] =	wrdreg $0xFFFFFFFF  }
0xa7: {  	s28 =	simm.s32 $_size_execute0_lowered;
	s2 =	sadd.s32 s2, s4;
	[dreg:$0x0] =	wrdreg $0x0  }
0xa8: {  	s4 =	sshll.u32 s28, $0x1;
	[dreg:$0x2] =	wrdreg s2  }
0xa9: {  	[dreg:$0x3] =	wrdreg s4  }
0xaa: {  	[dreg:$0x4] =	wrdreg $0xC0  }
0xab: {  	_ =	task [dreg:s6], $0x5FFFF  }
0xac: {  	[dreg:$0x1] =	wrdreg $0xFFFFFFFF  }
0xad: {  	[dreg:$0x0] =	wrdreg $0x60  }
0xae: {  	[dreg:$0x2] =	wrdreg s24  }
0xaf: {  	[dreg:$0x3] =	wrdreg $0x82000  }
0xb0: {  	[dreg:$0x4] =	wrdreg $0x9  }
0xb1: {  	_ =	task.clear_ibuf [dreg:s6], $0x5FFFF;
	_ =	strace $0x90000049  }
0xb2: {  	s29 =	simm.s32 $0x9;
	_ =	strace $0x8000004B  }
0xb3: {  	_ =	swait.ge [sflag:s29], $0x1  }
0xb4: {  	[sflag:s29] =	ssyncadd.s32 $0xFFFFFFFF  }
0xb5: {  	_ =	strace $0x9000004B  }
0xb6: {  	_ =	sfence  }
0xb7: {  	s30 =	sld [smem:$0x0];
	_ =	sdelay $0x2  }
0xb8: {  	s31 =	sshll.u32 s1, $0xD;
	s1 =	sshrl.u32 s1, $0x2  }
0xb9: {  	s3 =	sand.u32 $0x4000, s31;
	s1 =	sadd.s32 s1, s30  }
0xba: {  	s0 =	sor.u32 s3, s0;
	s1 =	sshll.u32 s1, $0x11  }
0xbb: {  	s0 =	sor.u32 s1, s0  }
0xbc: {  	s0 =	sadd.s32 $0x8F2B, s0  }
0xbd: {  	[sflag:s0] =	ssyncadd.remote.s32 $0x1  }
0xbe: {  	_ =	sfence.sel $0xFFFF  }
0xbf: {  	[dreg:$0x0] =	wrdreg $0xFFFFFFFF;
	(pc) =	sbr.abs _section_cstart, $3  }
0xc0: {  	[dreg:$0x1] =	wrdreg $0xFFFFFFFF  }
0xc1: {  	_ =	task.clear_ibuf [dreg:s6], $0x2FFFF;
	_ =	strace $0x9FFFFFFF  }
0xc2: {  	(tm) =	ssettm $0x7FFFFFFF  }
0xc3: {  	_ =	shalt  }
tec
execute0_lowered:
.L_overlay_start_1:
0x0: {  	(tag) =	ssettag $0x1  }
0x1: {  	s0 =	rddreg [dreg:$0x0]  }
0x2: {  	s1 =	rddreg [dreg:$0x1];
	s2 =	simm.s32 $0x0  }
0x3: {  	s3 =	srdreg.scid;
	s19 =	stileid.u32;
	s28 =	simm.s32 $0x200  }
0x4: {  	s29 =	simm.s32 $0x4;
	s30 =	simm.s32 $0x4200;
	s31 =	simm.s32 $0x1  }
0x5: {  	[smem:$0x7FF] =	sst s2;
	s3 =	sand.u32 $0x1, s3;
	s4 =	sadd.s32 $0x11C000, s0  }
0x6: {  	s6 =	sadd.s32 $0x5B000, s0;
	s8 =	smul.u32 $0x2800, s19;
	s10 =	sadd.s32 $0x10F000, s0  }
0x7: {  	s15 =	sadd.s32 $0x6F000, s0;
	s18 =	smul.u32 $0x50000, s19;
	s20 =	sshll.u32 s19, $0x6  }
0x8: {  	_ =	strace $0x8000004A;
	s5 =	sshll.u32 s3, $0x5;
	s7 =	ssub.s32 $0x2, s3  }
0x9: {  	s12 =	sshllo.u32 s3, $0x1;
	s5 =	sor.u32 s19, s5;
	s11 =	sshrl.u32 s7, $0x1  }
0xa: {  	s14 =	sshrl.u32 s8, $0x3;
	s13 =	sshll.u32 s12, $0x4;
	s9 =	smul.u32 $0x2800, s5  }
0xb: {  	s16 =	ssub.s32 s7, s11;
	s7 =	sadd.s32 s10, s14;
	s14 =	smul.u32 $0x14000, s19  }
0xc: {  	s5 =	sadd.s32 $0x8000, s0;
	s11 =	sshrl.u32 s18, $0x2;
	s18 =	smul.u32 $0x140000, s12  }
0xd: {  	s0 =	sadd.s32 $0x5B010, s0;
	s13 =	sor.u32 s19, s13;
	s19 =	smul.u32 $0x500, s19  }
0xe: {  	s11 =	sadd.s32 s11, s1;
	s13 =	smul.u32 $0x2800, s13;
	s9 =	sshrl.u32 s9, $0x3  }
0xf: {  	s16 =	smax.u32 s16, $0x1;
	[dreg:$0x5] =	wrdreg s11;
	s17 =	sadd.s32 s6, s9  }
0x10: {  	s11 =	sor.u32 $0x1C05, s20;
	s9 =	sadd.s32 s9, s0;
	[dreg:$0x3] =	wrdreg s17  }
0x11: {  	s22 =	sshrl.u32 s13, $0x3;
	[dreg:$0x4] =	wrdreg s9;
	s17 =	smul.u32 $0x280000, s3  }
0x12: {  	s9 =	sadd.s32 $0x10, s7;
	s3 =	smul.u32 $0x50000, s3;
	s23 =	sadd.s32 s6, s22  }
0x13: {  	[dreg:$0x7] =	wrdreg s23;
	s23 =	simm.s32 $0x80;
	s17 =	sadd.s32 s14, s17  }
0x14: {  	s14 =	sadd.s32 s14, s18;
	s3 =	sadd.s32 s8, s3;
	s21 =	sshrl.u32 s17, $0x3  }
0x15: {  	s18 =	sshrl.u32 s14, $0x3;
	s14 =	sadd.s32 s22, s0;
	s24 =	sor.u32 $0x100, s3  }
0x16: {  	s17 =	sadd.s32 s19, s10;
	s25 =	sor.u32 $0x180, s3;
	s8 =	sadd.s32 $0x28100, s3  }
0x17: {  	s3 =	sadd.s32 $0x28180, s3;
	s22 =	simm.s32 $0x100;
	s12 =	sadd.s32 s15, s21  }
0x18: {  	s15 =	sadd.s32 s15, s18;
	s0 =	sshrl.u32 s24, $0x3;
	s8 =	sshrl.u32 s8, $0x3  }
0x19: {  	s26 =	sshrl.u32 s3, $0x3;
	s24 =	simm.s32 $0x180;
	s3 =	simm.s32 $0x0  }
0x1a: {  	[dreg:$0x6] =	wrdreg s12;
	s18 =	sadd.s32 s0, s6;
	s0 =	sshrl.u32 s25, $0x3  }
0x1b: {  	s20 =	sadd.s32 s8, s6;
	s21 =	sadd.s32 s26, s6;
	s25 =	simm.s32 $0x5  }
0x1c: {  	s26 =	simm.s32 $0x3;
	s19 =	sadd.s32 s0, s6;
	s0 =	simm.s32 $0x2  }
.LBB2_1:
0x1d: {  	s6 =	rddreg [dreg:$0x3]  }
0x1e: {  	[tilespmem:s2], [sflag:$0x3] =	stream.linear.gather [hbm4b:s6+s2], $0x80, $0x38;
	[tilespmem:$0x1C200] =	vst v63  }
0x1f: {  	s8 =	rddreg [dreg:$0x4]  }
0x20: {  	[tilespmem:s22], [sflag:$0x3] =	stream.linear.gather [hbm4b:s7+s2], $0x80, $0x38;
	[tilespmem:$0x1C200] =	vst v63  }
0x21: {  	s10 =	rddreg [dreg:$0x5]  }
0x22: {  	[tilespmem:s23], [sflag:$0x4] =	stream.linear.gather [hbm4b:s8+s2], $0x80, $0x38;
	[tilespmem:$0x1C200] =	vst v63  }
0x23: {  	s6 =	sshrl.u32 s10, $0x3  }
0x24: {  	[tilespmem:s24], [sflag:$0x4] =	stream.linear.gather [hbm4b:s9+s2], $0x80, $0x38;
	[tilespmem:$0x1C200] =	vst v63  }
0x25: {  	[spmem:s6], [sflag:s11] =	dma.local [hbm:s5], $0x2800  }
0x26: {  	_ =	swait.ge [sflag:s25], $0x2800  }
0x27: {  	[sflag:s25] =	ssyncset.done $0x0  }
0x28: {  	[sflag:s25] =	ssyncadd.s32 $0xFFFFD800  }
0x29: {  	[bflag:$0x0] =	sbarrier.arrive $0xFFFF  }
0x2a: {  	_ =	swait.ge [sflag:s26], $0x80  }
0x2b: {  	[sflag:s26] =	ssyncset.done $0x0  }
0x2c: {  	[sflag:s26] =	ssyncadd.s32 $0xFFFFFF80  }
0x2d: {  	_ =	swait.ge [sflag:s26], $0x80  }
0x2e: {  	[sflag:s26] =	ssyncset.done $0x0  }
0x2f: {  	[sflag:s26] =	ssyncadd.s32 $0xFFFFFF80  }
0x30: {  	[tilespmem:s28], [sflag:$0x1] =	stream.indirect.gather [hbm4b:s4+s23], $0x80, s2, s23, $0xb8;
	[tilespmem:$0x1C200] =	vst v63  }
0x31: {  	_ =	swait.ge [sflag:s29], $0x80  }
0x32: {  	[sflag:s29] =	ssyncset.done $0x0  }
0x33: {  	[sflag:s29] =	ssyncadd.s32 $0xFFFFFF80  }
0x34: {  	_ =	swait.ge [sflag:s29], $0x80  }
0x35: {  	[sflag:s29] =	ssyncset.done $0x0  }
0x36: {  	[sflag:s29] =	ssyncadd.s32 $0xFFFFFF80  }
0x37: {  	[tilespmem:s30], [sflag:$0x2] =	stream.indirect.gather [hbm4b:s4+s23], $0x80, s23, s23, $0xb8;
	[tilespmem:$0x1C200] =	vst v63  }
0x38: {  	_ =	swait.ge [sflag:s31], $0x4000  }
0x39: {  	[sflag:s31] =	ssyncset.done $0x0  }
0x3a: {  	[sflag:s31] =	ssyncadd.s32 $0xFFFFC000  }
0x3b: {  	[spmem:s1] =	stream.indirect.scatter.add.f32 [tilespmem:s28], [sflag:$0x5], $0x80, s22, s23, $0xb8;
	[tilespmem:$0x1C200] =	vst v63  }
0x3c: {  	_ =	swait.ge [sflag:s25], $0x4000  }
0x3d: {  	[sflag:s25] =	ssyncset.done $0x0  }
0x3e: {  	s10 =	sadd.s32 $0x0, s17;
	s8 =	sadd.s32 $0x0, s18;
	[sflag:s25] =	ssyncadd.s32 $0xFFFFC000  }
0x3f: {  	[tilespmem:s2], [sflag:$0x3] =	stream.linear.gather [hbm4b:s8+s2], $0x80, $0x38;
	[tilespmem:$0x1C200] =	vst v63  }
0x40: {  	s12 =	sadd.s32 $0x20, s10  }
0x41: {  	[tilespmem:s22], [sflag:$0x3] =	stream.linear.gather [hbm4b:s12+s2], $0x80, $0x38;
	[tilespmem:$0x1C200] =	vst v63  }
0x42: {  	_ =	swait.ge [sflag:s0], $0x4000  }
0x43: {  	[sflag:s0] =	ssyncset.done $0x0  }
0x44: {  	[sflag:s0] =	ssyncadd.s32 $0xFFFFC000  }
0x45: {  	[spmem:s1] =	stream.indirect.scatter.add.f32 [tilespmem:s30], [sflag:$0x5], $0x80, s24, s23, $0xb8;
	[tilespmem:$0x1C200] =	vst v63  }
0x46: {  	_ =	swait.ge [sflag:s25], $0x4000  }
0x47: {  	[sflag:s25] =	ssyncset.done $0x0  }
0x48: {  	[sflag:s25] =	ssyncadd.s32 $0xFFFFC000  }
0x49: {  	_ =	swait.ge [sflag:s26], $0x80  }
0x4a: {  	[sflag:s26] =	ssyncset.done $0x0  }
0x4b: {  	[sflag:s26] =	ssyncadd.s32 $0xFFFFFF80  }
0x4c: {  	_ =	swait.ge [sflag:s26], $0x80  }
0x4d: {  	[sflag:s26] =	ssyncset.done $0x0  }
0x4e: {  	[sflag:s26] =	ssyncadd.s32 $0xFFFFFF80  }
0x4f: {  	[tilespmem:s28], [sflag:$0x1] =	stream.indirect.gather [hbm4b:s4+s23], $0x80, s2, s23, $0xb8;
	[tilespmem:$0x1C200] =	vst v63  }
0x50: {  	s13 =	sadd.s32 $0x0, s19;
	s10 =	sadd.s32 $0x30, s10;
	s8 =	simm.s32 $0x20  }
0x51: {  	[tilespmem:s23], [sflag:$0x4] =	stream.linear.gather [hbm4b:s13+s2], $0x80, $0x38;
	[tilespmem:$0x1C200] =	vst v63  }
.LBB2_2:
0x52: {  	[tilespmem:s24], [sflag:$0x4] =	stream.linear.gather [hbm4b:s10+s2], $0x80, $0x38;
	[tilespmem:$0x1C200] =	vst v63  }
0x53: {  	s10 =	smov.u32 s8  }
0x54: {  	p0 =	sne.s32 s8, $0x4C0;
	s8 =	sadd.s32 $0x20, s8;
	_ =	swait.ge [sflag:s29], $0x80  }
0x55: {  	[sflag:s29] =	ssyncset.done $0x0  }
0x56: {  	[sflag:s29] =	ssyncadd.s32 $0xFFFFFF80  }
0x57: {  	_ =	swait.ge [sflag:s29], $0x80  }
0x58: {  	[sflag:s29] =	ssyncset.done $0x0  }
0x59: {  	[sflag:s29] =	ssyncadd.s32 $0xFFFFFF80  }
0x5a: {  	[tilespmem:s30], [sflag:$0x2] =	stream.indirect.gather [hbm4b:s4+s23], $0x80, s23, s23, $0xb8;
	[tilespmem:$0x1C200] =	vst v63  }
0x5b: {  	_ =	swait.ge [sflag:s31], $0x4000  }
0x5c: {  	[sflag:s31] =	ssyncset.done $0x0  }
0x5d: {  	[sflag:s31] =	ssyncadd.s32 $0xFFFFC000  }
0x5e: {  	[spmem:s1] =	stream.indirect.scatter.add.f32 [tilespmem:s28], [sflag:$0x5], $0x80, s22, s23, $0xb8;
	[tilespmem:$0x1C200] =	vst v63  }
0x5f: {  	_ =	swait.ge [sflag:s25], $0x4000  }
0x60: {  	[sflag:s25] =	ssyncset.done $0x0  }
0x61: {  	s12 =	sadd.s32 s10, s18;
	s13 =	sadd.s32 s10, s17;
	[sflag:s25] =	ssyncadd.s32 $0xFFFFC000  }
0x62: {  	[tilespmem:s2], [sflag:$0x3] =	stream.linear.gather [hbm4b:s12+s2], $0x80, $0x38;
	[tilespmem:$0x1C200] =	vst v63  }
0x63: {  	s12 =	sadd.s32 $0x20, s13  }
0x64: {  	[tilespmem:s22], [sflag:$0x3] =	stream.linear.gather [hbm4b:s12+s2], $0x80, $0x38;
	[tilespmem:$0x1C200] =	vst v63  }
0x65: {  	_ =	swait.ge [sflag:s0], $0x4000  }
0x66: {  	[sflag:s0] =	ssyncset.done $0x0  }
0x67: {  	[sflag:s0] =	ssyncadd.s32 $0xFFFFC000  }
0x68: {  	[spmem:s1] =	stream.indirect.scatter.add.f32 [tilespmem:s30], [sflag:$0x5], $0x80, s24, s23, $0xb8;
	[tilespmem:$0x1C200] =	vst v63  }
0x69: {  	_ =	swait.ge [sflag:s25], $0x4000  }
0x6a: {  	[sflag:s25] =	ssyncset.done $0x0  }
0x6b: {  	[sflag:s25] =	ssyncadd.s32 $0xFFFFC000  }
0x6c: {  	_ =	swait.ge [sflag:s26], $0x80  }
0x6d: {  	[sflag:s26] =	ssyncset.done $0x0  }
0x6e: {  	[sflag:s26] =	ssyncadd.s32 $0xFFFFFF80  }
0x6f: {  	_ =	swait.ge [sflag:s26], $0x80  }
0x70: {  	[sflag:s26] =	ssyncset.done $0x0  }
.Ltmp0:
0x71: {  	[sflag:s26] =	ssyncadd.s32 $0xFFFFFF80;
	(pc) =	sbr.rel @p0 .LBB2_2-.Ltmp0, $4  }
0x72: {  	[tilespmem:s28], [sflag:$0x1] =	stream.indirect.gather [hbm4b:s4+s23], $0x80, s2, s23, $0xb8;
	[tilespmem:$0x1C200] =	vst v63  }
0x73: {  	s10 =	sadd.s32 s10, s19  }
0x74: {  	[tilespmem:s23], [sflag:$0x4] =	stream.linear.gather [hbm4b:s10+s2], $0x80, $0x38;
	[tilespmem:$0x1C200] =	vst v63  }
0x75: {  	s10 =	sadd.s32 $0x30, s13  }
0x76: {  	[tilespmem:s24], [sflag:$0x4] =	stream.linear.gather [hbm4b:s10+s2], $0x80, $0x38;
	[tilespmem:$0x1C200] =	vst v63  }
0x77: {  	_ =	swait.ge [sflag:s29], $0x80  }
0x78: {  	[sflag:s29] =	ssyncset.done $0x0  }
0x79: {  	[sflag:s29] =	ssyncadd.s32 $0xFFFFFF80  }
0x7a: {  	_ =	swait.ge [sflag:s29], $0x80  }
0x7b: {  	[sflag:s29] =	ssyncset.done $0x0  }
0x7c: {  	[sflag:s29] =	ssyncadd.s32 $0xFFFFFF80  }
0x7d: {  	[tilespmem:s30], [sflag:$0x2] =	stream.indirect.gather [hbm4b:s4+s23], $0x80, s23, s23, $0xb8;
	[tilespmem:$0x1C200] =	vst v63  }
0x7e: {  	_ =	swait.ge [sflag:s31], $0x4000  }
0x7f: {  	[sflag:s31] =	ssyncset.done $0x0  }
0x80: {  	[sflag:s31] =	ssyncadd.s32 $0xFFFFC000  }
0x81: {  	[spmem:s1] =	stream.indirect.scatter.add.f32 [tilespmem:s28], [sflag:$0x5], $0x80, s22, s23, $0xb8;
	[tilespmem:$0x1C200] =	vst v63  }
0x82: {  	_ =	swait.ge [sflag:s25], $0x4000  }
0x83: {  	[sflag:s25] =	ssyncset.done $0x0  }
0x84: {  	[sflag:s25] =	ssyncadd.s32 $0xFFFFC000  }
0x85: {  	_ =	swait.ge [sflag:s0], $0x4000  }
0x86: {  	[sflag:s0] =	ssyncset.done $0x0  }
0x87: {  	[sflag:s0] =	ssyncadd.s32 $0xFFFFC000  }
0x88: {  	[spmem:s1] =	stream.indirect.scatter.add.f32 [tilespmem:s30], [sflag:$0x5], $0x80, s24, s23, $0xb8;
	[tilespmem:$0x1C200] =	vst v63  }
0x89: {  	_ =	swait.ge [sflag:s25], $0x4000  }
0x8a: {  	[sflag:s25] =	ssyncset.done $0x0  }
0x8b: {  	[sflag:s25] =	ssyncadd.s32 $0xFFFFC000  }
0x8c: {  	[bflag:$0x0] =	sbarrier.arrive $0xFFFF  }
0x8d: {  	s8 =	rddreg [dreg:$0x6]  }
0x8e: {  	[hbm:s8], [sflag:s11] =	dma.local [spmem:s6], $0x2800  }
0x8f: {  	_ =	swait.ge [sflag:s25], $0x2800  }
0x90: {  	[sflag:s25] =	ssyncset.done $0x0  }
0x91: {  	s13 =	simm.s32 $0x0;
	s12 =	rddreg [dreg:$0x7];
	[sflag:s25] =	ssyncadd.s32 $0xFFFFD800  }
0x92: {  	[tilespmem:s13], [sflag:$0x3] =	stream.linear.gather [hbm4b:s12+s13], $0x80, $0x38;
	[tilespmem:$0x1C200] =	vst v63  }
0x93: {  	_ = 	snop  }
0x94: {  	[tilespmem:s22], [sflag:$0x3] =	stream.linear.gather [hbm4b:s7+s13], $0x80, $0x38;
	[tilespmem:$0x1C200] =	vst v63  }
0x95: {  	_ = 	snop  }
0x96: {  	[tilespmem:s23], [sflag:$0x4] =	stream.linear.gather [hbm4b:s14+s13], $0x80, $0x38;
	[tilespmem:$0x1C200] =	vst v63  }
0x97: {  	_ = 	snop  }
0x98: {  	[tilespmem:s24], [sflag:$0x4] =	stream.linear.gather [hbm4b:s9+s13], $0x80, $0x38;
	[tilespmem:$0x1C200] =	vst v63  }
0x99: {  	[spmem:s6], [sflag:s11] =	dma.local [hbm:s5], $0x2800  }
0x9a: {  	_ =	swait.ge [sflag:s25], $0x2800  }
0x9b: {  	[sflag:s25] =	ssyncset.done $0x0  }
0x9c: {  	[sflag:s25] =	ssyncadd.s32 $0xFFFFD800  }
0x9d: {  	[bflag:$0x0] =	sbarrier.arrive $0xFFFF  }
0x9e: {  	_ =	swait.ge [sflag:s26], $0x80  }
0x9f: {  	[sflag:s26] =	ssyncset.done $0x0  }
0xa0: {  	[sflag:s26] =	ssyncadd.s32 $0xFFFFFF80  }
0xa1: {  	_ =	swait.ge [sflag:s26], $0x80  }
0xa2: {  	[sflag:s26] =	ssyncset.done $0x0  }
0xa3: {  	[sflag:s26] =	ssyncadd.s32 $0xFFFFFF80  }
0xa4: {  	[tilespmem:s28], [sflag:$0x1] =	stream.indirect.gather [hbm4b:s4+s23], $0x80, s13, s23, $0xb8;
	[tilespmem:$0x1C200] =	vst v63  }
0xa5: {  	_ =	swait.ge [sflag:s29], $0x80  }
0xa6: {  	[sflag:s29] =	ssyncset.done $0x0  }
0xa7: {  	[sflag:s29] =	ssyncadd.s32 $0xFFFFFF80  }
0xa8: {  	_ =	swait.ge [sflag:s29], $0x80  }
0xa9: {  	[sflag:s29] =	ssyncset.done $0x0  }
0xaa: {  	[sflag:s29] =	ssyncadd.s32 $0xFFFFFF80  }
0xab: {  	[tilespmem:s30], [sflag:$0x2] =	stream.indirect.gather [hbm4b:s4+s23], $0x80, s23, s23, $0xb8;
	[tilespmem:$0x1C200] =	vst v63  }
0xac: {  	_ =	swait.ge [sflag:s31], $0x4000  }
0xad: {  	[sflag:s31] =	ssyncset.done $0x0  }
0xae: {  	[sflag:s31] =	ssyncadd.s32 $0xFFFFC000  }
0xaf: {  	[spmem:s1] =	stream.indirect.scatter.add.f32 [tilespmem:s28], [sflag:$0x5], $0x80, s22, s23, $0xb8;
	[tilespmem:$0x1C200] =	vst v63  }
0xb0: {  	_ =	swait.ge [sflag:s25], $0x4000  }
0xb1: {  	[sflag:s25] =	ssyncset.done $0x0  }
0xb2: {  	s10 =	sadd.s32 $0x0, s17;
	s13 =	sadd.s32 $0x0, s20;
	[sflag:s25] =	ssyncadd.s32 $0xFFFFC000  }
0xb3: {  	[tilespmem:s2], [sflag:$0x3] =	stream.linear.gather [hbm4b:s13+s2], $0x80, $0x38;
	[tilespmem:$0x1C200] =	vst v63  }
0xb4: {  	s12 =	sadd.s32 $0x20, s10  }
0xb5: {  	[tilespmem:s22], [sflag:$0x3] =	stream.linear.gather [hbm4b:s12+s2], $0x80, $0x38;
	[tilespmem:$0x1C200] =	vst v63  }
0xb6: {  	_ =	swait.ge [sflag:s0], $0x4000  }
0xb7: {  	[sflag:s0] =	ssyncset.done $0x0  }
0xb8: {  	[sflag:s0] =	ssyncadd.s32 $0xFFFFC000  }
0xb9: {  	[spmem:s1] =	stream.indirect.scatter.add.f32 [tilespmem:s30], [sflag:$0x5], $0x80, s24, s23, $0xb8;
	[tilespmem:$0x1C200] =	vst v63  }
0xba: {  	_ =	swait.ge [sflag:s25], $0x4000  }
0xbb: {  	[sflag:s25] =	ssyncset.done $0x0  }
0xbc: {  	[sflag:s25] =	ssyncadd.s32 $0xFFFFC000  }
0xbd: {  	_ =	swait.ge [sflag:s26], $0x80  }
0xbe: {  	[sflag:s26] =	ssyncset.done $0x0  }
0xbf: {  	[sflag:s26] =	ssyncadd.s32 $0xFFFFFF80  }
0xc0: {  	_ =	swait.ge [sflag:s26], $0x80  }
0xc1: {  	[sflag:s26] =	ssyncset.done $0x0  }
0xc2: {  	[sflag:s26] =	ssyncadd.s32 $0xFFFFFF80  }
0xc3: {  	[tilespmem:s28], [sflag:$0x1] =	stream.indirect.gather [hbm4b:s4+s23], $0x80, s2, s23, $0xb8;
	[tilespmem:$0x1C200] =	vst v63  }
0xc4: {  	s8 =	simm.s32 $0x20;
	s10 =	sadd.s32 $0x30, s10;
	s13 =	sadd.s32 $0x0, s21  }
0xc5: {  	[tilespmem:s23], [sflag:$0x4] =	stream.linear.gather [hbm4b:s13+s2], $0x80, $0x38;
	[tilespmem:$0x1C200] =	vst v63  }
.LBB2_4:
0xc6: {  	[tilespmem:s24], [sflag:$0x4] =	stream.linear.gather [hbm4b:s10+s2], $0x80, $0x38;
	[tilespmem:$0x1C200] =	vst v63  }
0xc7: {  	s10 =	smov.u32 s8  }
0xc8: {  	p0 =	sne.s32 s8, $0x4C0;
	s8 =	sadd.s32 $0x20, s8;
	_ =	swait.ge [sflag:s29], $0x80  }
0xc9: {  	[sflag:s29] =	ssyncset.done $0x0  }
0xca: {  	[sflag:s29] =	ssyncadd.s32 $0xFFFFFF80  }
0xcb: {  	_ =	swait.ge [sflag:s29], $0x80  }
0xcc: {  	[sflag:s29] =	ssyncset.done $0x0  }
0xcd: {  	[sflag:s29] =	ssyncadd.s32 $0xFFFFFF80  }
0xce: {  	[tilespmem:s30], [sflag:$0x2] =	stream.indirect.gather [hbm4b:s4+s23], $0x80, s23, s23, $0xb8;
	[tilespmem:$0x1C200] =	vst v63  }
0xcf: {  	_ =	swait.ge [sflag:s31], $0x4000  }
0xd0: {  	[sflag:s31] =	ssyncset.done $0x0  }
0xd1: {  	[sflag:s31] =	ssyncadd.s32 $0xFFFFC000  }
0xd2: {  	[spmem:s1] =	stream.indirect.scatter.add.f32 [tilespmem:s28], [sflag:$0x5], $0x80, s22, s23, $0xb8;
	[tilespmem:$0x1C200] =	vst v63  }
0xd3: {  	_ =	swait.ge [sflag:s25], $0x4000  }
0xd4: {  	[sflag:s25] =	ssyncset.done $0x0  }
0xd5: {  	s12 =	sadd.s32 s10, s20;
	s13 =	sadd.s32 s10, s17;
	[sflag:s25] =	ssyncadd.s32 $0xFFFFC000  }
0xd6: {  	[tilespmem:s2], [sflag:$0x3] =	stream.linear.gather [hbm4b:s12+s2], $0x80, $0x38;
	[tilespmem:$0x1C200] =	vst v63  }
0xd7: {  	s12 =	sadd.s32 $0x20, s13  }
0xd8: {  	[tilespmem:s22], [sflag:$0x3] =	stream.linear.gather [hbm4b:s12+s2], $0x80, $0x38;
	[tilespmem:$0x1C200] =	vst v63  }
0xd9: {  	_ =	swait.ge [sflag:s0], $0x4000  }
0xda: {  	[sflag:s0] =	ssyncset.done $0x0  }
0xdb: {  	[sflag:s0] =	ssyncadd.s32 $0xFFFFC000  }
0xdc: {  	[spmem:s1] =	stream.indirect.scatter.add.f32 [tilespmem:s30], [sflag:$0x5], $0x80, s24, s23, $0xb8;
	[tilespmem:$0x1C200] =	vst v63  }
0xdd: {  	_ =	swait.ge [sflag:s25], $0x4000  }
0xde: {  	[sflag:s25] =	ssyncset.done $0x0  }
0xdf: {  	[sflag:s25] =	ssyncadd.s32 $0xFFFFC000  }
0xe0: {  	_ =	swait.ge [sflag:s26], $0x80  }
0xe1: {  	[sflag:s26] =	ssyncset.done $0x0  }
0xe2: {  	[sflag:s26] =	ssyncadd.s32 $0xFFFFFF80  }
0xe3: {  	_ =	swait.ge [sflag:s26], $0x80  }
0xe4: {  	[sflag:s26] =	ssyncset.done $0x0  }
.Ltmp1:
0xe5: {  	[sflag:s26] =	ssyncadd.s32 $0xFFFFFF80;
	(pc) =	sbr.rel @p0 .LBB2_4-.Ltmp1, $4  }
0xe6: {  	[tilespmem:s28], [sflag:$0x1] =	stream.indirect.gather [hbm4b:s4+s23], $0x80, s2, s23, $0xb8;
	[tilespmem:$0x1C200] =	vst v63  }
0xe7: {  	s10 =	sadd.s32 s10, s21  }
0xe8: {  	[tilespmem:s23], [sflag:$0x4] =	stream.linear.gather [hbm4b:s10+s2], $0x80, $0x38;
	[tilespmem:$0x1C200] =	vst v63  }
0xe9: {  	s10 =	sadd.s32 $0x30, s13  }
0xea: {  	[tilespmem:s24], [sflag:$0x4] =	stream.linear.gather [hbm4b:s10+s2], $0x80, $0x38;
	[tilespmem:$0x1C200] =	vst v63  }
0xeb: {  	_ =	swait.ge [sflag:s29], $0x80  }
0xec: {  	[sflag:s29] =	ssyncset.done $0x0  }
0xed: {  	[sflag:s29] =	ssyncadd.s32 $0xFFFFFF80  }
0xee: {  	_ =	swait.ge [sflag:s29], $0x80  }
0xef: {  	[sflag:s29] =	ssyncset.done $0x0  }
0xf0: {  	[sflag:s29] =	ssyncadd.s32 $0xFFFFFF80  }
0xf1: {  	[tilespmem:s30], [sflag:$0x2] =	stream.indirect.gather [hbm4b:s4+s23], $0x80, s23, s23, $0xb8;
	[tilespmem:$0x1C200] =	vst v63  }
0xf2: {  	_ =	swait.ge [sflag:s31], $0x4000  }
0xf3: {  	[sflag:s31] =	ssyncset.done $0x0  }
0xf4: {  	[sflag:s31] =	ssyncadd.s32 $0xFFFFC000  }
0xf5: {  	[spmem:s1] =	stream.indirect.scatter.add.f32 [tilespmem:s28], [sflag:$0x5], $0x80, s22, s23, $0xb8;
	[tilespmem:$0x1C200] =	vst v63  }
0xf6: {  	_ =	swait.ge [sflag:s25], $0x4000  }
0xf7: {  	[sflag:s25] =	ssyncset.done $0x0  }
0xf8: {  	[sflag:s25] =	ssyncadd.s32 $0xFFFFC000  }
0xf9: {  	_ =	swait.ge [sflag:s0], $0x4000  }
0xfa: {  	[sflag:s0] =	ssyncset.done $0x0  }
0xfb: {  	[sflag:s0] =	ssyncadd.s32 $0xFFFFC000  }
0xfc: {  	[spmem:s1] =	stream.indirect.scatter.add.f32 [tilespmem:s30], [sflag:$0x5], $0x80, s24, s23, $0xb8;
	[tilespmem:$0x1C200] =	vst v63  }
0xfd: {  	_ =	swait.ge [sflag:s25], $0x4000  }
0xfe: {  	s3 =	sadd.s32 $0x1, s3;
	[sflag:s25] =	ssyncset.done $0x0  }
0xff: {  	p0 =	sne.s32 s3, s16;
	[sflag:s25] =	ssyncadd.s32 $0xFFFFC000  }
.Ltmp2:
0x100: {  	[bflag:$0x0] =	sbarrier.arrive $0xFFFF;
	(pc) =	sbr.rel @p0 .LBB2_1-.Ltmp2, $4  }
0x101: {  	[hbm:s15], [sflag:s11] =	dma.local [spmem:s6], $0x2800  }
0x102: {  	_ =	swait.ge [sflag:s25], $0x2800  }
0x103: {  	[sflag:s25] =	ssyncset.done $0x0  }
0x104: {  	[sflag:s25] =	ssyncadd.s32 $0xFFFFD800  }
0x105: {  	_ =	sfence.sel $0x180000  }
0x106: {  	[bflag:$0x0] =	sbarrier.arrive $0xFFFF  }
0x107: {  	_ =	strace $0x9000004A  }
0x108: {  	s0 =	stileid.u32;
	[bflag:$0x2] =	sbarrier.arrive $0xFFFF  }
0x109: {  	p0 =	sne.s32 s0, $0x0;
	s0 =	rddreg [dreg:$0x2]  }
0x10a: {  	s0 =	sadd.s32 @!p0 $0x100000, s0  }
0x10b: {  	[sflag:s0] =	ssyncadd.tile.s32 @!p0 $0x1;
	_ =	shalt  }
.Lfunc_end2:
_tile_overlayer_lowered:
.L_overlay_start_2:
0x10c: {  	(tag) =	ssettag $0x2  }
0x10d: {  	s0 =	rddreg [dreg:$0x0];
	s2 =	stileid.u32  }
0x10e: {  	s1 =	rddreg [dreg:$0x1];
	p0 =	sne.s32 s2, $0x0  }
0x10f: {  	s3 =	rddreg [dreg:$0x2];
	[bflag:$0x3] =	sbarrier.arrive $0xFFFF;
	s2 =	simm.s32 @!p0 $0x1C05  }
0x110: {  	[timem:s3], [sflag:s2] =	dma.local @!p0 [hbm:s0], s1  }
0x111: {  	s0 =	simm.s32 @!p0 $0x5  }
0x112: {  	_ =	swait.ge @!p0 [sflag:s0], s1  }
0x113: {  	s1 =	ssub.s32 @!p0 $0x0, s1;
	[sflag:s0] =	ssyncset.done @!p0 $0x0  }
0x114: {  	[sflag:s0] =	ssyncadd.s32 @!p0 s1  }
0x115: {  	[bflag:$0x3] =	sbarrier.arrive $0xFFFF  }
0x116: {  	_ =	shalt  }

// kernel: kernel.22.cloned.1.call-start
scs
__scs_entry_jumppad:
0x0: {  	(pc) =	sbr.rel $0x88, $3  }
0x1: {  	(tag) =	ssettag $0x0;
	lr =	simm.s32 $0x1  }
0x2: {  	[smem:$0x3F97] =	sst lr;
	_ =	strace $0xD0000000  }
0x3: {  	_ = 	snop  }
0x4: {  	_ = 	snop  }
0x5: {  	_ = 	snop  }
0x6: {  	_ = 	snop  }
0x7: {  	_ = 	snop  }
__scs_overlays_trampoline_lowered:
0x8: {  	[smem:$0x3FA6] =	sst s0  }
0x9: {  	[smem:$0x3FA7] =	sst s1  }
0xa: {  	[smem:$0x3FA8] =	sst s2  }
0xb: {  	[smem:$0x3FA9] =	sst s3  }
0xc: {  	[smem:$0x3FAA] =	sst s4  }
0xd: {  	[smem:$0x3FAB] =	sst s5  }
0xe: {  	[smem:$0x3FAC] =	sst s6  }
0xf: {  	[smem:$0x3FAD] =	sst s7  }
0x10: {  	[smem:$0x3FAE] =	sst s8  }
0x11: {  	[smem:$0x3FAF] =	sst s9;
	s0 =	simm.s32 @!p0 $0x0  }
0x12: {  	s1 =	sld [smem:$0x3F95];
	s0 =	simm.s32 @p0 $0x1  }
0x13: {  	[smem:$0x3FB0] =	sst s0;
	s0 =	simm.s32 @!p1 $0x0  }
0x14: {  	s2 =	sld [smem:$0x3F94];
	s0 =	simm.s32 @p1 $0x1  }
0x15: {  	[smem:$0x3FB1] =	sst s0;
	s0 =	simm.s32 @!p2 $0x0  }
0x16: {  	s3 =	sld [smem:$0x3FDB];
	s0 =	simm.s32 @p2 $0x1  }
0x17: {  	s4 =	simm.s32 $0x1BF5;
	[smem:$0x3FB3] =	sst s0  }
0x18: {  	s0 =	sld [smem:$0x3F96];
	_ =	swait.ge [sflag:s4], $0x0  }
0x19: {  	s7 =	sld [smem:$0x3F97]  }
0x1a: {  	s8 =	sadd.s32 $0xFFFFE003, lr  }
0x1b: {  	s9 =	sadd.s32 $0xFFFFFEF7, lr;
	s5 =	simm.s32 $0xFFFFFFFF;
	p2 =	slt.u32 s8, $0xFFFFF086  }
0x1c: {  	p1 =	slt.u32 s9, $0xF7A;
	s5 =	simm.s32 @!p2 $0x0  }
0x1d: {  	s5 =	simm.s32 @p1 $0x1;
	p0 =	seq.s32 s7, s2  }
0x1e: {  	s7 =	smul.u32 @!p0 $0xF7A, s2;
	p2 =	seq.s32 @!p0 s5, $0x0  }
0x1f: {  	s9 =	smul.u32 $0xF7A, s1;
	s8 =	simm.s32 @!p0 $0x1BF5;
	p2 =	por !p2, p0  }
0x20: {  	[sflag:s8] =	ssyncset.s32 @!p0 $0xFFFFF086;
	s6 =	sadd.s32 @!p0 s3, s7;
	s7 =	simm.s32 @!p0 $0x108  }
0x21: {  	s3 =	sadd.s32 s3, s9;
	s6 =	sadd.s32 @!p0 $0x88, s6;
	s7 =	simm.s32 @p2 $0x1082  }
0x22: {  	[simem:s7], [sflag:s8] =	dma.local @!p0 [hbm:s6], $0xF7A  }
0x23: {  	s9 =	sor.u32 $0xD0000000, s2;
	s6 =	simm.s32 $0x108;
	_ =	swait.ge @!p0 [sflag:s8], $0x0  }
0x24: {  	s3 =	sadd.s32 $0x88, s3;
	s6 =	simm.s32 @!p1 $0x1082;
	[sflag:s4] =	ssyncset.s32 $0xFFFFF086  }
0x25: {  	[simem:s6], [sflag:s4] =	dma.local [hbm:s3], $0xF7A  }
0x26: {  	[smem:$0x3F97] =	sst s1;
	(tag) =	ssettag s2;
	_ =	strace s9  }
0x27: {  	s1 =	sld [smem:$0x3FA7]  }
0x28: {  	s2 =	sld [smem:$0x3FA8]  }
0x29: {  	s4 =	sld [smem:$0x3FAA]  }
0x2a: {  	p0 =	seq.s32 s5, $0x0;
	s5 =	sld [smem:$0x3FAB]  }
0x2b: {  	s6 =	sld [smem:$0x3FAC]  }
0x2c: {  	s7 =	sld [smem:$0x3FAD]  }
0x2d: {  	s3 =	simm.s32 $0x108;
	s8 =	sld [smem:$0x3FAE]  }
0x2e: {  	s3 =	simm.s32 @!p0 $0x1082;
	s9 =	sld [smem:$0x3FAF]  }
0x2f: {  	lr =	sadd.s32 s0, s3;
	s0 =	sld [smem:$0x3FA6]  }
0x30: {  	s3 =	sld [smem:$0x3FA9]  }
0x31: {  	[smem:$0x3FB2] =	sst s10  }
0x32: {  	s10 =	sld [smem:$0x3FB0];
	_ =	sdelay $0x3  }
0x33: {  	p0 =	seq.s32 s10, $0x1;
	s10 =	sld [smem:$0x3FB2];
	_ =	sdelay $0x3  }
0x34: {  	[smem:$0x3FB2] =	sst s10  }
0x35: {  	s10 =	sld [smem:$0x3FB1];
	_ =	sdelay $0x3  }
0x36: {  	p1 =	seq.s32 s10, $0x1;
	s10 =	sld [smem:$0x3FB2];
	_ =	sdelay $0x3  }
0x37: {  	[smem:$0x3FB2] =	sst s10  }
0x38: {  	s10 =	sld [smem:$0x3FB3]  }
0x39: {  	_ = 	snop;
	(pc) =	sbr.ind lr, $3  }
0x3a: {  	_ = 	snop  }
0x3b: {  	_ = 	snop  }
0x3c: {  	p2 =	seq.s32 s10, $0x1;
	s10 =	sld [smem:$0x3FB2]  }
0x3d: {  	_ =	shalt  }
0x3e: {  	_ =	shalt  }
0x3f: {  	_ =	shalt  }
0x40: {  	_ =	shalt  }
0x41: {  	_ =	shalt  }
0x42: {  	_ =	shalt  }
0x43: {  	_ =	shalt  }
0x44: {  	_ =	shalt  }
0x45: {  	_ =	shalt  }
0x46: {  	_ =	shalt  }
0x47: {  	_ =	shalt  }
0x48: {  	_ =	shalt  }
0x49: {  	_ =	shalt  }
0x4a: {  	_ =	shalt  }
0x4b: {  	_ =	shalt  }
0x4c: {  	_ =	shalt  }
0x4d: {  	_ =	shalt  }
0x4e: {  	_ =	shalt  }
0x4f: {  	_ =	shalt  }
0x50: {  	_ =	shalt  }
0x51: {  	_ =	shalt  }
0x52: {  	_ =	shalt  }
0x53: {  	_ =	shalt  }
0x54: {  	_ =	shalt  }
0x55: {  	_ =	shalt  }
0x56: {  	_ =	shalt  }
0x57: {  	_ =	shalt  }
0x58: {  	_ =	shalt  }
0x59: {  	_ =	shalt  }
0x5a: {  	_ =	shalt  }
0x5b: {  	_ =	shalt  }
0x5c: {  	_ =	shalt  }
0x5d: {  	_ =	shalt  }
0x5e: {  	_ =	shalt  }
0x5f: {  	_ =	shalt  }
0x60: {  	_ =	shalt  }
0x61: {  	_ =	shalt  }
0x62: {  	_ =	shalt  }
0x63: {  	_ =	shalt  }
0x64: {  	_ =	shalt  }
0x65: {  	_ =	shalt  }
0x66: {  	_ =	shalt  }
0x67: {  	_ =	shalt  }
0x68: {  	_ =	shalt  }
0x69: {  	_ =	shalt  }
0x6a: {  	_ =	shalt  }
0x6b: {  	_ =	shalt  }
0x6c: {  	_ =	shalt  }
0x6d: {  	_ =	shalt  }
0x6e: {  	_ =	shalt  }
0x6f: {  	_ =	shalt  }
0x70: {  	_ =	shalt  }
0x71: {  	_ =	shalt  }
0x72: {  	_ =	shalt  }
0x73: {  	_ =	shalt  }
0x74: {  	_ =	shalt  }
0x75: {  	_ =	shalt  }
0x76: {  	_ =	shalt  }
0x77: {  	_ =	shalt  }
0x78: {  	_ =	shalt  }
0x79: {  	_ =	shalt  }
0x7a: {  	_ =	shalt  }
0x7b: {  	_ =	shalt  }
0x7c: {  	_ =	shalt  }
0x7d: {  	_ =	shalt  }
0x7e: {  	_ =	shalt  }
0x7f: {  	_ =	shalt  }
0x80: {  	_ =	shalt  }
0x81: {  	_ =	shalt  }
0x82: {  	_ =	shalt  }
0x83: {  	_ =	shalt  }
0x84: {  	_ =	shalt  }
0x85: {  	_ =	shalt  }
0x86: {  	_ =	shalt  }
0x87: {  	_ =	shalt  }
.Lfunc_end0:
.L_simem_size_0:
called_computation.2_lowered:
.L_overlay_start_0:
0x88: {  	s2 =	sld [smem:$0x3FD9]  }
0x89: {  	s3 =	sld [smem:$0x3FFE];
	_ =	sdelay $0x1  }
0x8a: {  	s1 =	srdreg.scid  }
0x8b: {  	s0 =	sand.u32 $0x1, s1  }
0x8c: {  	s16 =	sshll.u32 s0, $0xA;
	s2 =	sadd.s32 s3, s2  }
0x8d: {  	s2 =	sadd.s32 s2, s16  }
0x8e: {  	[smem:$0x3FBE] =	sst s2  }
0x8f: {  	_ = 	snop  }
0x90: {  	(tm) =	ssettm $0x1  }
0x91: {  	s17 =	sld [smem:$0x3FFB];
	_ =	sdelay $0x3  }
0x92: {  	_ =	strace s17  }
0x93: {  	s2 =	sld [smem:$0x3FFC];
	_ =	sdelay $0x3  }
0x94: {  	_ =	strace s2  }
0x95: {  	s2 =	sld [smem:$0x3FFD];
	_ =	sdelay $0x3  }
0x96: {  	_ =	strace s2  }
0x97: {  	_ =	strace $0x8FFFFFFF  }
0x98: {  	s18 =	sld [smem:$0x3FDB];
	_ =	sdelay $0x1  }
0x99: {  	s19 =	simm.s32 $_scs_section_size  }
0x9a: {  	s4 =	simm.s32 $_size__tile_overlayer_lowered;
	s5 =	simm.s32 $_tile_overlayer_lowered  }
0x9b: {  	s22 =	simm.s32 $0x1BFF;
	s21 =	sshll.u32 s5, $0x1;
	s2 =	sadd.s32 s19, s18  }
0x9c: {  	s6 =	simm.s32 $0x0;
	s20 =	sshll.u32 s4, $0x1;
	s4 =	sadd.s32 s21, s2  }
0x9d: {  	[timem:s6], [sflag:s22] =	dma.local [hbm:s4], s20  }
0x9e: {  	_ =	swait.ge [sflag:s22], s20  }
0x9f: {  	s3 =	ssub.s32 $0x0, s20;
	[sflag:s22] =	ssyncset.done $0x0  }
0xa0: {  	[sflag:s22] =	ssyncadd.s32 s3;
	_ =	sdelay $0x1  }
0xa1: {  	s23 =	simm.s32 $0x1B8B  }
0xa2: {  	_ =	swait.ge [sflag:s23], $0x1  }
0xa3: {  	[sflag:s23] =	ssyncset.done $0x0  }
0xa4: {  	s25 =	simm.s32 $0x1B8E;
	s24 =	sld [smem:$0x3FFE];
	[sflag:s23] =	ssyncadd.s32 $0xFFFFFFFF  }
0xa5: {  	s26 =	simm.s32 $execute0_lowered;
	[smem:$0x3FD2] =	sst s25  }
0xa6: {  	s4 =	sshll.u32 s26, $0x1;
	_ =	strace $0x8000004C;
	[dreg:$0x1] =	wrdreg $0xFFFFFFFF  }
0xa7: {  	s28 =	simm.s32 $_size_execute0_lowered;
	s2 =	sadd.s32 s2, s4;
	[dreg:$0x0] =	wrdreg $0x0  }
0xa8: {  	s4 =	sshll.u32 s28, $0x1;
	[dreg:$0x2] =	wrdreg s2  }
0xa9: {  	[dreg:$0x3] =	wrdreg s4  }
0xaa: {  	[dreg:$0x4] =	wrdreg $0xC0  }
0xab: {  	_ =	task [dreg:s6], $0x5FFFF  }
0xac: {  	[dreg:$0x1] =	wrdreg $0xFFFFFFFF  }
0xad: {  	[dreg:$0x0] =	wrdreg $0x60  }
0xae: {  	[dreg:$0x2] =	wrdreg s24  }
0xaf: {  	[dreg:$0x3] =	wrdreg $0x82000  }
0xb0: {  	[dreg:$0x4] =	wrdreg $0x9  }
0xb1: {  	_ =	task.clear_ibuf [dreg:s6], $0x5FFFF;
	_ =	strace $0x9000004C  }
0xb2: {  	s29 =	simm.s32 $0x9;
	_ =	strace $0x8000004E  }
0xb3: {  	_ =	swait.ge [sflag:s29], $0x1  }
0xb4: {  	[sflag:s29] =	ssyncadd.s32 $0xFFFFFFFF  }
0xb5: {  	_ =	strace $0x9000004E  }
0xb6: {  	_ =	sfence  }
0xb7: {  	s30 =	sld [smem:$0x0];
	_ =	sdelay $0x2  }
0xb8: {  	s31 =	sshll.u32 s1, $0xD;
	s1 =	sshrl.u32 s1, $0x2  }
0xb9: {  	s3 =	sand.u32 $0x4000, s31;
	s1 =	sadd.s32 s1, s30  }
0xba: {  	s0 =	sor.u32 s3, s0;
	s1 =	sshll.u32 s1, $0x11  }
0xbb: {  	s0 =	sor.u32 s1, s0  }
0xbc: {  	s0 =	sadd.s32 $0x8F2B, s0  }
0xbd: {  	[sflag:s0] =	ssyncadd.remote.s32 $0x1  }
0xbe: {  	_ =	sfence.sel $0xFFFF  }
0xbf: {  	[dreg:$0x0] =	wrdreg $0xFFFFFFFF;
	(pc) =	sbr.abs _section_cstart, $3  }
0xc0: {  	[dreg:$0x1] =	wrdreg $0xFFFFFFFF  }
0xc1: {  	_ =	task.clear_ibuf [dreg:s6], $0x2FFFF;
	_ =	strace $0x9FFFFFFF  }
0xc2: {  	(tm) =	ssettm $0x7FFFFFFF  }
0xc3: {  	_ =	shalt  }
tec
execute0_lowered:
.L_overlay_start_1:
0x0: {  	(tag) =	ssettag $0x1  }
0x1: {  	s0 =	rddreg [dreg:$0x0]  }
0x2: {  	s1 =	rddreg [dreg:$0x1];
	s2 =	simm.s32 $0x0  }
0x3: {  	s3 =	srdreg.scid;
	s19 =	stileid.u32;
	s28 =	simm.s32 $0x200  }
0x4: {  	s29 =	simm.s32 $0x4;
	s30 =	simm.s32 $0x4200;
	s31 =	simm.s32 $0x1  }
0x5: {  	[smem:$0x7FF] =	sst s2;
	s3 =	sand.u32 $0x1, s3;
	s4 =	sadd.s32 $0x6F000, s0  }
0x6: {  	s6 =	sadd.s32 $0x5B000, s0;
	s8 =	smul.u32 $0x2800, s19;
	s10 =	sadd.s32 $0x10F000, s0  }
0x7: {  	s15 =	sadd.s32 $0x11C000, s0;
	s18 =	smul.u32 $0x50000, s19;
	s20 =	sshll.u32 s19, $0x6  }
0x8: {  	_ =	strace $0x8000004D;
	s5 =	sshll.u32 s3, $0x5;
	s7 =	ssub.s32 $0x2, s3  }
0x9: {  	s12 =	sshllo.u32 s3, $0x1;
	s5 =	sor.u32 s19, s5;
	s11 =	sshrl.u32 s7, $0x1  }
0xa: {  	s14 =	sshrl.u32 s8, $0x3;
	s13 =	sshll.u32 s12, $0x4;
	s9 =	smul.u32 $0x2800, s5  }
0xb: {  	s16 =	ssub.s32 s7, s11;
	s7 =	sadd.s32 s10, s14;
	s14 =	smul.u32 $0x14000, s19  }
0xc: {  	s5 =	sadd.s32 $0x8000, s0;
	s11 =	sshrl.u32 s18, $0x2;
	s18 =	smul.u32 $0x140000, s12  }
0xd: {  	s0 =	sadd.s32 $0x5B010, s0;
	s13 =	sor.u32 s19, s13;
	s19 =	smul.u32 $0x500, s19  }
0xe: {  	s11 =	sadd.s32 s11, s1;
	s13 =	smul.u32 $0x2800, s13;
	s9 =	sshrl.u32 s9, $0x3  }
0xf: {  	s16 =	smax.u32 s16, $0x1;
	[dreg:$0x5] =	wrdreg s11;
	s17 =	sadd.s32 s6, s9  }
0x10: {  	s11 =	sor.u32 $0x1C05, s20;
	s9 =	sadd.s32 s9, s0;
	[dreg:$0x3] =	wrdreg s17  }
0x11: {  	s22 =	sshrl.u32 s13, $0x3;
	[dreg:$0x4] =	wrdreg s9;
	s17 =	smul.u32 $0x280000, s3  }
0x12: {  	s9 =	sadd.s32 $0x10, s7;
	s3 =	smul.u32 $0x50000, s3;
	s23 =	sadd.s32 s6, s22  }
0x13: {  	[dreg:$0x7] =	wrdreg s23;
	s23 =	simm.s32 $0x80;
	s17 =	sadd.s32 s14, s17  }
0x14: {  	s14 =	sadd.s32 s14, s18;
	s3 =	sadd.s32 s8, s3;
	s21 =	sshrl.u32 s17, $0x3  }
0x15: {  	s18 =	sshrl.u32 s14, $0x3;
	s14 =	sadd.s32 s22, s0;
	s24 =	sor.u32 $0x100, s3  }
0x16: {  	s17 =	sadd.s32 s19, s10;
	s25 =	sor.u32 $0x180, s3;
	s8 =	sadd.s32 $0x28100, s3  }
0x17: {  	s3 =	sadd.s32 $0x28180, s3;
	s22 =	simm.s32 $0x100;
	s12 =	sadd.s32 s15, s21  }
0x18: {  	s15 =	sadd.s32 s15, s18;
	s0 =	sshrl.u32 s24, $0x3;
	s8 =	sshrl.u32 s8, $0x3  }
0x19: {  	s26 =	sshrl.u32 s3, $0x3;
	s24 =	simm.s32 $0x180;
	s3 =	simm.s32 $0x0  }
0x1a: {  	[dreg:$0x6] =	wrdreg s12;
	s18 =	sadd.s32 s0, s6;
	s0 =	sshrl.u32 s25, $0x3  }
0x1b: {  	s20 =	sadd.s32 s8, s6;
	s21 =	sadd.s32 s26, s6;
	s25 =	simm.s32 $0x5  }
0x1c: {  	s26 =	simm.s32 $0x3;
	s19 =	sadd.s32 s0, s6;
	s0 =	simm.s32 $0x2  }
.LBB2_1:
0x1d: {  	s6 =	rddreg [dreg:$0x3]  }
0x1e: {  	[tilespmem:s2], [sflag:$0x3] =	stream.linear.gather [hbm4b:s6+s2], $0x80, $0x38;
	[tilespmem:$0x1C200] =	vst v63  }
0x1f: {  	s8 =	rddreg [dreg:$0x4]  }
0x20: {  	[tilespmem:s22], [sflag:$0x3] =	stream.linear.gather [hbm4b:s7+s2], $0x80, $0x38;
	[tilespmem:$0x1C200] =	vst v63  }
0x21: {  	s10 =	rddreg [dreg:$0x5]  }
0x22: {  	[tilespmem:s23], [sflag:$0x4] =	stream.linear.gather [hbm4b:s8+s2], $0x80, $0x38;
	[tilespmem:$0x1C200] =	vst v63  }
0x23: {  	s6 =	sshrl.u32 s10, $0x3  }
0x24: {  	[tilespmem:s24], [sflag:$0x4] =	stream.linear.gather [hbm4b:s9+s2], $0x80, $0x38;
	[tilespmem:$0x1C200] =	vst v63  }
0x25: {  	[spmem:s6], [sflag:s11] =	dma.local [hbm:s5], $0x2800  }
0x26: {  	_ =	swait.ge [sflag:s25], $0x2800  }
0x27: {  	[sflag:s25] =	ssyncset.done $0x0  }
0x28: {  	[sflag:s25] =	ssyncadd.s32 $0xFFFFD800  }
0x29: {  	[bflag:$0x0] =	sbarrier.arrive $0xFFFF  }
0x2a: {  	_ =	swait.ge [sflag:s26], $0x80  }
0x2b: {  	[sflag:s26] =	ssyncset.done $0x0  }
0x2c: {  	[sflag:s26] =	ssyncadd.s32 $0xFFFFFF80  }
0x2d: {  	_ =	swait.ge [sflag:s26], $0x80  }
0x2e: {  	[sflag:s26] =	ssyncset.done $0x0  }
0x2f: {  	[sflag:s26] =	ssyncadd.s32 $0xFFFFFF80  }
0x30: {  	[tilespmem:s28], [sflag:$0x1] =	stream.indirect.gather [hbm4b:s4+s23], $0x80, s2, s23, $0xb8;
	[tilespmem:$0x1C200] =	vst v63  }
0x31: {  	_ =	swait.ge [sflag:s29], $0x80  }
0x32: {  	[sflag:s29] =	ssyncset.done $0x0  }
0x33: {  	[sflag:s29] =	ssyncadd.s32 $0xFFFFFF80  }
0x34: {  	_ =	swait.ge [sflag:s29], $0x80  }
0x35: {  	[sflag:s29] =	ssyncset.done $0x0  }
0x36: {  	[sflag:s29] =	ssyncadd.s32 $0xFFFFFF80  }
0x37: {  	[tilespmem:s30], [sflag:$0x2] =	stream.indirect.gather [hbm4b:s4+s23], $0x80, s23, s23, $0xb8;
	[tilespmem:$0x1C200] =	vst v63  }
0x38: {  	_ =	swait.ge [sflag:s31], $0x4000  }
0x39: {  	[sflag:s31] =	ssyncset.done $0x0  }
0x3a: {  	[sflag:s31] =	ssyncadd.s32 $0xFFFFC000  }
0x3b: {  	[spmem:s1] =	stream.indirect.scatter.add.f32 [tilespmem:s28], [sflag:$0x5], $0x80, s22, s23, $0xb8;
	[tilespmem:$0x1C200] =	vst v63  }
0x3c: {  	_ =	swait.ge [sflag:s25], $0x4000  }
0x3d: {  	[sflag:s25] =	ssyncset.done $0x0  }
0x3e: {  	s10 =	sadd.s32 $0x0, s17;
	s8 =	sadd.s32 $0x0, s18;
	[sflag:s25] =	ssyncadd.s32 $0xFFFFC000  }
0x3f: {  	[tilespmem:s2], [sflag:$0x3] =	stream.linear.gather [hbm4b:s8+s2], $0x80, $0x38;
	[tilespmem:$0x1C200] =	vst v63  }
0x40: {  	s12 =	sadd.s32 $0x20, s10  }
0x41: {  	[tilespmem:s22], [sflag:$0x3] =	stream.linear.gather [hbm4b:s12+s2], $0x80, $0x38;
	[tilespmem:$0x1C200] =	vst v63  }
0x42: {  	_ =	swait.ge [sflag:s0], $0x4000  }
0x43: {  	[sflag:s0] =	ssyncset.done $0x0  }
0x44: {  	[sflag:s0] =	ssyncadd.s32 $0xFFFFC000  }
0x45: {  	[spmem:s1] =	stream.indirect.scatter.add.f32 [tilespmem:s30], [sflag:$0x5], $0x80, s24, s23, $0xb8;
	[tilespmem:$0x1C200] =	vst v63  }
0x46: {  	_ =	swait.ge [sflag:s25], $0x4000  }
0x47: {  	[sflag:s25] =	ssyncset.done $0x0  }
0x48: {  	[sflag:s25] =	ssyncadd.s32 $0xFFFFC000  }
0x49: {  	_ =	swait.ge [sflag:s26], $0x80  }
0x4a: {  	[sflag:s26] =	ssyncset.done $0x0  }
0x4b: {  	[sflag:s26] =	ssyncadd.s32 $0xFFFFFF80  }
0x4c: {  	_ =	swait.ge [sflag:s26], $0x80  }
0x4d: {  	[sflag:s26] =	ssyncset.done $0x0  }
0x4e: {  	[sflag:s26] =	ssyncadd.s32 $0xFFFFFF80  }
0x4f: {  	[tilespmem:s28], [sflag:$0x1] =	stream.indirect.gather [hbm4b:s4+s23], $0x80, s2, s23, $0xb8;
	[tilespmem:$0x1C200] =	vst v63  }
0x50: {  	s13 =	sadd.s32 $0x0, s19;
	s10 =	sadd.s32 $0x30, s10;
	s8 =	simm.s32 $0x20  }
0x51: {  	[tilespmem:s23], [sflag:$0x4] =	stream.linear.gather [hbm4b:s13+s2], $0x80, $0x38;
	[tilespmem:$0x1C200] =	vst v63  }
.LBB2_2:
0x52: {  	[tilespmem:s24], [sflag:$0x4] =	stream.linear.gather [hbm4b:s10+s2], $0x80, $0x38;
	[tilespmem:$0x1C200] =	vst v63  }
0x53: {  	s10 =	smov.u32 s8  }
0x54: {  	p0 =	sne.s32 s8, $0x4C0;
	s8 =	sadd.s32 $0x20, s8;
	_ =	swait.ge [sflag:s29], $0x80  }
0x55: {  	[sflag:s29] =	ssyncset.done $0x0  }
0x56: {  	[sflag:s29] =	ssyncadd.s32 $0xFFFFFF80  }
0x57: {  	_ =	swait.ge [sflag:s29], $0x80  }
0x58: {  	[sflag:s29] =	ssyncset.done $0x0  }
0x59: {  	[sflag:s29] =	ssyncadd.s32 $0xFFFFFF80  }
0x5a: {  	[tilespmem:s30], [sflag:$0x2] =	stream.indirect.gather [hbm4b:s4+s23], $0x80, s23, s23, $0xb8;
	[tilespmem:$0x1C200] =	vst v63  }
0x5b: {  	_ =	swait.ge [sflag:s31], $0x4000  }
0x5c: {  	[sflag:s31] =	ssyncset.done $0x0  }
0x5d: {  	[sflag:s31] =	ssyncadd.s32 $0xFFFFC000  }
0x5e: {  	[spmem:s1] =	stream.indirect.scatter.add.f32 [tilespmem:s28], [sflag:$0x5], $0x80, s22, s23, $0xb8;
	[tilespmem:$0x1C200] =	vst v63  }
0x5f: {  	_ =	swait.ge [sflag:s25], $0x4000  }
0x60: {  	[sflag:s25] =	ssyncset.done $0x0  }
0x61: {  	s12 =	sadd.s32 s10, s18;
	s13 =	sadd.s32 s10, s17;
	[sflag:s25] =	ssyncadd.s32 $0xFFFFC000  }
0x62: {  	[tilespmem:s2], [sflag:$0x3] =	stream.linear.gather [hbm4b:s12+s2], $0x80, $0x38;
	[tilespmem:$0x1C200] =	vst v63  }
0x63: {  	s12 =	sadd.s32 $0x20, s13  }
0x64: {  	[tilespmem:s22], [sflag:$0x3] =	stream.linear.gather [hbm4b:s12+s2], $0x80, $0x38;
	[tilespmem:$0x1C200] =	vst v63  }
0x65: {  	_ =	swait.ge [sflag:s0], $0x4000  }
0x66: {  	[sflag:s0] =	ssyncset.done $0x0  }
0x67: {  	[sflag:s0] =	ssyncadd.s32 $0xFFFFC000  }
0x68: {  	[spmem:s1] =	stream.indirect.scatter.add.f32 [tilespmem:s30], [sflag:$0x5], $0x80, s24, s23, $0xb8;
	[tilespmem:$0x1C200] =	vst v63  }
0x69: {  	_ =	swait.ge [sflag:s25], $0x4000  }
0x6a: {  	[sflag:s25] =	ssyncset.done $0x0  }
0x6b: {  	[sflag:s25] =	ssyncadd.s32 $0xFFFFC000  }
0x6c: {  	_ =	swait.ge [sflag:s26], $0x80  }
0x6d: {  	[sflag:s26] =	ssyncset.done $0x0  }
0x6e: {  	[sflag:s26] =	ssyncadd.s32 $0xFFFFFF80  }
0x6f: {  	_ =	swait.ge [sflag:s26], $0x80  }
0x70: {  	[sflag:s26] =	ssyncset.done $0x0  }
.Ltmp0:
0x71: {  	[sflag:s26] =	ssyncadd.s32 $0xFFFFFF80;
	(pc) =	sbr.rel @p0 .LBB2_2-.Ltmp0, $4  }
0x72: {  	[tilespmem:s28], [sflag:$0x1] =	stream.indirect.gather [hbm4b:s4+s23], $0x80, s2, s23, $0xb8;
	[tilespmem:$0x1C200] =	vst v63  }
0x73: {  	s10 =	sadd.s32 s10, s19  }
0x74: {  	[tilespmem:s23], [sflag:$0x4] =	stream.linear.gather [hbm4b:s10+s2], $0x80, $0x38;
	[tilespmem:$0x1C200] =	vst v63  }
0x75: {  	s10 =	sadd.s32 $0x30, s13  }
0x76: {  	[tilespmem:s24], [sflag:$0x4] =	stream.linear.gather [hbm4b:s10+s2], $0x80, $0x38;
	[tilespmem:$0x1C200] =	vst v63  }
0x77: {  	_ =	swait.ge [sflag:s29], $0x80  }
0x78: {  	[sflag:s29] =	ssyncset.done $0x0  }
0x79: {  	[sflag:s29] =	ssyncadd.s32 $0xFFFFFF80  }
0x7a: {  	_ =	swait.ge [sflag:s29], $0x80  }
0x7b: {  	[sflag:s29] =	ssyncset.done $0x0  }
0x7c: {  	[sflag:s29] =	ssyncadd.s32 $0xFFFFFF80  }
0x7d: {  	[tilespmem:s30], [sflag:$0x2] =	stream.indirect.gather [hbm4b:s4+s23], $0x80, s23, s23, $0xb8;
	[tilespmem:$0x1C200] =	vst v63  }
0x7e: {  	_ =	swait.ge [sflag:s31], $0x4000  }
0x7f: {  	[sflag:s31] =	ssyncset.done $0x0  }
0x80: {  	[sflag:s31] =	ssyncadd.s32 $0xFFFFC000  }
0x81: {  	[spmem:s1] =	stream.indirect.scatter.add.f32 [tilespmem:s28], [sflag:$0x5], $0x80, s22, s23, $0xb8;
	[tilespmem:$0x1C200] =	vst v63  }
0x82: {  	_ =	swait.ge [sflag:s25], $0x4000  }
0x83: {  	[sflag:s25] =	ssyncset.done $0x0  }
0x84: {  	[sflag:s25] =	ssyncadd.s32 $0xFFFFC000  }
0x85: {  	_ =	swait.ge [sflag:s0], $0x4000  }
0x86: {  	[sflag:s0] =	ssyncset.done $0x0  }
0x87: {  	[sflag:s0] =	ssyncadd.s32 $0xFFFFC000  }
0x88: {  	[spmem:s1] =	stream.indirect.scatter.add.f32 [tilespmem:s30], [sflag:$0x5], $0x80, s24, s23, $0xb8;
	[tilespmem:$0x1C200] =	vst v63  }
0x89: {  	_ =	swait.ge [sflag:s25], $0x4000  }
0x8a: {  	[sflag:s25] =	ssyncset.done $0x0  }
0x8b: {  	[sflag:s25] =	ssyncadd.s32 $0xFFFFC000  }
0x8c: {  	[bflag:$0x0] =	sbarrier.arrive $0xFFFF  }
0x8d: {  	s8 =	rddreg [dreg:$0x6]  }
0x8e: {  	[hbm:s8], [sflag:s11] =	dma.local [spmem:s6], $0x2800  }
0x8f: {  	_ =	swait.ge [sflag:s25], $0x2800  }
0x90: {  	[sflag:s25] =	ssyncset.done $0x0  }
0x91: {  	s13 =	simm.s32 $0x0;
	s12 =	rddreg [dreg:$0x7];
	[sflag:s25] =	ssyncadd.s32 $0xFFFFD800  }
0x92: {  	[tilespmem:s13], [sflag:$0x3] =	stream.linear.gather [hbm4b:s12+s13], $0x80, $0x38;
	[tilespmem:$0x1C200] =	vst v63  }
0x93: {  	_ = 	snop  }
0x94: {  	[tilespmem:s22], [sflag:$0x3] =	stream.linear.gather [hbm4b:s7+s13], $0x80, $0x38;
	[tilespmem:$0x1C200] =	vst v63  }
0x95: {  	_ = 	snop  }
0x96: {  	[tilespmem:s23], [sflag:$0x4] =	stream.linear.gather [hbm4b:s14+s13], $0x80, $0x38;
	[tilespmem:$0x1C200] =	vst v63  }
0x97: {  	_ = 	snop  }
0x98: {  	[tilespmem:s24], [sflag:$0x4] =	stream.linear.gather [hbm4b:s9+s13], $0x80, $0x38;
	[tilespmem:$0x1C200] =	vst v63  }
0x99: {  	[spmem:s6], [sflag:s11] =	dma.local [hbm:s5], $0x2800  }
0x9a: {  	_ =	swait.ge [sflag:s25], $0x2800  }
0x9b: {  	[sflag:s25] =	ssyncset.done $0x0  }
0x9c: {  	[sflag:s25] =	ssyncadd.s32 $0xFFFFD800  }
0x9d: {  	[bflag:$0x0] =	sbarrier.arrive $0xFFFF  }
0x9e: {  	_ =	swait.ge [sflag:s26], $0x80  }
0x9f: {  	[sflag:s26] =	ssyncset.done $0x0  }
0xa0: {  	[sflag:s26] =	ssyncadd.s32 $0xFFFFFF80  }
0xa1: {  	_ =	swait.ge [sflag:s26], $0x80  }
0xa2: {  	[sflag:s26] =	ssyncset.done $0x0  }
0xa3: {  	[sflag:s26] =	ssyncadd.s32 $0xFFFFFF80  }
0xa4: {  	[tilespmem:s28], [sflag:$0x1] =	stream.indirect.gather [hbm4b:s4+s23], $0x80, s13, s23, $0xb8;
	[tilespmem:$0x1C200] =	vst v63  }
0xa5: {  	_ =	swait.ge [sflag:s29], $0x80  }
0xa6: {  	[sflag:s29] =	ssyncset.done $0x0  }
0xa7: {  	[sflag:s29] =	ssyncadd.s32 $0xFFFFFF80  }
0xa8: {  	_ =	swait.ge [sflag:s29], $0x80  }
0xa9: {  	[sflag:s29] =	ssyncset.done $0x0  }
0xaa: {  	[sflag:s29] =	ssyncadd.s32 $0xFFFFFF80  }
0xab: {  	[tilespmem:s30], [sflag:$0x2] =	stream.indirect.gather [hbm4b:s4+s23], $0x80, s23, s23, $0xb8;
	[tilespmem:$0x1C200] =	vst v63  }
0xac: {  	_ =	swait.ge [sflag:s31], $0x4000  }
0xad: {  	[sflag:s31] =	ssyncset.done $0x0  }
0xae: {  	[sflag:s31] =	ssyncadd.s32 $0xFFFFC000  }
0xaf: {  	[spmem:s1] =	stream.indirect.scatter.add.f32 [tilespmem:s28], [sflag:$0x5], $0x80, s22, s23, $0xb8;
	[tilespmem:$0x1C200] =	vst v63  }
0xb0: {  	_ =	swait.ge [sflag:s25], $0x4000  }
0xb1: {  	[sflag:s25] =	ssyncset.done $0x0  }
0xb2: {  	s10 =	sadd.s32 $0x0, s17;
	s13 =	sadd.s32 $0x0, s20;
	[sflag:s25] =	ssyncadd.s32 $0xFFFFC000  }
0xb3: {  	[tilespmem:s2], [sflag:$0x3] =	stream.linear.gather [hbm4b:s13+s2], $0x80, $0x38;
	[tilespmem:$0x1C200] =	vst v63  }
0xb4: {  	s12 =	sadd.s32 $0x20, s10  }
0xb5: {  	[tilespmem:s22], [sflag:$0x3] =	stream.linear.gather [hbm4b:s12+s2], $0x80, $0x38;
	[tilespmem:$0x1C200] =	vst v63  }
0xb6: {  	_ =	swait.ge [sflag:s0], $0x4000  }
0xb7: {  	[sflag:s0] =	ssyncset.done $0x0  }
0xb8: {  	[sflag:s0] =	ssyncadd.s32 $0xFFFFC000  }
0xb9: {  	[spmem:s1] =	stream.indirect.scatter.add.f32 [tilespmem:s30], [sflag:$0x5], $0x80, s24, s23, $0xb8;
	[tilespmem:$0x1C200] =	vst v63  }
0xba: {  	_ =	swait.ge [sflag:s25], $0x4000  }
0xbb: {  	[sflag:s25] =	ssyncset.done $0x0  }
0xbc: {  	[sflag:s25] =	ssyncadd.s32 $0xFFFFC000  }
0xbd: {  	_ =	swait.ge [sflag:s26], $0x80  }
0xbe: {  	[sflag:s26] =	ssyncset.done $0x0  }
0xbf: {  	[sflag:s26] =	ssyncadd.s32 $0xFFFFFF80  }
0xc0: {  	_ =	swait.ge [sflag:s26], $0x80  }
0xc1: {  	[sflag:s26] =	ssyncset.done $0x0  }
0xc2: {  	[sflag:s26] =	ssyncadd.s32 $0xFFFFFF80  }
0xc3: {  	[tilespmem:s28], [sflag:$0x1] =	stream.indirect.gather [hbm4b:s4+s23], $0x80, s2, s23, $0xb8;
	[tilespmem:$0x1C200] =	vst v63  }
0xc4: {  	s8 =	simm.s32 $0x20;
	s10 =	sadd.s32 $0x30, s10;
	s13 =	sadd.s32 $0x0, s21  }
0xc5: {  	[tilespmem:s23], [sflag:$0x4] =	stream.linear.gather [hbm4b:s13+s2], $0x80, $0x38;
	[tilespmem:$0x1C200] =	vst v63  }
.LBB2_4:
0xc6: {  	[tilespmem:s24], [sflag:$0x4] =	stream.linear.gather [hbm4b:s10+s2], $0x80, $0x38;
	[tilespmem:$0x1C200] =	vst v63  }
0xc7: {  	s10 =	smov.u32 s8  }
0xc8: {  	p0 =	sne.s32 s8, $0x4C0;
	s8 =	sadd.s32 $0x20, s8;
	_ =	swait.ge [sflag:s29], $0x80  }
0xc9: {  	[sflag:s29] =	ssyncset.done $0x0  }
0xca: {  	[sflag:s29] =	ssyncadd.s32 $0xFFFFFF80  }
0xcb: {  	_ =	swait.ge [sflag:s29], $0x80  }
0xcc: {  	[sflag:s29] =	ssyncset.done $0x0  }
0xcd: {  	[sflag:s29] =	ssyncadd.s32 $0xFFFFFF80  }
0xce: {  	[tilespmem:s30], [sflag:$0x2] =	stream.indirect.gather [hbm4b:s4+s23], $0x80, s23, s23, $0xb8;
	[tilespmem:$0x1C200] =	vst v63  }
0xcf: {  	_ =	swait.ge [sflag:s31], $0x4000  }
0xd0: {  	[sflag:s31] =	ssyncset.done $0x0  }
0xd1: {  	[sflag:s31] =	ssyncadd.s32 $0xFFFFC000  }
0xd2: {  	[spmem:s1] =	stream.indirect.scatter.add.f32 [tilespmem:s28], [sflag:$0x5], $0x80, s22, s23, $0xb8;
	[tilespmem:$0x1C200] =	vst v63  }
0xd3: {  	_ =	swait.ge [sflag:s25], $0x4000  }
0xd4: {  	[sflag:s25] =	ssyncset.done $0x0  }
0xd5: {  	s12 =	sadd.s32 s10, s20;
	s13 =	sadd.s32 s10, s17;
	[sflag:s25] =	ssyncadd.s32 $0xFFFFC000  }
0xd6: {  	[tilespmem:s2], [sflag:$0x3] =	stream.linear.gather [hbm4b:s12+s2], $0x80, $0x38;
	[tilespmem:$0x1C200] =	vst v63  }
0xd7: {  	s12 =	sadd.s32 $0x20, s13  }
0xd8: {  	[tilespmem:s22], [sflag:$0x3] =	stream.linear.gather [hbm4b:s12+s2], $0x80, $0x38;
	[tilespmem:$0x1C200] =	vst v63  }
0xd9: {  	_ =	swait.ge [sflag:s0], $0x4000  }
0xda: {  	[sflag:s0] =	ssyncset.done $0x0  }
0xdb: {  	[sflag:s0] =	ssyncadd.s32 $0xFFFFC000  }
0xdc: {  	[spmem:s1] =	stream.indirect.scatter.add.f32 [tilespmem:s30], [sflag:$0x5], $0x80, s24, s23, $0xb8;
	[tilespmem:$0x1C200] =	vst v63  }
0xdd: {  	_ =	swait.ge [sflag:s25], $0x4000  }
0xde: {  	[sflag:s25] =	ssyncset.done $0x0  }
0xdf: {  	[sflag:s25] =	ssyncadd.s32 $0xFFFFC000  }
0xe0: {  	_ =	swait.ge [sflag:s26], $0x80  }
0xe1: {  	[sflag:s26] =	ssyncset.done $0x0  }
0xe2: {  	[sflag:s26] =	ssyncadd.s32 $0xFFFFFF80  }
0xe3: {  	_ =	swait.ge [sflag:s26], $0x80  }
0xe4: {  	[sflag:s26] =	ssyncset.done $0x0  }
.Ltmp1:
0xe5: {  	[sflag:s26] =	ssyncadd.s32 $0xFFFFFF80;
	(pc) =	sbr.rel @p0 .LBB2_4-.Ltmp1, $4  }
0xe6: {  	[tilespmem:s28], [sflag:$0x1] =	stream.indirect.gather [hbm4b:s4+s23], $0x80, s2, s23, $0xb8;
	[tilespmem:$0x1C200] =	vst v63  }
0xe7: {  	s10 =	sadd.s32 s10, s21  }
0xe8: {  	[tilespmem:s23], [sflag:$0x4] =	stream.linear.gather [hbm4b:s10+s2], $0x80, $0x38;
	[tilespmem:$0x1C200] =	vst v63  }
0xe9: {  	s10 =	sadd.s32 $0x30, s13  }
0xea: {  	[tilespmem:s24], [sflag:$0x4] =	stream.linear.gather [hbm4b:s10+s2], $0x80, $0x38;
	[tilespmem:$0x1C200] =	vst v63  }
0xeb: {  	_ =	swait.ge [sflag:s29], $0x80  }
0xec: {  	[sflag:s29] =	ssyncset.done $0x0  }
0xed: {  	[sflag:s29] =	ssyncadd.s32 $0xFFFFFF80  }
0xee: {  	_ =	swait.ge [sflag:s29], $0x80  }
0xef: {  	[sflag:s29] =	ssyncset.done $0x0  }
0xf0: {  	[sflag:s29] =	ssyncadd.s32 $0xFFFFFF80  }
0xf1: {  	[tilespmem:s30], [sflag:$0x2] =	stream.indirect.gather [hbm4b:s4+s23], $0x80, s23, s23, $0xb8;
	[tilespmem:$0x1C200] =	vst v63  }
0xf2: {  	_ =	swait.ge [sflag:s31], $0x4000  }
0xf3: {  	[sflag:s31] =	ssyncset.done $0x0  }
0xf4: {  	[sflag:s31] =	ssyncadd.s32 $0xFFFFC000  }
0xf5: {  	[spmem:s1] =	stream.indirect.scatter.add.f32 [tilespmem:s28], [sflag:$0x5], $0x80, s22, s23, $0xb8;
	[tilespmem:$0x1C200] =	vst v63  }
0xf6: {  	_ =	swait.ge [sflag:s25], $0x4000  }
0xf7: {  	[sflag:s25] =	ssyncset.done $0x0  }
0xf8: {  	[sflag:s25] =	ssyncadd.s32 $0xFFFFC000  }
0xf9: {  	_ =	swait.ge [sflag:s0], $0x4000  }
0xfa: {  	[sflag:s0] =	ssyncset.done $0x0  }
0xfb: {  	[sflag:s0] =	ssyncadd.s32 $0xFFFFC000  }
0xfc: {  	[spmem:s1] =	stream.indirect.scatter.add.f32 [tilespmem:s30], [sflag:$0x5], $0x80, s24, s23, $0xb8;
	[tilespmem:$0x1C200] =	vst v63  }
0xfd: {  	_ =	swait.ge [sflag:s25], $0x4000  }
0xfe: {  	s3 =	sadd.s32 $0x1, s3;
	[sflag:s25] =	ssyncset.done $0x0  }
0xff: {  	p0 =	sne.s32 s3, s16;
	[sflag:s25] =	ssyncadd.s32 $0xFFFFC000  }
.Ltmp2:
0x100: {  	[bflag:$0x0] =	sbarrier.arrive $0xFFFF;
	(pc) =	sbr.rel @p0 .LBB2_1-.Ltmp2, $4  }
0x101: {  	[hbm:s15], [sflag:s11] =	dma.local [spmem:s6], $0x2800  }
0x102: {  	_ =	swait.ge [sflag:s25], $0x2800  }
0x103: {  	[sflag:s25] =	ssyncset.done $0x0  }
0x104: {  	[sflag:s25] =	ssyncadd.s32 $0xFFFFD800  }
0x105: {  	_ =	sfence.sel $0x180000  }
0x106: {  	[bflag:$0x0] =	sbarrier.arrive $0xFFFF  }
0x107: {  	_ =	strace $0x9000004D  }
0x108: {  	s0 =	stileid.u32;
	[bflag:$0x2] =	sbarrier.arrive $0xFFFF  }
0x109: {  	p0 =	sne.s32 s0, $0x0;
	s0 =	rddreg [dreg:$0x2]  }
0x10a: {  	s0 =	sadd.s32 @!p0 $0x100000, s0  }
0x10b: {  	[sflag:s0] =	ssyncadd.tile.s32 @!p0 $0x1;
	_ =	shalt  }
.Lfunc_end2:
_tile_overlayer_lowered:
.L_overlay_start_2:
0x10c: {  	(tag) =	ssettag $0x2  }
0x10d: {  	s0 =	rddreg [dreg:$0x0];
	s2 =	stileid.u32  }
0x10e: {  	s1 =	rddreg [dreg:$0x1];
	p0 =	sne.s32 s2, $0x0  }
0x10f: {  	s3 =	rddreg [dreg:$0x2];
	[bflag:$0x3] =	sbarrier.arrive $0xFFFF;
	s2 =	simm.s32 @!p0 $0x1C05  }
0x110: {  	[timem:s3], [sflag:s2] =	dma.local @!p0 [hbm:s0], s1  }
0x111: {  	s0 =	simm.s32 @!p0 $0x5  }
0x112: {  	_ =	swait.ge @!p0 [sflag:s0], s1  }
0x113: {  	s1 =	ssub.s32 @!p0 $0x0, s1;
	[sflag:s0] =	ssyncset.done @!p0 $0x0  }
0x114: {  	[sflag:s0] =	ssyncadd.s32 @!p0 s1  }
0x115: {  	[bflag:$0x3] =	sbarrier.arrive $0xFFFF  }
0x116: {  	_ =	shalt  }

// kernel: kernel.25.cloned.1.call-start
scs
__scs_entry_jumppad:
0x0: {  	(pc) =	sbr.rel $0x88, $3  }
0x1: {  	(tag) =	ssettag $0x0;
	lr =	simm.s32 $0x1  }
0x2: {  	[smem:$0x3F97] =	sst lr;
	_ =	strace $0xD0000000  }
0x3: {  	_ = 	snop  }
0x4: {  	_ = 	snop  }
0x5: {  	_ = 	snop  }
0x6: {  	_ = 	snop  }
0x7: {  	_ = 	snop  }
__scs_overlays_trampoline_lowered:
0x8: {  	[smem:$0x3FA6] =	sst s0  }
0x9: {  	[smem:$0x3FA7] =	sst s1  }
0xa: {  	[smem:$0x3FA8] =	sst s2  }
0xb: {  	[smem:$0x3FA9] =	sst s3  }
0xc: {  	[smem:$0x3FAA] =	sst s4  }
0xd: {  	[smem:$0x3FAB] =	sst s5  }
0xe: {  	[smem:$0x3FAC] =	sst s6  }
0xf: {  	[smem:$0x3FAD] =	sst s7  }
0x10: {  	[smem:$0x3FAE] =	sst s8  }
0x11: {  	[smem:$0x3FAF] =	sst s9;
	s0 =	simm.s32 @!p0 $0x0  }
0x12: {  	s1 =	sld [smem:$0x3F95];
	s0 =	simm.s32 @p0 $0x1  }
0x13: {  	[smem:$0x3FB0] =	sst s0;
	s0 =	simm.s32 @!p1 $0x0  }
0x14: {  	s2 =	sld [smem:$0x3F94];
	s0 =	simm.s32 @p1 $0x1  }
0x15: {  	[smem:$0x3FB1] =	sst s0;
	s0 =	simm.s32 @!p2 $0x0  }
0x16: {  	s3 =	sld [smem:$0x3FDB];
	s0 =	simm.s32 @p2 $0x1  }
0x17: {  	s4 =	simm.s32 $0x1BF5;
	[smem:$0x3FB3] =	sst s0  }
0x18: {  	s0 =	sld [smem:$0x3F96];
	_ =	swait.ge [sflag:s4], $0x0  }
0x19: {  	s7 =	sld [smem:$0x3F97]  }
0x1a: {  	s8 =	sadd.s32 $0xFFFFE003, lr  }
0x1b: {  	s9 =	sadd.s32 $0xFFFFFEF7, lr;
	s5 =	simm.s32 $0xFFFFFFFF;
	p2 =	slt.u32 s8, $0xFFFFF086  }
0x1c: {  	p1 =	slt.u32 s9, $0xF7A;
	s5 =	simm.s32 @!p2 $0x0  }
0x1d: {  	s5 =	simm.s32 @p1 $0x1;
	p0 =	seq.s32 s7, s2  }
0x1e: {  	s7 =	smul.u32 @!p0 $0xF7A, s2;
	p2 =	seq.s32 @!p0 s5, $0x0  }
0x1f: {  	s9 =	smul.u32 $0xF7A, s1;
	s8 =	simm.s32 @!p0 $0x1BF5;
	p2 =	por !p2, p0  }
0x20: {  	[sflag:s8] =	ssyncset.s32 @!p0 $0xFFFFF086;
	s6 =	sadd.s32 @!p0 s3, s7;
	s7 =	simm.s32 @!p0 $0x108  }
0x21: {  	s3 =	sadd.s32 s3, s9;
	s6 =	sadd.s32 @!p0 $0x88, s6;
	s7 =	simm.s32 @p2 $0x1082  }
0x22: {  	[simem:s7], [sflag:s8] =	dma.local @!p0 [hbm:s6], $0xF7A  }
0x23: {  	s9 =	sor.u32 $0xD0000000, s2;
	s6 =	simm.s32 $0x108;
	_ =	swait.ge @!p0 [sflag:s8], $0x0  }
0x24: {  	s3 =	sadd.s32 $0x88, s3;
	s6 =	simm.s32 @!p1 $0x1082;
	[sflag:s4] =	ssyncset.s32 $0xFFFFF086  }
0x25: {  	[simem:s6], [sflag:s4] =	dma.local [hbm:s3], $0xF7A  }
0x26: {  	[smem:$0x3F97] =	sst s1;
	(tag) =	ssettag s2;
	_ =	strace s9  }
0x27: {  	s1 =	sld [smem:$0x3FA7]  }
0x28: {  	s2 =	sld [smem:$0x3FA8]  }
0x29: {  	s4 =	sld [smem:$0x3FAA]  }
0x2a: {  	p0 =	seq.s32 s5, $0x0;
	s5 =	sld [smem:$0x3FAB]  }
0x2b: {  	s6 =	sld [smem:$0x3FAC]  }
0x2c: {  	s7 =	sld [smem:$0x3FAD]  }
0x2d: {  	s3 =	simm.s32 $0x108;
	s8 =	sld [smem:$0x3FAE]  }
0x2e: {  	s3 =	simm.s32 @!p0 $0x1082;
	s9 =	sld [smem:$0x3FAF]  }
0x2f: {  	lr =	sadd.s32 s0, s3;
	s0 =	sld [smem:$0x3FA6]  }
0x30: {  	s3 =	sld [smem:$0x3FA9]  }
0x31: {  	[smem:$0x3FB2] =	sst s10  }
0x32: {  	s10 =	sld [smem:$0x3FB0];
	_ =	sdelay $0x3  }
0x33: {  	p0 =	seq.s32 s10, $0x1;
	s10 =	sld [smem:$0x3FB2];
	_ =	sdelay $0x3  }
0x34: {  	[smem:$0x3FB2] =	sst s10  }
0x35: {  	s10 =	sld [smem:$0x3FB1];
	_ =	sdelay $0x3  }
0x36: {  	p1 =	seq.s32 s10, $0x1;
	s10 =	sld [smem:$0x3FB2];
	_ =	sdelay $0x3  }
0x37: {  	[smem:$0x3FB2] =	sst s10  }
0x38: {  	s10 =	sld [smem:$0x3FB3]  }
0x39: {  	_ = 	snop;
	(pc) =	sbr.ind lr, $3  }
0x3a: {  	_ = 	snop  }
0x3b: {  	_ = 	snop  }
0x3c: {  	p2 =	seq.s32 s10, $0x1;
	s10 =	sld [smem:$0x3FB2]  }
0x3d: {  	_ =	shalt  }
0x3e: {  	_ =	shalt  }
0x3f: {  	_ =	shalt  }
0x40: {  	_ =	shalt  }
0x41: {  	_ =	shalt  }
0x42: {  	_ =	shalt  }
0x43: {  	_ =	shalt  }
0x44: {  	_ =	shalt  }
0x45: {  	_ =	shalt  }
0x46: {  	_ =	shalt  }
0x47: {  	_ =	shalt  }
0x48: {  	_ =	shalt  }
0x49: {  	_ =	shalt  }
0x4a: {  	_ =	shalt  }
0x4b: {  	_ =	shalt  }
0x4c: {  	_ =	shalt  }
0x4d: {  	_ =	shalt  }
0x4e: {  	_ =	shalt  }
0x4f: {  	_ =	shalt  }
0x50: {  	_ =	shalt  }
0x51: {  	_ =	shalt  }
0x52: {  	_ =	shalt  }
0x53: {  	_ =	shalt  }
0x54: {  	_ =	shalt  }
0x55: {  	_ =	shalt  }
0x56: {  	_ =	shalt  }
0x57: {  	_ =	shalt  }
0x58: {  	_ =	shalt  }
0x59: {  	_ =	shalt  }
0x5a: {  	_ =	shalt  }
0x5b: {  	_ =	shalt  }
0x5c: {  	_ =	shalt  }
0x5d: {  	_ =	shalt  }
0x5e: {  	_ =	shalt  }
0x5f: {  	_ =	shalt  }
0x60: {  	_ =	shalt  }
0x61: {  	_ =	shalt  }
0x62: {  	_ =	shalt  }
0x63: {  	_ =	shalt  }
0x64: {  	_ =	shalt  }
0x65: {  	_ =	shalt  }
0x66: {  	_ =	shalt  }
0x67: {  	_ =	shalt  }
0x68: {  	_ =	shalt  }
0x69: {  	_ =	shalt  }
0x6a: {  	_ =	shalt  }
0x6b: {  	_ =	shalt  }
0x6c: {  	_ =	shalt  }
0x6d: {  	_ =	shalt  }
0x6e: {  	_ =	shalt  }
0x6f: {  	_ =	shalt  }
0x70: {  	_ =	shalt  }
0x71: {  	_ =	shalt  }
0x72: {  	_ =	shalt  }
0x73: {  	_ =	shalt  }
0x74: {  	_ =	shalt  }
0x75: {  	_ =	shalt  }
0x76: {  	_ =	shalt  }
0x77: {  	_ =	shalt  }
0x78: {  	_ =	shalt  }
0x79: {  	_ =	shalt  }
0x7a: {  	_ =	shalt  }
0x7b: {  	_ =	shalt  }
0x7c: {  	_ =	shalt  }
0x7d: {  	_ =	shalt  }
0x7e: {  	_ =	shalt  }
0x7f: {  	_ =	shalt  }
0x80: {  	_ =	shalt  }
0x81: {  	_ =	shalt  }
0x82: {  	_ =	shalt  }
0x83: {  	_ =	shalt  }
0x84: {  	_ =	shalt  }
0x85: {  	_ =	shalt  }
0x86: {  	_ =	shalt  }
0x87: {  	_ =	shalt  }
.Lfunc_end0:
.L_simem_size_0:
called_computation.3_lowered:
.L_overlay_start_0:
0x88: {  	s2 =	sld [smem:$0x3FD9]  }
0x89: {  	s3 =	sld [smem:$0x3FFE];
	_ =	sdelay $0x1  }
0x8a: {  	s1 =	srdreg.scid  }
0x8b: {  	s0 =	sand.u32 $0x1, s1  }
0x8c: {  	s16 =	sshll.u32 s0, $0xA;
	s2 =	sadd.s32 s3, s2  }
0x8d: {  	s2 =	sadd.s32 s2, s16  }
0x8e: {  	[smem:$0x3FBE] =	sst s2  }
0x8f: {  	_ = 	snop  }
0x90: {  	(tm) =	ssettm $0x1  }
0x91: {  	s17 =	sld [smem:$0x3FFB];
	_ =	sdelay $0x3  }
0x92: {  	_ =	strace s17  }
0x93: {  	s2 =	sld [smem:$0x3FFC];
	_ =	sdelay $0x3  }
0x94: {  	_ =	strace s2  }
0x95: {  	s2 =	sld [smem:$0x3FFD];
	_ =	sdelay $0x3  }
0x96: {  	_ =	strace s2  }
0x97: {  	_ =	strace $0x8FFFFFFF  }
0x98: {  	s18 =	sld [smem:$0x3FDB];
	_ =	sdelay $0x1  }
0x99: {  	s19 =	simm.s32 $_scs_section_size  }
0x9a: {  	s4 =	simm.s32 $_size__tile_overlayer_lowered;
	s5 =	simm.s32 $_tile_overlayer_lowered  }
0x9b: {  	s22 =	simm.s32 $0x1BFF;
	s21 =	sshll.u32 s5, $0x1;
	s2 =	sadd.s32 s19, s18  }
0x9c: {  	s6 =	simm.s32 $0x0;
	s20 =	sshll.u32 s4, $0x1;
	s4 =	sadd.s32 s21, s2  }
0x9d: {  	[timem:s6], [sflag:s22] =	dma.local [hbm:s4], s20  }
0x9e: {  	_ =	swait.ge [sflag:s22], s20  }
0x9f: {  	s3 =	ssub.s32 $0x0, s20;
	[sflag:s22] =	ssyncset.done $0x0  }
0xa0: {  	[sflag:s22] =	ssyncadd.s32 s3;
	_ =	sdelay $0x1  }
0xa1: {  	s23 =	simm.s32 $0x1B8B  }
0xa2: {  	_ =	swait.ge [sflag:s23], $0x1  }
0xa3: {  	[sflag:s23] =	ssyncset.done $0x0  }
0xa4: {  	s25 =	simm.s32 $0x1B8E;
	s24 =	sld [smem:$0x3FFE];
	[sflag:s23] =	ssyncadd.s32 $0xFFFFFFFF  }
0xa5: {  	s26 =	simm.s32 $execute0_lowered;
	[smem:$0x3FD2] =	sst s25  }
0xa6: {  	s4 =	sshll.u32 s26, $0x1;
	_ =	strace $0x8000004F;
	[dreg:$0x1] =	wrdreg $0xFFFFFFFF  }
0xa7: {  	s28 =	simm.s32 $_size_execute0_lowered;
	s2 =	sadd.s32 s2, s4;
	[dreg:$0x0] =	wrdreg $0x0  }
0xa8: {  	s4 =	sshll.u32 s28, $0x1;
	[dreg:$0x2] =	wrdreg s2  }
0xa9: {  	[dreg:$0x3] =	wrdreg s4  }
0xaa: {  	[dreg:$0x4] =	wrdreg $0xC0  }
0xab: {  	_ =	task [dreg:s6], $0x5FFFF  }
0xac: {  	[dreg:$0x1] =	wrdreg $0xFFFFFFFF  }
0xad: {  	[dreg:$0x0] =	wrdreg $0x60  }
0xae: {  	[dreg:$0x2] =	wrdreg s24  }
0xaf: {  	[dreg:$0x3] =	wrdreg $0x82000  }
0xb0: {  	[dreg:$0x4] =	wrdreg $0x9  }
0xb1: {  	_ =	task.clear_ibuf [dreg:s6], $0x5FFFF;
	_ =	strace $0x9000004F  }
0xb2: {  	s29 =	simm.s32 $0x9;
	_ =	strace $0x80000051  }
0xb3: {  	_ =	swait.ge [sflag:s29], $0x1  }
0xb4: {  	[sflag:s29] =	ssyncadd.s32 $0xFFFFFFFF  }
0xb5: {  	_ =	strace $0x90000051  }
0xb6: {  	_ =	sfence  }
0xb7: {  	s30 =	sld [smem:$0x0];
	_ =	sdelay $0x2  }
0xb8: {  	s31 =	sshll.u32 s1, $0xD;
	s1 =	sshrl.u32 s1, $0x2  }
0xb9: {  	s3 =	sand.u32 $0x4000, s31;
	s1 =	sadd.s32 s1, s30  }
0xba: {  	s0 =	sor.u32 s3, s0;
	s1 =	sshll.u32 s1, $0x11  }
0xbb: {  	s0 =	sor.u32 s1, s0  }
0xbc: {  	s0 =	sadd.s32 $0x8F2B, s0  }
0xbd: {  	[sflag:s0] =	ssyncadd.remote.s32 $0x1  }
0xbe: {  	_ =	sfence.sel $0xFFFF  }
0xbf: {  	[dreg:$0x0] =	wrdreg $0xFFFFFFFF;
	(pc) =	sbr.abs _section_cstart, $3  }
0xc0: {  	[dreg:$0x1] =	wrdreg $0xFFFFFFFF  }
0xc1: {  	_ =	task.clear_ibuf [dreg:s6], $0x2FFFF;
	_ =	strace $0x9FFFFFFF  }
0xc2: {  	(tm) =	ssettm $0x7FFFFFFF  }
0xc3: {  	_ =	shalt  }
tec
execute0_lowered:
.L_overlay_start_1:
0x0: {  	(tag) =	ssettag $0x1  }
0x1: {  	s0 =	rddreg [dreg:$0x0]  }
0x2: {  	s1 =	rddreg [dreg:$0x1];
	s2 =	simm.s32 $0x0  }
0x3: {  	s3 =	srdreg.scid;
	s19 =	stileid.u32;
	s28 =	simm.s32 $0x200  }
0x4: {  	s29 =	simm.s32 $0x4;
	s30 =	simm.s32 $0x4200;
	s31 =	simm.s32 $0x1  }
0x5: {  	[smem:$0x7FF] =	sst s2;
	s3 =	sand.u32 $0x1, s3;
	s4 =	sadd.s32 $0x6F000, s0  }
0x6: {  	s6 =	sadd.s32 $0x5B000, s0;
	s8 =	smul.u32 $0x2800, s19;
	s10 =	sadd.s32 $0x10F000, s0  }
0x7: {  	s15 =	sadd.s32 $0x114000, s0;
	s18 =	smul.u32 $0x50000, s19;
	s20 =	sshll.u32 s19, $0x6  }
0x8: {  	_ =	strace $0x80000050;
	s5 =	sshll.u32 s3, $0x5;
	s7 =	ssub.s32 $0x2, s3  }
0x9: {  	s12 =	sshllo.u32 s3, $0x1;
	s5 =	sor.u32 s19, s5;
	s11 =	sshrl.u32 s7, $0x1  }
0xa: {  	s14 =	sshrl.u32 s8, $0x3;
	s13 =	sshll.u32 s12, $0x4;
	s9 =	smul.u32 $0x2800, s5  }
0xb: {  	s16 =	ssub.s32 s7, s11;
	s7 =	sadd.s32 s10, s14;
	s14 =	smul.u32 $0x14000, s19  }
0xc: {  	s5 =	sadd.s32 $0x8000, s0;
	s11 =	sshrl.u32 s18, $0x2;
	s18 =	smul.u32 $0x140000, s12  }
0xd: {  	s0 =	sadd.s32 $0x5B010, s0;
	s13 =	sor.u32 s19, s13;
	s19 =	smul.u32 $0x500, s19  }
0xe: {  	s11 =	sadd.s32 s11, s1;
	s13 =	smul.u32 $0x2800, s13;
	s9 =	sshrl.u32 s9, $0x3  }
0xf: {  	s16 =	smax.u32 s16, $0x1;
	[dreg:$0x5] =	wrdreg s11;
	s17 =	sadd.s32 s6, s9  }
0x10: {  	s11 =	sor.u32 $0x1C05, s20;
	s9 =	sadd.s32 s9, s0;
	[dreg:$0x3] =	wrdreg s17  }
0x11: {  	s22 =	sshrl.u32 s13, $0x3;
	[dreg:$0x4] =	wrdreg s9;
	s17 =	smul.u32 $0x280000, s3  }
0x12: {  	s9 =	sadd.s32 $0x10, s7;
	s3 =	smul.u32 $0x50000, s3;
	s23 =	sadd.s32 s6, s22  }
0x13: {  	[dreg:$0x7] =	wrdreg s23;
	s23 =	simm.s32 $0x80;
	s17 =	sadd.s32 s14, s17  }
0x14: {  	s14 =	sadd.s32 s14, s18;
	s3 =	sadd.s32 s8, s3;
	s21 =	sshrl.u32 s17, $0x3  }
0x15: {  	s18 =	sshrl.u32 s14, $0x3;
	s14 =	sadd.s32 s22, s0;
	s24 =	sor.u32 $0x100, s3  }
0x16: {  	s17 =	sadd.s32 s19, s10;
	s25 =	sor.u32 $0x180, s3;
	s8 =	sadd.s32 $0x28100, s3  }
0x17: {  	s3 =	sadd.s32 $0x28180, s3;
	s22 =	simm.s32 $0x100;
	s12 =	sadd.s32 s15, s21  }
0x18: {  	s15 =	sadd.s32 s15, s18;
	s0 =	sshrl.u32 s24, $0x3;
	s8 =	sshrl.u32 s8, $0x3  }
0x19: {  	s26 =	sshrl.u32 s3, $0x3;
	s24 =	simm.s32 $0x180;
	s3 =	simm.s32 $0x0  }
0x1a: {  	[dreg:$0x6] =	wrdreg s12;
	s18 =	sadd.s32 s0, s6;
	s0 =	sshrl.u32 s25, $0x3  }
0x1b: {  	s20 =	sadd.s32 s8, s6;
	s21 =	sadd.s32 s26, s6;
	s25 =	simm.s32 $0x5  }
0x1c: {  	s26 =	simm.s32 $0x3;
	s19 =	sadd.s32 s0, s6;
	s0 =	simm.s32 $0x2  }
.LBB2_1:
0x1d: {  	s6 =	rddreg [dreg:$0x3]  }
0x1e: {  	[tilespmem:s2], [sflag:$0x3] =	stream.linear.gather [hbm4b:s6+s2], $0x80, $0x38;
	[tilespmem:$0x1C200] =	vst v63  }
0x1f: {  	s8 =	rddreg [dreg:$0x4]  }
0x20: {  	[tilespmem:s22], [sflag:$0x3] =	stream.linear.gather [hbm4b:s7+s2], $0x80, $0x38;
	[tilespmem:$0x1C200] =	vst v63  }
0x21: {  	s10 =	rddreg [dreg:$0x5]  }
0x22: {  	[tilespmem:s23], [sflag:$0x4] =	stream.linear.gather [hbm4b:s8+s2], $0x80, $0x38;
	[tilespmem:$0x1C200] =	vst v63  }
0x23: {  	s6 =	sshrl.u32 s10, $0x3  }
0x24: {  	[tilespmem:s24], [sflag:$0x4] =	stream.linear.gather [hbm4b:s9+s2], $0x80, $0x38;
	[tilespmem:$0x1C200] =	vst v63  }
0x25: {  	[spmem:s6], [sflag:s11] =	dma.local [hbm:s5], $0x2800  }
0x26: {  	_ =	swait.ge [sflag:s25], $0x2800  }
0x27: {  	[sflag:s25] =	ssyncset.done $0x0  }
0x28: {  	[sflag:s25] =	ssyncadd.s32 $0xFFFFD800  }
0x29: {  	[bflag:$0x0] =	sbarrier.arrive $0xFFFF  }
0x2a: {  	_ =	swait.ge [sflag:s26], $0x80  }
0x2b: {  	[sflag:s26] =	ssyncset.done $0x0  }
0x2c: {  	[sflag:s26] =	ssyncadd.s32 $0xFFFFFF80  }
0x2d: {  	_ =	swait.ge [sflag:s26], $0x80  }
0x2e: {  	[sflag:s26] =	ssyncset.done $0x0  }
0x2f: {  	[sflag:s26] =	ssyncadd.s32 $0xFFFFFF80  }
0x30: {  	[tilespmem:s28], [sflag:$0x1] =	stream.indirect.gather [hbm4b:s4+s23], $0x80, s2, s23, $0xb8;
	[tilespmem:$0x1C200] =	vst v63  }
0x31: {  	_ =	swait.ge [sflag:s29], $0x80  }
0x32: {  	[sflag:s29] =	ssyncset.done $0x0  }
0x33: {  	[sflag:s29] =	ssyncadd.s32 $0xFFFFFF80  }
0x34: {  	_ =	swait.ge [sflag:s29], $0x80  }
0x35: {  	[sflag:s29] =	ssyncset.done $0x0  }
0x36: {  	[sflag:s29] =	ssyncadd.s32 $0xFFFFFF80  }
0x37: {  	[tilespmem:s30], [sflag:$0x2] =	stream.indirect.gather [hbm4b:s4+s23], $0x80, s23, s23, $0xb8;
	[tilespmem:$0x1C200] =	vst v63  }
0x38: {  	_ =	swait.ge [sflag:s31], $0x4000  }
0x39: {  	[sflag:s31] =	ssyncset.done $0x0  }
0x3a: {  	[sflag:s31] =	ssyncadd.s32 $0xFFFFC000  }
0x3b: {  	[spmem:s1] =	stream.indirect.scatter.add.f32 [tilespmem:s28], [sflag:$0x5], $0x80, s22, s23, $0xb8;
	[tilespmem:$0x1C200] =	vst v63  }
0x3c: {  	_ =	swait.ge [sflag:s25], $0x4000  }
0x3d: {  	[sflag:s25] =	ssyncset.done $0x0  }
0x3e: {  	s10 =	sadd.s32 $0x0, s17;
	s8 =	sadd.s32 $0x0, s18;
	[sflag:s25] =	ssyncadd.s32 $0xFFFFC000  }
0x3f: {  	[tilespmem:s2], [sflag:$0x3] =	stream.linear.gather [hbm4b:s8+s2], $0x80, $0x38;
	[tilespmem:$0x1C200] =	vst v63  }
0x40: {  	s12 =	sadd.s32 $0x20, s10  }
0x41: {  	[tilespmem:s22], [sflag:$0x3] =	stream.linear.gather [hbm4b:s12+s2], $0x80, $0x38;
	[tilespmem:$0x1C200] =	vst v63  }
0x42: {  	_ =	swait.ge [sflag:s0], $0x4000  }
0x43: {  	[sflag:s0] =	ssyncset.done $0x0  }
0x44: {  	[sflag:s0] =	ssyncadd.s32 $0xFFFFC000  }
0x45: {  	[spmem:s1] =	stream.indirect.scatter.add.f32 [tilespmem:s30], [sflag:$0x5], $0x80, s24, s23, $0xb8;
	[tilespmem:$0x1C200] =	vst v63  }
0x46: {  	_ =	swait.ge [sflag:s25], $0x4000  }
0x47: {  	[sflag:s25] =	ssyncset.done $0x0  }
0x48: {  	[sflag:s25] =	ssyncadd.s32 $0xFFFFC000  }
0x49: {  	_ =	swait.ge [sflag:s26], $0x80  }
0x4a: {  	[sflag:s26] =	ssyncset.done $0x0  }
0x4b: {  	[sflag:s26] =	ssyncadd.s32 $0xFFFFFF80  }
0x4c: {  	_ =	swait.ge [sflag:s26], $0x80  }
0x4d: {  	[sflag:s26] =	ssyncset.done $0x0  }
0x4e: {  	[sflag:s26] =	ssyncadd.s32 $0xFFFFFF80  }
0x4f: {  	[tilespmem:s28], [sflag:$0x1] =	stream.indirect.gather [hbm4b:s4+s23], $0x80, s2, s23, $0xb8;
	[tilespmem:$0x1C200] =	vst v63  }
0x50: {  	s13 =	sadd.s32 $0x0, s19;
	s10 =	sadd.s32 $0x30, s10;
	s8 =	simm.s32 $0x20  }
0x51: {  	[tilespmem:s23], [sflag:$0x4] =	stream.linear.gather [hbm4b:s13+s2], $0x80, $0x38;
	[tilespmem:$0x1C200] =	vst v63  }
.LBB2_2:
0x52: {  	[tilespmem:s24], [sflag:$0x4] =	stream.linear.gather [hbm4b:s10+s2], $0x80, $0x38;
	[tilespmem:$0x1C200] =	vst v63  }
0x53: {  	s10 =	smov.u32 s8  }
0x54: {  	p0 =	sne.s32 s8, $0x4C0;
	s8 =	sadd.s32 $0x20, s8;
	_ =	swait.ge [sflag:s29], $0x80  }
0x55: {  	[sflag:s29] =	ssyncset.done $0x0  }
0x56: {  	[sflag:s29] =	ssyncadd.s32 $0xFFFFFF80  }
0x57: {  	_ =	swait.ge [sflag:s29], $0x80  }
0x58: {  	[sflag:s29] =	ssyncset.done $0x0  }
0x59: {  	[sflag:s29] =	ssyncadd.s32 $0xFFFFFF80  }
0x5a: {  	[tilespmem:s30], [sflag:$0x2] =	stream.indirect.gather [hbm4b:s4+s23], $0x80, s23, s23, $0xb8;
	[tilespmem:$0x1C200] =	vst v63  }
0x5b: {  	_ =	swait.ge [sflag:s31], $0x4000  }
0x5c: {  	[sflag:s31] =	ssyncset.done $0x0  }
0x5d: {  	[sflag:s31] =	ssyncadd.s32 $0xFFFFC000  }
0x5e: {  	[spmem:s1] =	stream.indirect.scatter.add.f32 [tilespmem:s28], [sflag:$0x5], $0x80, s22, s23, $0xb8;
	[tilespmem:$0x1C200] =	vst v63  }
0x5f: {  	_ =	swait.ge [sflag:s25], $0x4000  }
0x60: {  	[sflag:s25] =	ssyncset.done $0x0  }
0x61: {  	s12 =	sadd.s32 s10, s18;
	s13 =	sadd.s32 s10, s17;
	[sflag:s25] =	ssyncadd.s32 $0xFFFFC000  }
0x62: {  	[tilespmem:s2], [sflag:$0x3] =	stream.linear.gather [hbm4b:s12+s2], $0x80, $0x38;
	[tilespmem:$0x1C200] =	vst v63  }
0x63: {  	s12 =	sadd.s32 $0x20, s13  }
0x64: {  	[tilespmem:s22], [sflag:$0x3] =	stream.linear.gather [hbm4b:s12+s2], $0x80, $0x38;
	[tilespmem:$0x1C200] =	vst v63  }
0x65: {  	_ =	swait.ge [sflag:s0], $0x4000  }
0x66: {  	[sflag:s0] =	ssyncset.done $0x0  }
0x67: {  	[sflag:s0] =	ssyncadd.s32 $0xFFFFC000  }
0x68: {  	[spmem:s1] =	stream.indirect.scatter.add.f32 [tilespmem:s30], [sflag:$0x5], $0x80, s24, s23, $0xb8;
	[tilespmem:$0x1C200] =	vst v63  }
0x69: {  	_ =	swait.ge [sflag:s25], $0x4000  }
0x6a: {  	[sflag:s25] =	ssyncset.done $0x0  }
0x6b: {  	[sflag:s25] =	ssyncadd.s32 $0xFFFFC000  }
0x6c: {  	_ =	swait.ge [sflag:s26], $0x80  }
0x6d: {  	[sflag:s26] =	ssyncset.done $0x0  }
0x6e: {  	[sflag:s26] =	ssyncadd.s32 $0xFFFFFF80  }
0x6f: {  	_ =	swait.ge [sflag:s26], $0x80  }
0x70: {  	[sflag:s26] =	ssyncset.done $0x0  }
.Ltmp0:
0x71: {  	[sflag:s26] =	ssyncadd.s32 $0xFFFFFF80;
	(pc) =	sbr.rel @p0 .LBB2_2-.Ltmp0, $4  }
0x72: {  	[tilespmem:s28], [sflag:$0x1] =	stream.indirect.gather [hbm4b:s4+s23], $0x80, s2, s23, $0xb8;
	[tilespmem:$0x1C200] =	vst v63  }
0x73: {  	s10 =	sadd.s32 s10, s19  }
0x74: {  	[tilespmem:s23], [sflag:$0x4] =	stream.linear.gather [hbm4b:s10+s2], $0x80, $0x38;
	[tilespmem:$0x1C200] =	vst v63  }
0x75: {  	s10 =	sadd.s32 $0x30, s13  }
0x76: {  	[tilespmem:s24], [sflag:$0x4] =	stream.linear.gather [hbm4b:s10+s2], $0x80, $0x38;
	[tilespmem:$0x1C200] =	vst v63  }
0x77: {  	_ =	swait.ge [sflag:s29], $0x80  }
0x78: {  	[sflag:s29] =	ssyncset.done $0x0  }
0x79: {  	[sflag:s29] =	ssyncadd.s32 $0xFFFFFF80  }
0x7a: {  	_ =	swait.ge [sflag:s29], $0x80  }
0x7b: {  	[sflag:s29] =	ssyncset.done $0x0  }
0x7c: {  	[sflag:s29] =	ssyncadd.s32 $0xFFFFFF80  }
0x7d: {  	[tilespmem:s30], [sflag:$0x2] =	stream.indirect.gather [hbm4b:s4+s23], $0x80, s23, s23, $0xb8;
	[tilespmem:$0x1C200] =	vst v63  }
0x7e: {  	_ =	swait.ge [sflag:s31], $0x4000  }
0x7f: {  	[sflag:s31] =	ssyncset.done $0x0  }
0x80: {  	[sflag:s31] =	ssyncadd.s32 $0xFFFFC000  }
0x81: {  	[spmem:s1] =	stream.indirect.scatter.add.f32 [tilespmem:s28], [sflag:$0x5], $0x80, s22, s23, $0xb8;
	[tilespmem:$0x1C200] =	vst v63  }
0x82: {  	_ =	swait.ge [sflag:s25], $0x4000  }
0x83: {  	[sflag:s25] =	ssyncset.done $0x0  }
0x84: {  	[sflag:s25] =	ssyncadd.s32 $0xFFFFC000  }
0x85: {  	_ =	swait.ge [sflag:s0], $0x4000  }
0x86: {  	[sflag:s0] =	ssyncset.done $0x0  }
0x87: {  	[sflag:s0] =	ssyncadd.s32 $0xFFFFC000  }
0x88: {  	[spmem:s1] =	stream.indirect.scatter.add.f32 [tilespmem:s30], [sflag:$0x5], $0x80, s24, s23, $0xb8;
	[tilespmem:$0x1C200] =	vst v63  }
0x89: {  	_ =	swait.ge [sflag:s25], $0x4000  }
0x8a: {  	[sflag:s25] =	ssyncset.done $0x0  }
0x8b: {  	[sflag:s25] =	ssyncadd.s32 $0xFFFFC000  }
0x8c: {  	[bflag:$0x0] =	sbarrier.arrive $0xFFFF  }
0x8d: {  	s8 =	rddreg [dreg:$0x6]  }
0x8e: {  	[hbm:s8], [sflag:s11] =	dma.local [spmem:s6], $0x2800  }
0x8f: {  	_ =	swait.ge [sflag:s25], $0x2800  }
0x90: {  	[sflag:s25] =	ssyncset.done $0x0  }
0x91: {  	s13 =	simm.s32 $0x0;
	s12 =	rddreg [dreg:$0x7];
	[sflag:s25] =	ssyncadd.s32 $0xFFFFD800  }
0x92: {  	[tilespmem:s13], [sflag:$0x3] =	stream.linear.gather [hbm4b:s12+s13], $0x80, $0x38;
	[tilespmem:$0x1C200] =	vst v63  }
0x93: {  	_ = 	snop  }
0x94: {  	[tilespmem:s22], [sflag:$0x3] =	stream.linear.gather [hbm4b:s7+s13], $0x80, $0x38;
	[tilespmem:$0x1C200] =	vst v63  }
0x95: {  	_ = 	snop  }
0x96: {  	[tilespmem:s23], [sflag:$0x4] =	stream.linear.gather [hbm4b:s14+s13], $0x80, $0x38;
	[tilespmem:$0x1C200] =	vst v63  }
0x97: {  	_ = 	snop  }
0x98: {  	[tilespmem:s24], [sflag:$0x4] =	stream.linear.gather [hbm4b:s9+s13], $0x80, $0x38;
	[tilespmem:$0x1C200] =	vst v63  }
0x99: {  	[spmem:s6], [sflag:s11] =	dma.local [hbm:s5], $0x2800  }
0x9a: {  	_ =	swait.ge [sflag:s25], $0x2800  }
0x9b: {  	[sflag:s25] =	ssyncset.done $0x0  }
0x9c: {  	[sflag:s25] =	ssyncadd.s32 $0xFFFFD800  }
0x9d: {  	[bflag:$0x0] =	sbarrier.arrive $0xFFFF  }
0x9e: {  	_ =	swait.ge [sflag:s26], $0x80  }
0x9f: {  	[sflag:s26] =	ssyncset.done $0x0  }
0xa0: {  	[sflag:s26] =	ssyncadd.s32 $0xFFFFFF80  }
0xa1: {  	_ =	swait.ge [sflag:s26], $0x80  }
0xa2: {  	[sflag:s26] =	ssyncset.done $0x0  }
0xa3: {  	[sflag:s26] =	ssyncadd.s32 $0xFFFFFF80  }
0xa4: {  	[tilespmem:s28], [sflag:$0x1] =	stream.indirect.gather [hbm4b:s4+s23], $0x80, s13, s23, $0xb8;
	[tilespmem:$0x1C200] =	vst v63  }
0xa5: {  	_ =	swait.ge [sflag:s29], $0x80  }
0xa6: {  	[sflag:s29] =	ssyncset.done $0x0  }
0xa7: {  	[sflag:s29] =	ssyncadd.s32 $0xFFFFFF80  }
0xa8: {  	_ =	swait.ge [sflag:s29], $0x80  }
0xa9: {  	[sflag:s29] =	ssyncset.done $0x0  }
0xaa: {  	[sflag:s29] =	ssyncadd.s32 $0xFFFFFF80  }
0xab: {  	[tilespmem:s30], [sflag:$0x2] =	stream.indirect.gather [hbm4b:s4+s23], $0x80, s23, s23, $0xb8;
	[tilespmem:$0x1C200] =	vst v63  }
0xac: {  	_ =	swait.ge [sflag:s31], $0x4000  }
0xad: {  	[sflag:s31] =	ssyncset.done $0x0  }
0xae: {  	[sflag:s31] =	ssyncadd.s32 $0xFFFFC000  }
0xaf: {  	[spmem:s1] =	stream.indirect.scatter.add.f32 [tilespmem:s28], [sflag:$0x5], $0x80, s22, s23, $0xb8;
	[tilespmem:$0x1C200] =	vst v63  }
0xb0: {  	_ =	swait.ge [sflag:s25], $0x4000  }
0xb1: {  	[sflag:s25] =	ssyncset.done $0x0  }
0xb2: {  	s10 =	sadd.s32 $0x0, s17;
	s13 =	sadd.s32 $0x0, s20;
	[sflag:s25] =	ssyncadd.s32 $0xFFFFC000  }
0xb3: {  	[tilespmem:s2], [sflag:$0x3] =	stream.linear.gather [hbm4b:s13+s2], $0x80, $0x38;
	[tilespmem:$0x1C200] =	vst v63  }
0xb4: {  	s12 =	sadd.s32 $0x20, s10  }
0xb5: {  	[tilespmem:s22], [sflag:$0x3] =	stream.linear.gather [hbm4b:s12+s2], $0x80, $0x38;
	[tilespmem:$0x1C200] =	vst v63  }
0xb6: {  	_ =	swait.ge [sflag:s0], $0x4000  }
0xb7: {  	[sflag:s0] =	ssyncset.done $0x0  }
0xb8: {  	[sflag:s0] =	ssyncadd.s32 $0xFFFFC000  }
0xb9: {  	[spmem:s1] =	stream.indirect.scatter.add.f32 [tilespmem:s30], [sflag:$0x5], $0x80, s24, s23, $0xb8;
	[tilespmem:$0x1C200] =	vst v63  }
0xba: {  	_ =	swait.ge [sflag:s25], $0x4000  }
0xbb: {  	[sflag:s25] =	ssyncset.done $0x0  }
0xbc: {  	[sflag:s25] =	ssyncadd.s32 $0xFFFFC000  }
0xbd: {  	_ =	swait.ge [sflag:s26], $0x80  }
0xbe: {  	[sflag:s26] =	ssyncset.done $0x0  }
0xbf: {  	[sflag:s26] =	ssyncadd.s32 $0xFFFFFF80  }
0xc0: {  	_ =	swait.ge [sflag:s26], $0x80  }
0xc1: {  	[sflag:s26] =	ssyncset.done $0x0  }
0xc2: {  	[sflag:s26] =	ssyncadd.s32 $0xFFFFFF80  }
0xc3: {  	[tilespmem:s28], [sflag:$0x1] =	stream.indirect.gather [hbm4b:s4+s23], $0x80, s2, s23, $0xb8;
	[tilespmem:$0x1C200] =	vst v63  }
0xc4: {  	s8 =	simm.s32 $0x20;
	s10 =	sadd.s32 $0x30, s10;
	s13 =	sadd.s32 $0x0, s21  }
0xc5: {  	[tilespmem:s23], [sflag:$0x4] =	stream.linear.gather [hbm4b:s13+s2], $0x80, $0x38;
	[tilespmem:$0x1C200] =	vst v63  }
.LBB2_4:
0xc6: {  	[tilespmem:s24], [sflag:$0x4] =	stream.linear.gather [hbm4b:s10+s2], $0x80, $0x38;
	[tilespmem:$0x1C200] =	vst v63  }
0xc7: {  	s10 =	smov.u32 s8  }
0xc8: {  	p0 =	sne.s32 s8, $0x4C0;
	s8 =	sadd.s32 $0x20, s8;
	_ =	swait.ge [sflag:s29], $0x80  }
0xc9: {  	[sflag:s29] =	ssyncset.done $0x0  }
0xca: {  	[sflag:s29] =	ssyncadd.s32 $0xFFFFFF80  }
0xcb: {  	_ =	swait.ge [sflag:s29], $0x80  }
0xcc: {  	[sflag:s29] =	ssyncset.done $0x0  }
0xcd: {  	[sflag:s29] =	ssyncadd.s32 $0xFFFFFF80  }
0xce: {  	[tilespmem:s30], [sflag:$0x2] =	stream.indirect.gather [hbm4b:s4+s23], $0x80, s23, s23, $0xb8;
	[tilespmem:$0x1C200] =	vst v63  }
0xcf: {  	_ =	swait.ge [sflag:s31], $0x4000  }
0xd0: {  	[sflag:s31] =	ssyncset.done $0x0  }
0xd1: {  	[sflag:s31] =	ssyncadd.s32 $0xFFFFC000  }
0xd2: {  	[spmem:s1] =	stream.indirect.scatter.add.f32 [tilespmem:s28], [sflag:$0x5], $0x80, s22, s23, $0xb8;
	[tilespmem:$0x1C200] =	vst v63  }
0xd3: {  	_ =	swait.ge [sflag:s25], $0x4000  }
0xd4: {  	[sflag:s25] =	ssyncset.done $0x0  }
0xd5: {  	s12 =	sadd.s32 s10, s20;
	s13 =	sadd.s32 s10, s17;
	[sflag:s25] =	ssyncadd.s32 $0xFFFFC000  }
0xd6: {  	[tilespmem:s2], [sflag:$0x3] =	stream.linear.gather [hbm4b:s12+s2], $0x80, $0x38;
	[tilespmem:$0x1C200] =	vst v63  }
0xd7: {  	s12 =	sadd.s32 $0x20, s13  }
0xd8: {  	[tilespmem:s22], [sflag:$0x3] =	stream.linear.gather [hbm4b:s12+s2], $0x80, $0x38;
	[tilespmem:$0x1C200] =	vst v63  }
0xd9: {  	_ =	swait.ge [sflag:s0], $0x4000  }
0xda: {  	[sflag:s0] =	ssyncset.done $0x0  }
0xdb: {  	[sflag:s0] =	ssyncadd.s32 $0xFFFFC000  }
0xdc: {  	[spmem:s1] =	stream.indirect.scatter.add.f32 [tilespmem:s30], [sflag:$0x5], $0x80, s24, s23, $0xb8;
	[tilespmem:$0x1C200] =	vst v63  }
0xdd: {  	_ =	swait.ge [sflag:s25], $0x4000  }
0xde: {  	[sflag:s25] =	ssyncset.done $0x0  }
0xdf: {  	[sflag:s25] =	ssyncadd.s32 $0xFFFFC000  }
0xe0: {  	_ =	swait.ge [sflag:s26], $0x80  }
0xe1: {  	[sflag:s26] =	ssyncset.done $0x0  }
0xe2: {  	[sflag:s26] =	ssyncadd.s32 $0xFFFFFF80  }
0xe3: {  	_ =	swait.ge [sflag:s26], $0x80  }
0xe4: {  	[sflag:s26] =	ssyncset.done $0x0  }
.Ltmp1:
0xe5: {  	[sflag:s26] =	ssyncadd.s32 $0xFFFFFF80;
	(pc) =	sbr.rel @p0 .LBB2_4-.Ltmp1, $4  }
0xe6: {  	[tilespmem:s28], [sflag:$0x1] =	stream.indirect.gather [hbm4b:s4+s23], $0x80, s2, s23, $0xb8;
	[tilespmem:$0x1C200] =	vst v63  }
0xe7: {  	s10 =	sadd.s32 s10, s21  }
0xe8: {  	[tilespmem:s23], [sflag:$0x4] =	stream.linear.gather [hbm4b:s10+s2], $0x80, $0x38;
	[tilespmem:$0x1C200] =	vst v63  }
0xe9: {  	s10 =	sadd.s32 $0x30, s13  }
0xea: {  	[tilespmem:s24], [sflag:$0x4] =	stream.linear.gather [hbm4b:s10+s2], $0x80, $0x38;
	[tilespmem:$0x1C200] =	vst v63  }
0xeb: {  	_ =	swait.ge [sflag:s29], $0x80  }
0xec: {  	[sflag:s29] =	ssyncset.done $0x0  }
0xed: {  	[sflag:s29] =	ssyncadd.s32 $0xFFFFFF80  }
0xee: {  	_ =	swait.ge [sflag:s29], $0x80  }
0xef: {  	[sflag:s29] =	ssyncset.done $0x0  }
0xf0: {  	[sflag:s29] =	ssyncadd.s32 $0xFFFFFF80  }
0xf1: {  	[tilespmem:s30], [sflag:$0x2] =	stream.indirect.gather [hbm4b:s4+s23], $0x80, s23, s23, $0xb8;
	[tilespmem:$0x1C200] =	vst v63  }
0xf2: {  	_ =	swait.ge [sflag:s31], $0x4000  }
0xf3: {  	[sflag:s31] =	ssyncset.done $0x0  }
0xf4: {  	[sflag:s31] =	ssyncadd.s32 $0xFFFFC000  }
0xf5: {  	[spmem:s1] =	stream.indirect.scatter.add.f32 [tilespmem:s28], [sflag:$0x5], $0x80, s22, s23, $0xb8;
	[tilespmem:$0x1C200] =	vst v63  }
0xf6: {  	_ =	swait.ge [sflag:s25], $0x4000  }
0xf7: {  	[sflag:s25] =	ssyncset.done $0x0  }
0xf8: {  	[sflag:s25] =	ssyncadd.s32 $0xFFFFC000  }
0xf9: {  	_ =	swait.ge [sflag:s0], $0x4000  }
0xfa: {  	[sflag:s0] =	ssyncset.done $0x0  }
0xfb: {  	[sflag:s0] =	ssyncadd.s32 $0xFFFFC000  }
0xfc: {  	[spmem:s1] =	stream.indirect.scatter.add.f32 [tilespmem:s30], [sflag:$0x5], $0x80, s24, s23, $0xb8;
	[tilespmem:$0x1C200] =	vst v63  }
0xfd: {  	_ =	swait.ge [sflag:s25], $0x4000  }
0xfe: {  	s3 =	sadd.s32 $0x1, s3;
	[sflag:s25] =	ssyncset.done $0x0  }
0xff: {  	p0 =	sne.s32 s3, s16;
	[sflag:s25] =	ssyncadd.s32 $0xFFFFC000  }
.Ltmp2:
0x100: {  	[bflag:$0x0] =	sbarrier.arrive $0xFFFF;
	(pc) =	sbr.rel @p0 .LBB2_1-.Ltmp2, $4  }
0x101: {  	[hbm:s15], [sflag:s11] =	dma.local [spmem:s6], $0x2800  }
0x102: {  	_ =	swait.ge [sflag:s25], $0x2800  }
0x103: {  	[sflag:s25] =	ssyncset.done $0x0  }
0x104: {  	[sflag:s25] =	ssyncadd.s32 $0xFFFFD800  }
0x105: {  	_ =	sfence.sel $0x180000  }
0x106: {  	[bflag:$0x0] =	sbarrier.arrive $0xFFFF  }
0x107: {  	_ =	strace $0x90000050  }
0x108: {  	s0 =	stileid.u32;
	[bflag:$0x2] =	sbarrier.arrive $0xFFFF  }
0x109: {  	p0 =	sne.s32 s0, $0x0;
	s0 =	rddreg [dreg:$0x2]  }
0x10a: {  	s0 =	sadd.s32 @!p0 $0x100000, s0  }
0x10b: {  	[sflag:s0] =	ssyncadd.tile.s32 @!p0 $0x1;
	_ =	shalt  }
.Lfunc_end2:
_tile_overlayer_lowered:
.L_overlay_start_2:
0x10c: {  	(tag) =	ssettag $0x2  }
0x10d: {  	s0 =	rddreg [dreg:$0x0];
	s2 =	stileid.u32  }
0x10e: {  	s1 =	rddreg [dreg:$0x1];
	p0 =	sne.s32 s2, $0x0  }
0x10f: {  	s3 =	rddreg [dreg:$0x2];
	[bflag:$0x3] =	sbarrier.arrive $0xFFFF;
	s2 =	simm.s32 @!p0 $0x1C05  }
0x110: {  	[timem:s3], [sflag:s2] =	dma.local @!p0 [hbm:s0], s1  }
0x111: {  	s0 =	simm.s32 @!p0 $0x5  }
0x112: {  	_ =	swait.ge @!p0 [sflag:s0], s1  }
0x113: {  	s1 =	ssub.s32 @!p0 $0x0, s1;
	[sflag:s0] =	ssyncset.done @!p0 $0x0  }
0x114: {  	[sflag:s0] =	ssyncadd.s32 @!p0 s1  }
0x115: {  	[bflag:$0x3] =	sbarrier.arrive $0xFFFF  }
0x116: {  	_ =	shalt  }

</sc_bundles>
